<compile_context>
chip_gen: v7x
topology: tpu7x:2x2x1
jax: 0.10.2.dev20260603
libtpu: 0.0.44.dev20260713+nightly
codegen_flags: <defaults>
</compile_context>

<pallas_src>
import functools

import jax
import jax.numpy as jnp
from jax import lax
from jax.experimental import pallas as pl
from jax.experimental.pallas import tpu as pltpu
from jax.experimental.pallas import tpu_sc as plsc

N_ENTITIES = 100000
N_RELATIONS = 1000
DIM = 64
BATCH = 16384

_INFO = plsc.get_sparse_core_info()
_NC = _INFO.num_cores
_NS = _INFO.num_subcores
_NW = _NC * _NS
_BPW = BATCH // _NW
_L = 16


def _lane_shuffle(x, idx):
    return lax.gather(
        x, idx[:, None],
        dimension_numbers=lax.GatherDimensionNumbers(
            offset_dims=(), collapsed_slice_dims=(0,), start_index_map=(0,)),
        slice_sizes=(1,), mode=lax.GatherScatterMode.PROMISE_IN_BOUNDS)


def _newton_sqrt(v):
    bits = lax.bitcast_convert_type(v, jnp.int32)
    y = lax.bitcast_convert_type(
        jnp.int32(0x5F3759DF) - lax.shift_right_logical(bits, 1), jnp.float32)
    for _ in range(3):
        y = y * (1.5 - 0.5 * v * y * y)
    return v * y


@functools.partial(
    pl.kernel,
    mesh=plsc.VectorSubcoreMesh(core_axis_name="c", subcore_axis_name="s"),
    out_type=jax.ShapeDtypeStruct((BATCH,), jnp.float32),
    compiler_params=pltpu.CompilerParams(use_tc_tiling_on_sc=False),
    scratch_types=[
        pltpu.VMEM((_BPW,), jnp.int32),
        pltpu.VMEM((_BPW,), jnp.int32),
        pltpu.VMEM((_BPW,), jnp.int32),
        pltpu.VMEM((_BPW, DIM), jnp.float32),
        pltpu.VMEM((_BPW, DIM), jnp.float32),
        pltpu.VMEM((_BPW, DIM), jnp.float32),
        pltpu.VMEM((_BPW,), jnp.float32),
        pltpu.SemaphoreType.DMA,
    ],
)
def _transe_sc(heads_hbm, rels_hbm, tails_hbm, ent_hbm, rel_hbm, out_hbm,
               hidx, ridx, tidx, hrows, rrows, trows, outv, sem):
    wid = lax.axis_index("s") * _NC + lax.axis_index("c")
    base = wid * _BPW

    pltpu.sync_copy(heads_hbm.at[pl.ds(base, _BPW)], hidx)
    pltpu.sync_copy(rels_hbm.at[pl.ds(base, _BPW)], ridx)
    pltpu.sync_copy(tails_hbm.at[pl.ds(base, _BPW)], tidx)

    ch = pltpu.async_copy(ent_hbm.at[hidx], hrows, sem)
    cr = pltpu.async_copy(rel_hbm.at[ridx], rrows, sem)
    ct = pltpu.async_copy(ent_hbm.at[tidx], trows, sem)
    ch.wait()
    cr.wait()
    ct.wait()

    lane = lax.iota(jnp.int32, _L)

    def blk_body(b, _):
        res = jnp.zeros((_L,), jnp.float32)
        for k in range(_L):
            i = b * _L + k
            acc = jnp.zeros((_L,), jnp.float32)
            for j in range(DIM // _L):
                d = (hrows[i, pl.ds(j * _L, _L)]
                     + rrows[i, pl.ds(j * _L, _L)]
                     - trows[i, pl.ds(j * _L, _L)])
                acc = acc + d * d
            for shift in (8, 4, 2, 1):
                acc = acc + _lane_shuffle(acc, lane ^ shift)
            res = jnp.where(lane == k, acc, res)
        outv[pl.ds(b * _L, _L)] = _newton_sqrt(res)
        return 0

    lax.fori_loop(0, _BPW // _L, blk_body, 0)

    pltpu.sync_copy(outv, out_hbm.at[pl.ds(base, _BPW)])


def kernel(heads, relations, tails, entity_emb, relation_emb):
    return _transe_sc(heads.astype(jnp.int32), relations.astype(jnp.int32),
                      tails.astype(jnp.int32), entity_emb, relation_emb)

# --- scband reference (transcript-rebuilt; emitter-appended) ---
"""Pipeline reference for scband-inference-embedder-26972394618965 (READ-ONLY COPY).

The authoritative reference and input builder live on the scoring server;
editing this copy changes nothing except your own understanding.
"""

import jax, jax.numpy as jnp
import numpy as np

N_ENTITIES = 100000
N_RELATIONS = 1000
DIM = 64
BATCH = 16384

def _xavier_uniform(key, shape):
    fan_in, fan_out = shape[0], shape[1]
    a = np.sqrt(6.0 / (fan_in + fan_out))
    return jax.random.uniform(key, shape, dtype=jnp.float32, minval=-a, maxval=a)

def setup_inputs(seed: int = 0) -> dict:
    key = jax.random.key(seed)
    k1, k2, k3, k4, k5 = jax.random.split(key, 5)
    heads = jax.random.randint(k1, (BATCH,), 0, N_ENTITIES, dtype=jnp.int64 if jax.config.jax_enable_x64 else jnp.int32)
    relations = jax.random.randint(k2, (BATCH,), 0, N_RELATIONS, dtype=jnp.int64 if jax.config.jax_enable_x64 else jnp.int32)
    tails = jax.random.randint(k3, (BATCH,), 0, N_ENTITIES, dtype=jnp.int64 if jax.config.jax_enable_x64 else jnp.int32)
    entity_emb = _xavier_uniform(k4, (N_ENTITIES, DIM))
    relation_emb = _xavier_uniform(k5, (N_RELATIONS, DIM))
    return {"heads": heads, "relations": relations, "tails": tails,
            "entity_emb": entity_emb, "relation_emb": relation_emb}

def reference(heads, relations, tails, entity_emb, relation_emb):
    h_emb = jnp.take(entity_emb, heads, axis=0)
    r_emb = jnp.take(relation_emb, relations, axis=0)
    t_emb = jnp.take(entity_emb, tails, axis=0)
    diff = h_emb + r_emb - t_emb
    return jnp.sqrt(jnp.sum(diff * diff, axis=1))

if __name__ == "__main__":
    import jax
    _d = setup_inputs()
    print(jax.jit(kernel)(*tuple(_d.values())))

</pallas_src>

<mosaic_0001>
#map = affine_map<(d0, d1) -> (0)>
#map1 = affine_map<(d0, d1) -> (0, 0)>
module attributes {stable_mosaic.version = 14 : i64} {
  func.func @_transe_sc(%arg0: i32, %arg1: i32, %arg2: memref<16384xi32, #tpu.memory_space<hbm>>, %arg3: memref<16384xi32, #tpu.memory_space<hbm>>, %arg4: memref<16384xi32, #tpu.memory_space<hbm>>, %arg5: memref<100000x64xf32, #tpu.memory_space<hbm>>, %arg6: memref<1000x64xf32, #tpu.memory_space<hbm>>, %arg7: memref<16384xf32, #tpu.memory_space<hbm>>, %arg8: memref<512xi32, #tpu.memory_space<vmem>>, %arg9: memref<512xi32, #tpu.memory_space<vmem>>, %arg10: memref<512xi32, #tpu.memory_space<vmem>>, %arg11: memref<512x64xf32, #tpu.memory_space<vmem>>, %arg12: memref<512x64xf32, #tpu.memory_space<vmem>>, %arg13: memref<512x64xf32, #tpu.memory_space<vmem>>, %arg14: memref<512xf32, #tpu.memory_space<vmem>>, %arg15: memref<!tpu.dma_semaphore, #tpu.memory_space<semaphore_mem>>) attributes {dimension_semantics = [#tpu.dimension_semantics<core_parallel>, #tpu.dimension_semantics<subcore_parallel>], iteration_bounds = array<i64: 2, 16>, scalar_prefetch = 0 : i64, scratch_operands = 8 : i64, tpu.core_type = #tpu.core_type<sc_vector_subcore>, window_params = [{transform_indices = #map}, {transform_indices = #map}, {transform_indices = #map}, {transform_indices = #map1}, {transform_indices = #map1}, {transform_indices = #map}]} {
    %mul3A = arith.constant 2 : i32
    %mul3A_0 = arith.muli %arg1, %mul3A : i32
    %add3A = arith.addi %mul3A_0, %arg0 : i32
    %mul3A_1 = arith.constant 512 : i32
    %mul3A_2 = arith.muli %add3A, %mul3A_1 : i32
    "tpu.region"() ({
      %run_scoped3A = tpu.sem_alloc : memref<!tpu.dma_semaphore, #tpu.memory_space<semaphore_mem>>
      %dma_start3A_25 = tpu.memref_slice %arg2[%mul3A_2] : memref<16384xi32, #tpu.memory_space<hbm>> -> memref<512xi32, #tpu.memory_space<hbm>>
      %dma_start3A_26 = tpu.memref_slice %arg2[%mul3A_2] : memref<16384xi32, #tpu.memory_space<hbm>> -> memref<512xi32, #tpu.memory_space<hbm>>
      tpu.enqueue_dma source(%dma_start3A_26 : memref<512xi32, #tpu.memory_space<hbm>>) target(%arg8 : memref<512xi32, #tpu.memory_space<vmem>>) target_semaphore(%run_scoped3A : memref<!tpu.dma_semaphore, #tpu.memory_space<semaphore_mem>>)
      %dma_wait3A_27 = tpu.memref_slice %arg2[%mul3A_2] : memref<16384xi32, #tpu.memory_space<hbm>> -> memref<512xi32, #tpu.memory_space<hbm>>
      %dma_wait3A_28 = tpu.memref_slice %arg2[%mul3A_2] : memref<16384xi32, #tpu.memory_space<hbm>> -> memref<512xi32, #tpu.memory_space<hbm>>
      tpu.wait_dma2 semaphore(%run_scoped3A : memref<!tpu.dma_semaphore, #tpu.memory_space<semaphore_mem>>) src(%dma_wait3A_28 : memref<512xi32, #tpu.memory_space<hbm>>) dst(%arg8 : memref<512xi32, #tpu.memory_space<vmem>>)
      tpu.yield
    }) : () -> ()
    "tpu.region"() ({
      %run_scoped3A = tpu.sem_alloc : memref<!tpu.dma_semaphore, #tpu.memory_space<semaphore_mem>>
      %dma_start3A_25 = tpu.memref_slice %arg3[%mul3A_2] : memref<16384xi32, #tpu.memory_space<hbm>> -> memref<512xi32, #tpu.memory_space<hbm>>
      %dma_start3A_26 = tpu.memref_slice %arg3[%mul3A_2] : memref<16384xi32, #tpu.memory_space<hbm>> -> memref<512xi32, #tpu.memory_space<hbm>>
      tpu.enqueue_dma source(%dma_start3A_26 : memref<512xi32, #tpu.memory_space<hbm>>) target(%arg9 : memref<512xi32, #tpu.memory_space<vmem>>) target_semaphore(%run_scoped3A : memref<!tpu.dma_semaphore, #tpu.memory_space<semaphore_mem>>)
      %dma_wait3A_27 = tpu.memref_slice %arg3[%mul3A_2] : memref<16384xi32, #tpu.memory_space<hbm>> -> memref<512xi32, #tpu.memory_space<hbm>>
      %dma_wait3A_28 = tpu.memref_slice %arg3[%mul3A_2] : memref<16384xi32, #tpu.memory_space<hbm>> -> memref<512xi32, #tpu.memory_space<hbm>>
      tpu.wait_dma2 semaphore(%run_scoped3A : memref<!tpu.dma_semaphore, #tpu.memory_space<semaphore_mem>>) src(%dma_wait3A_28 : memref<512xi32, #tpu.memory_space<hbm>>) dst(%arg9 : memref<512xi32, #tpu.memory_space<vmem>>)
      tpu.yield
    }) : () -> ()
    "tpu.region"() ({
      %run_scoped3A = tpu.sem_alloc : memref<!tpu.dma_semaphore, #tpu.memory_space<semaphore_mem>>
      %dma_start3A_25 = tpu.memref_slice %arg4[%mul3A_2] : memref<16384xi32, #tpu.memory_space<hbm>> -> memref<512xi32, #tpu.memory_space<hbm>>
      %dma_start3A_26 = tpu.memref_slice %arg4[%mul3A_2] : memref<16384xi32, #tpu.memory_space<hbm>> -> memref<512xi32, #tpu.memory_space<hbm>>
      tpu.enqueue_dma source(%dma_start3A_26 : memref<512xi32, #tpu.memory_space<hbm>>) target(%arg10 : memref<512xi32, #tpu.memory_space<vmem>>) target_semaphore(%run_scoped3A : memref<!tpu.dma_semaphore, #tpu.memory_space<semaphore_mem>>)
      %dma_wait3A_27 = tpu.memref_slice %arg4[%mul3A_2] : memref<16384xi32, #tpu.memory_space<hbm>> -> memref<512xi32, #tpu.memory_space<hbm>>
      %dma_wait3A_28 = tpu.memref_slice %arg4[%mul3A_2] : memref<16384xi32, #tpu.memory_space<hbm>> -> memref<512xi32, #tpu.memory_space<hbm>>
      tpu.wait_dma2 semaphore(%run_scoped3A : memref<!tpu.dma_semaphore, #tpu.memory_space<semaphore_mem>>) src(%dma_wait3A_28 : memref<512xi32, #tpu.memory_space<hbm>>) dst(%arg10 : memref<512xi32, #tpu.memory_space<vmem>>)
      tpu.yield
    }) : () -> ()
    %dma_start3A = arith.constant 0 : i32
    %dma_start3A_3 = arith.constant 0 : i32
    %dma_start3A_4 = tpu.memref_slice %arg5[%dma_start3A, %dma_start3A_3] : memref<100000x64xf32, #tpu.memory_space<hbm>> -> memref<100000x64xf32, #tpu.memory_space<hbm>>
    tpu.enqueue_indirect_dma source(%dma_start3A_4 : memref<100000x64xf32, #tpu.memory_space<hbm>>) target(%arg11 : memref<512x64xf32, #tpu.memory_space<vmem>>) offsets(%arg8 : memref<512xi32, #tpu.memory_space<vmem>>) semaphore(%arg15 : memref<!tpu.dma_semaphore, #tpu.memory_space<semaphore_mem>>)
    %dma_start3A_5 = arith.constant 0 : i32
    %dma_start3A_6 = arith.constant 0 : i32
    %dma_start3A_7 = tpu.memref_slice %arg6[%dma_start3A_5, %dma_start3A_6] : memref<1000x64xf32, #tpu.memory_space<hbm>> -> memref<1000x64xf32, #tpu.memory_space<hbm>>
    tpu.enqueue_indirect_dma source(%dma_start3A_7 : memref<1000x64xf32, #tpu.memory_space<hbm>>) target(%arg12 : memref<512x64xf32, #tpu.memory_space<vmem>>) offsets(%arg9 : memref<512xi32, #tpu.memory_space<vmem>>) semaphore(%arg15 : memref<!tpu.dma_semaphore, #tpu.memory_space<semaphore_mem>>)
    %dma_start3A_8 = arith.constant 0 : i32
    %dma_start3A_9 = arith.constant 0 : i32
    %dma_start3A_10 = tpu.memref_slice %arg5[%dma_start3A_8, %dma_start3A_9] : memref<100000x64xf32, #tpu.memory_space<hbm>> -> memref<100000x64xf32, #tpu.memory_space<hbm>>
    tpu.enqueue_indirect_dma source(%dma_start3A_10 : memref<100000x64xf32, #tpu.memory_space<hbm>>) target(%arg13 : memref<512x64xf32, #tpu.memory_space<vmem>>) offsets(%arg10 : memref<512xi32, #tpu.memory_space<vmem>>) semaphore(%arg15 : memref<!tpu.dma_semaphore, #tpu.memory_space<semaphore_mem>>)
    %dma_wait3A = arith.constant 0 : i32
    %dma_wait3A_11 = arith.constant 0 : i32
    %dma_wait3A_12 = tpu.memref_slice %arg5[%dma_wait3A, %dma_wait3A_11] : memref<100000x64xf32, #tpu.memory_space<hbm>> -> memref<100000x64xf32, #tpu.memory_space<hbm>>
    tpu.wait_indirect_dma semaphore(%arg15 : memref<!tpu.dma_semaphore, #tpu.memory_space<semaphore_mem>>) src(%dma_wait3A_12 : memref<100000x64xf32, #tpu.memory_space<hbm>>) dst(%arg11 : memref<512x64xf32, #tpu.memory_space<vmem>>)
    %dma_wait3A_13 = arith.constant 0 : i32
    %dma_wait3A_14 = arith.constant 0 : i32
    %dma_wait3A_15 = tpu.memref_slice %arg6[%dma_wait3A_13, %dma_wait3A_14] : memref<1000x64xf32, #tpu.memory_space<hbm>> -> memref<1000x64xf32, #tpu.memory_space<hbm>>
    tpu.wait_indirect_dma semaphore(%arg15 : memref<!tpu.dma_semaphore, #tpu.memory_space<semaphore_mem>>) src(%dma_wait3A_15 : memref<1000x64xf32, #tpu.memory_space<hbm>>) dst(%arg12 : memref<512x64xf32, #tpu.memory_space<vmem>>)
    %dma_wait3A_16 = arith.constant 0 : i32
    %dma_wait3A_17 = arith.constant 0 : i32
    %dma_wait3A_18 = tpu.memref_slice %arg5[%dma_wait3A_16, %dma_wait3A_17] : memref<100000x64xf32, #tpu.memory_space<hbm>> -> memref<100000x64xf32, #tpu.memory_space<hbm>>
    tpu.wait_indirect_dma semaphore(%arg15 : memref<!tpu.dma_semaphore, #tpu.memory_space<semaphore_mem>>) src(%dma_wait3A_18 : memref<100000x64xf32, #tpu.memory_space<hbm>>) dst(%arg13 : memref<512x64xf32, #tpu.memory_space<vmem>>)
    %iota3A = tpu.iota {dimensions = array<i32: 0>} : vector<16xi32>
    %scan3A = arith.constant 0 : i32
    %scan3A_19 = arith.constant 0 : i32
    %scan3A_20 = arith.constant 32 : i32
    %scan3A_21 = arith.addi %scan3A_19, %scan3A_20 : i32
    %scan3A_22 = arith.constant 1 : i32
    %scan3A_23 = scf.for %scan3A_25 = %scan3A_19 to %scan3A_21 step %scan3A_22 iter_args(%scan3A_26 = %scan3A) -> (i32)  : i32 {
      %broadcast_in_dim3A = arith.constant 0.000000e+00 : f32
      %broadcast_in_dim3A_27 = vector.broadcast %broadcast_in_dim3A : f32 to vector<16xf32>
      %mul3A_28 = arith.constant 16 : i32
      %mul3A_29 = arith.muli %scan3A_25, %mul3A_28 : i32
      %add3A_30 = arith.constant 0 : i32
      %add3A_31 = arith.addi %mul3A_29, %add3A_30 : i32
      %broadcast_in_dim3A_32 = arith.constant 0.000000e+00 : f32
      %broadcast_in_dim3A_33 = vector.broadcast %broadcast_in_dim3A_32 : f32 to vector<16xf32>
      %get3A = arith.index_cast %add3A_31 : i32 to index
      %get3A_34 = arith.constant 0 : index
      %get3A_35 = tpu.vector_load %arg11[%get3A, %get3A_34] {strides = array<i32>} : memref<512x64xf32, #tpu.memory_space<vmem>>, vector<1x16xf32>,
      %get3A_36 = vector.shape_cast %get3A_35 : vector<1x16xf32> to vector<16xf32>
      %get3A_37 = arith.index_cast %add3A_31 : i32 to index
      %get3A_38 = arith.constant 0 : index
      %get3A_39 = tpu.vector_load %arg12[%get3A_37, %get3A_38] {strides = array<i32>} : memref<512x64xf32, #tpu.memory_space<vmem>>, vector<1x16xf32>,
      %get3A_40 = vector.shape_cast %get3A_39 : vector<1x16xf32> to vector<16xf32>
      %add3A_41 = arith.addf %get3A_36, %get3A_40 : vector<16xf32>
      %get3A_42 = arith.index_cast %add3A_31 : i32 to index
      %get3A_43 = arith.constant 0 : index
      %get3A_44 = tpu.vector_load %arg13[%get3A_42, %get3A_43] {strides = array<i32>} : memref<512x64xf32, #tpu.memory_space<vmem>>, vector<1x16xf32>,
      %get3A_45 = vector.shape_cast %get3A_44 : vector<1x16xf32> to vector<16xf32>
      %sub3A = arith.subf %add3A_41, %get3A_45 : vector<16xf32>
      %mul3A_46 = arith.mulf %sub3A, %sub3A : vector<16xf32>
      %add3A_47 = arith.addf %broadcast_in_dim3A_33, %mul3A_46 : vector<16xf32>
      %get3A_48 = arith.index_cast %add3A_31 : i32 to index
      %get3A_49 = arith.constant 16 : index
      %get3A_50 = tpu.vector_load %arg11[%get3A_48, %get3A_49] {strides = array<i32>} : memref<512x64xf32, #tpu.memory_space<vmem>>, vector<1x16xf32>,
      %get3A_51 = vector.shape_cast %get3A_50 : vector<1x16xf32> to vector<16xf32>
      %get3A_52 = arith.index_cast %add3A_31 : i32 to index
      %get3A_53 = arith.constant 16 : index
      %get3A_54 = tpu.vector_load %arg12[%get3A_52, %get3A_53] {strides = array<i32>} : memref<512x64xf32, #tpu.memory_space<vmem>>, vector<1x16xf32>,
      %get3A_55 = vector.shape_cast %get3A_54 : vector<1x16xf32> to vector<16xf32>
      %add3A_56 = arith.addf %get3A_51, %get3A_55 : vector<16xf32>
      %get3A_57 = arith.index_cast %add3A_31 : i32 to index
      %get3A_58 = arith.constant 16 : index
      %get3A_59 = tpu.vector_load %arg13[%get3A_57, %get3A_58] {strides = array<i32>} : memref<512x64xf32, #tpu.memory_space<vmem>>, vector<1x16xf32>,
      %get3A_60 = vector.shape_cast %get3A_59 : vector<1x16xf32> to vector<16xf32>
      %sub3A_61 = arith.subf %add3A_56, %get3A_60 : vector<16xf32>
      %mul3A_62 = arith.mulf %sub3A_61, %sub3A_61 : vector<16xf32>
      %add3A_63 = arith.addf %add3A_47, %mul3A_62 : vector<16xf32>
      %get3A_64 = arith.index_cast %add3A_31 : i32 to index
      %get3A_65 = arith.constant 32 : index
      %get3A_66 = tpu.vector_load %arg11[%get3A_64, %get3A_65] {strides = array<i32>} : memref<512x64xf32, #tpu.memory_space<vmem>>, vector<1x16xf32>,
      %get3A_67 = vector.shape_cast %get3A_66 : vector<1x16xf32> to vector<16xf32>
      %get3A_68 = arith.index_cast %add3A_31 : i32 to index
      %get3A_69 = arith.constant 32 : index
      %get3A_70 = tpu.vector_load %arg12[%get3A_68, %get3A_69] {strides = array<i32>} : memref<512x64xf32, #tpu.memory_space<vmem>>, vector<1x16xf32>,
      %get3A_71 = vector.shape_cast %get3A_70 : vector<1x16xf32> to vector<16xf32>
      %add3A_72 = arith.addf %get3A_67, %get3A_71 : vector<16xf32>
      %get3A_73 = arith.index_cast %add3A_31 : i32 to index
      %get3A_74 = arith.constant 32 : index
      %get3A_75 = tpu.vector_load %arg13[%get3A_73, %get3A_74] {strides = array<i32>} : memref<512x64xf32, #tpu.memory_space<vmem>>, vector<1x16xf32>,
      %get3A_76 = vector.shape_cast %get3A_75 : vector<1x16xf32> to vector<16xf32>
      %sub3A_77 = arith.subf %add3A_72, %get3A_76 : vector<16xf32>
      %mul3A_78 = arith.mulf %sub3A_77, %sub3A_77 : vector<16xf32>
      %add3A_79 = arith.addf %add3A_63, %mul3A_78 : vector<16xf32>
      %get3A_80 = arith.index_cast %add3A_31 : i32 to index
      %get3A_81 = arith.constant 48 : index
      %get3A_82 = tpu.vector_load %arg11[%get3A_80, %get3A_81] {strides = array<i32>} : memref<512x64xf32, #tpu.memory_space<vmem>>, vector<1x16xf32>,
      %get3A_83 = vector.shape_cast %get3A_82 : vector<1x16xf32> to vector<16xf32>
      %get3A_84 = arith.index_cast %add3A_31 : i32 to index
      %get3A_85 = arith.constant 48 : index
      %get3A_86 = tpu.vector_load %arg12[%get3A_84, %get3A_85] {strides = array<i32>} : memref<512x64xf32, #tpu.memory_space<vmem>>, vector<1x16xf32>,
      %get3A_87 = vector.shape_cast %get3A_86 : vector<1x16xf32> to vector<16xf32>
      %add3A_88 = arith.addf %get3A_83, %get3A_87 : vector<16xf32>
      %get3A_89 = arith.index_cast %add3A_31 : i32 to index
      %get3A_90 = arith.constant 48 : index
      %get3A_91 = tpu.vector_load %arg13[%get3A_89, %get3A_90] {strides = array<i32>} : memref<512x64xf32, #tpu.memory_space<vmem>>, vector<1x16xf32>,
      %get3A_92 = vector.shape_cast %get3A_91 : vector<1x16xf32> to vector<16xf32>
      %sub3A_93 = arith.subf %add3A_88, %get3A_92 : vector<16xf32>
      %mul3A_94 = arith.mulf %sub3A_93, %sub3A_93 : vector<16xf32>
      %add3A_95 = arith.addf %add3A_79, %mul3A_94 : vector<16xf32>
      %xor3A = arith.constant 8 : i32
      %xor3A_96 = vector.broadcast %xor3A : i32 to vector<16xi32>
      %xor3A_97 = arith.xori %iota3A, %xor3A_96 : vector<16xi32>
      %broadcast_in_dim3A_98 = vector.shape_cast %xor3A_97 : vector<16xi32> to vector<16x1xi32>
      %gather3A = vector.shape_cast %broadcast_in_dim3A_98 : vector<16x1xi32> to vector<16xi32>
      %gather3A_99 = tpu.dynamic_gather %add3A_95[%gather3A] in [0] : vector<16xf32>, vector<16xi32> -> vector<16xf32>
      %add3A_100 = arith.addf %add3A_95, %gather3A_99 : vector<16xf32>
      %xor3A_101 = arith.constant 4 : i32
      %xor3A_102 = vector.broadcast %xor3A_101 : i32 to vector<16xi32>
      %xor3A_103 = arith.xori %iota3A, %xor3A_102 : vector<16xi32>
      %broadcast_in_dim3A_104 = vector.shape_cast %xor3A_103 : vector<16xi32> to vector<16x1xi32>
      %gather3A_105 = vector.shape_cast %broadcast_in_dim3A_104 : vector<16x1xi32> to vector<16xi32>
      %gather3A_106 = tpu.dynamic_gather %add3A_100[%gather3A_105] in [0] : vector<16xf32>, vector<16xi32> -> vector<16xf32>
      %add3A_107 = arith.addf %add3A_100, %gather3A_106 : vector<16xf32>
      %xor3A_108 = arith.constant 2 : i32
      %xor3A_109 = vector.broadcast %xor3A_108 : i32 to vector<16xi32>
      %xor3A_110 = arith.xori %iota3A, %xor3A_109 : vector<16xi32>
      %broadcast_in_dim3A_111 = vector.shape_cast %xor3A_110 : vector<16xi32> to vector<16x1xi32>
      %gather3A_112 = vector.shape_cast %broadcast_in_dim3A_111 : vector<16x1xi32> to vector<16xi32>
      %gather3A_113 = tpu.dynamic_gather %add3A_107[%gather3A_112] in [0] : vector<16xf32>, vector<16xi32> -> vector<16xf32>
      %add3A_114 = arith.addf %add3A_107, %gather3A_113 : vector<16xf32>
      %xor3A_115 = arith.constant 1 : i32
      %xor3A_116 = vector.broadcast %xor3A_115 : i32 to vector<16xi32>
      %xor3A_117 = arith.xori %iota3A, %xor3A_116 : vector<16xi32>
      %broadcast_in_dim3A_118 = vector.shape_cast %xor3A_117 : vector<16xi32> to vector<16x1xi32>
      %gather3A_119 = vector.shape_cast %broadcast_in_dim3A_118 : vector<16x1xi32> to vector<16xi32>
      %gather3A_120 = tpu.dynamic_gather %add3A_114[%gather3A_119] in [0] : vector<16xf32>, vector<16xi32> -> vector<16xf32>
      %add3A_121 = arith.addf %add3A_114, %gather3A_120 : vector<16xf32>
      %eq3A = arith.constant 0 : i32
      %eq3A_122 = vector.broadcast %eq3A : i32 to vector<16xi32>
      %eq3A_123 = arith.cmpi eq, %iota3A, %eq3A_122 : vector<16xi32>
      %select_n3A = arith.select %eq3A_123, %add3A_121, %broadcast_in_dim3A_27 : vector<16xi1>, vector<16xf32>
      %mul3A_124 = arith.constant 16 : i32
      %mul3A_125 = arith.muli %scan3A_25, %mul3A_124 : i32
      %add3A_126 = arith.constant 1 : i32
      %add3A_127 = arith.addi %mul3A_125, %add3A_126 : i32
      %broadcast_in_dim3A_128 = arith.constant 0.000000e+00 : f32
      %broadcast_in_dim3A_129 = vector.broadcast %broadcast_in_dim3A_128 : f32 to vector<16xf32>
      %get3A_130 = arith.index_cast %add3A_127 : i32 to index
      %get3A_131 = arith.constant 0 : index
      %get3A_132 = tpu.vector_load %arg11[%get3A_130, %get3A_131] {strides = array<i32>} : memref<512x64xf32, #tpu.memory_space<vmem>>, vector<1x16xf32>,
      %get3A_133 = vector.shape_cast %get3A_132 : vector<1x16xf32> to vector<16xf32>
      %get3A_134 = arith.index_cast %add3A_127 : i32 to index
      %get3A_135 = arith.constant 0 : index
      %get3A_136 = tpu.vector_load %arg12[%get3A_134, %get3A_135] {strides = array<i32>} : memref<512x64xf32, #tpu.memory_space<vmem>>, vector<1x16xf32>,
      %get3A_137 = vector.shape_cast %get3A_136 : vector<1x16xf32> to vector<16xf32>
      %add3A_138 = arith.addf %get3A_133, %get3A_137 : vector<16xf32>
      %get3A_139 = arith.index_cast %add3A_127 : i32 to index
      %get3A_140 = arith.constant 0 : index
      %get3A_141 = tpu.vector_load %arg13[%get3A_139, %get3A_140] {strides = array<i32>} : memref<512x64xf32, #tpu.memory_space<vmem>>, vector<1x16xf32>,
      %get3A_142 = vector.shape_cast %get3A_141 : vector<1x16xf32> to vector<16xf32>
      %sub3A_143 = arith.subf %add3A_138, %get3A_142 : vector<16xf32>
      %mul3A_144 = arith.mulf %sub3A_143, %sub3A_143 : vector<16xf32>
      %add3A_145 = arith.addf %broadcast_in_dim3A_129, %mul3A_144 : vector<16xf32>
      %get3A_146 = arith.index_cast %add3A_127 : i32 to index
      %get3A_147 = arith.constant 16 : index
      %get3A_148 = tpu.vector_load %arg11[%get3A_146, %get3A_147] {strides = array<i32>} : memref<512x64xf32, #tpu.memory_space<vmem>>, vector<1x16xf32>,
      %get3A_149 = vector.shape_cast %get3A_148 : vector<1x16xf32> to vector<16xf32>
      %get3A_150 = arith.index_cast %add3A_127 : i32 to index
      %get3A_151 = arith.constant 16 : index
      %get3A_152 = tpu.vector_load %arg12[%get3A_150, %get3A_151] {strides = array<i32>} : memref<512x64xf32, #tpu.memory_space<vmem>>, vector<1x16xf32>,
      %get3A_153 = vector.shape_cast %get3A_152 : vector<1x16xf32> to vector<16xf32>
      %add3A_154 = arith.addf %get3A_149, %get3A_153 : vector<16xf32>
      %get3A_155 = arith.index_cast %add3A_127 : i32 to index
      %get3A_156 = arith.constant 16 : index
      %get3A_157 = tpu.vector_load %arg13[%get3A_155, %get3A_156] {strides = array<i32>} : memref<512x64xf32, #tpu.memory_space<vmem>>, vector<1x16xf32>,
      %get3A_158 = vector.shape_cast %get3A_157 : vector<1x16xf32> to vector<16xf32>
      %sub3A_159 = arith.subf %add3A_154, %get3A_158 : vector<16xf32>
      %mul3A_160 = arith.mulf %sub3A_159, %sub3A_159 : vector<16xf32>
      %add3A_161 = arith.addf %add3A_145, %mul3A_160 : vector<16xf32>
      %get3A_162 = arith.index_cast %add3A_127 : i32 to index
      %get3A_163 = arith.constant 32 : index
      %get3A_164 = tpu.vector_load %arg11[%get3A_162, %get3A_163] {strides = array<i32>} : memref<512x64xf32, #tpu.memory_space<vmem>>, vector<1x16xf32>,
      %get3A_165 = vector.shape_cast %get3A_164 : vector<1x16xf32> to vector<16xf32>
      %get3A_166 = arith.index_cast %add3A_127 : i32 to index
      %get3A_167 = arith.constant 32 : index
      %get3A_168 = tpu.vector_load %arg12[%get3A_166, %get3A_167] {strides = array<i32>} : memref<512x64xf32, #tpu.memory_space<vmem>>, vector<1x16xf32>,
      %get3A_169 = vector.shape_cast %get3A_168 : vector<1x16xf32> to vector<16xf32>
      %add3A_170 = arith.addf %get3A_165, %get3A_169 : vector<16xf32>
      %get3A_171 = arith.index_cast %add3A_127 : i32 to index
      %get3A_172 = arith.constant 32 : index
      %get3A_173 = tpu.vector_load %arg13[%get3A_171, %get3A_172] {strides = array<i32>} : memref<512x64xf32, #tpu.memory_space<vmem>>, vector<1x16xf32>,
      %get3A_174 = vector.shape_cast %get3A_173 : vector<1x16xf32> to vector<16xf32>
      %sub3A_175 = arith.subf %add3A_170, %get3A_174 : vector<16xf32>
      %mul3A_176 = arith.mulf %sub3A_175, %sub3A_175 : vector<16xf32>
      %add3A_177 = arith.addf %add3A_161, %mul3A_176 : vector<16xf32>
      %get3A_178 = arith.index_cast %add3A_127 : i32 to index
      %get3A_179 = arith.constant 48 : index
      %get3A_180 = tpu.vector_load %arg11[%get3A_178, %get3A_179] {strides = array<i32>} : memref<512x64xf32, #tpu.memory_space<vmem>>, vector<1x16xf32>,
      %get3A_181 = vector.shape_cast %get3A_180 : vector<1x16xf32> to vector<16xf32>
      %get3A_182 = arith.index_cast %add3A_127 : i32 to index
      %get3A_183 = arith.constant 48 : index
      %get3A_184 = tpu.vector_load %arg12[%get3A_182, %get3A_183] {strides = array<i32>} : memref<512x64xf32, #tpu.memory_space<vmem>>, vector<1x16xf32>,
      %get3A_185 = vector.shape_cast %get3A_184 : vector<1x16xf32> to vector<16xf32>
      %add3A_186 = arith.addf %get3A_181, %get3A_185 : vector<16xf32>
      %get3A_187 = arith.index_cast %add3A_127 : i32 to index
      %get3A_188 = arith.constant 48 : index
      %get3A_189 = tpu.vector_load %arg13[%get3A_187, %get3A_188] {strides = array<i32>} : memref<512x64xf32, #tpu.memory_space<vmem>>, vector<1x16xf32>,
      %get3A_190 = vector.shape_cast %get3A_189 : vector<1x16xf32> to vector<16xf32>
      %sub3A_191 = arith.subf %add3A_186, %get3A_190 : vector<16xf32>
      %mul3A_192 = arith.mulf %sub3A_191, %sub3A_191 : vector<16xf32>
      %add3A_193 = arith.addf %add3A_177, %mul3A_192 : vector<16xf32>
      %xor3A_194 = arith.constant 8 : i32
      %xor3A_195 = vector.broadcast %xor3A_194 : i32 to vector<16xi32>
      %xor3A_196 = arith.xori %iota3A, %xor3A_195 : vector<16xi32>
      %broadcast_in_dim3A_197 = vector.shape_cast %xor3A_196 : vector<16xi32> to vector<16x1xi32>
      %gather3A_198 = vector.shape_cast %broadcast_in_dim3A_197 : vector<16x1xi32> to vector<16xi32>
      %gather3A_199 = tpu.dynamic_gather %add3A_193[%gather3A_198] in [0] : vector<16xf32>, vector<16xi32> -> vector<16xf32>
      %add3A_200 = arith.addf %add3A_193, %gather3A_199 : vector<16xf32>
      %xor3A_201 = arith.constant 4 : i32
      %xor3A_202 = vector.broadcast %xor3A_201 : i32 to vector<16xi32>
      %xor3A_203 = arith.xori %iota3A, %xor3A_202 : vector<16xi32>
      %broadcast_in_dim3A_204 = vector.shape_cast %xor3A_203 : vector<16xi32> to vector<16x1xi32>
      %gather3A_205 = vector.shape_cast %broadcast_in_dim3A_204 : vector<16x1xi32> to vector<16xi32>
      %gather3A_206 = tpu.dynamic_gather %add3A_200[%gather3A_205] in [0] : vector<16xf32>, vector<16xi32> -> vector<16xf32>
      %add3A_207 = arith.addf %add3A_200, %gather3A_206 : vector<16xf32>
      %xor3A_208 = arith.constant 2 : i32
      %xor3A_209 = vector.broadcast %xor3A_208 : i32 to vector<16xi32>
      %xor3A_210 = arith.xori %iota3A, %xor3A_209 : vector<16xi32>
      %broadcast_in_dim3A_211 = vector.shape_cast %xor3A_210 : vector<16xi32> to vector<16x1xi32>
      %gather3A_212 = vector.shape_cast %broadcast_in_dim3A_211 : vector<16x1xi32> to vector<16xi32>
      %gather3A_213 = tpu.dynamic_gather %add3A_207[%gather3A_212] in [0] : vector<16xf32>, vector<16xi32> -> vector<16xf32>
      %add3A_214 = arith.addf %add3A_207, %gather3A_213 : vector<16xf32>
      %xor3A_215 = arith.constant 1 : i32
      %xor3A_216 = vector.broadcast %xor3A_215 : i32 to vector<16xi32>
      %xor3A_217 = arith.xori %iota3A, %xor3A_216 : vector<16xi32>
      %broadcast_in_dim3A_218 = vector.shape_cast %xor3A_217 : vector<16xi32> to vector<16x1xi32>
      %gather3A_219 = vector.shape_cast %broadcast_in_dim3A_218 : vector<16x1xi32> to vector<16xi32>
      %gather3A_220 = tpu.dynamic_gather %add3A_214[%gather3A_219] in [0] : vector<16xf32>, vector<16xi32> -> vector<16xf32>
      %add3A_221 = arith.addf %add3A_214, %gather3A_220 : vector<16xf32>
      %eq3A_222 = arith.constant 1 : i32
      %eq3A_223 = vector.broadcast %eq3A_222 : i32 to vector<16xi32>
      %eq3A_224 = arith.cmpi eq, %iota3A, %eq3A_223 : vector<16xi32>
      %select_n3A_225 = arith.select %eq3A_224, %add3A_221, %select_n3A : vector<16xi1>, vector<16xf32>
      %mul3A_226 = arith.constant 16 : i32
      %mul3A_227 = arith.muli %scan3A_25, %mul3A_226 : i32
      %add3A_228 = arith.constant 2 : i32
      %add3A_229 = arith.addi %mul3A_227, %add3A_228 : i32
      %broadcast_in_dim3A_230 = arith.constant 0.000000e+00 : f32
      %broadcast_in_dim3A_231 = vector.broadcast %broadcast_in_dim3A_230 : f32 to vector<16xf32>
      %get3A_232 = arith.index_cast %add3A_229 : i32 to index
      %get3A_233 = arith.constant 0 : index
      %get3A_234 = tpu.vector_load %arg11[%get3A_232, %get3A_233] {strides = array<i32>} : memref<512x64xf32, #tpu.memory_space<vmem>>, vector<1x16xf32>,
      %get3A_235 = vector.shape_cast %get3A_234 : vector<1x16xf32> to vector<16xf32>
      %get3A_236 = arith.index_cast %add3A_229 : i32 to index
      %get3A_237 = arith.constant 0 : index
      %get3A_238 = tpu.vector_load %arg12[%get3A_236, %get3A_237] {strides = array<i32>} : memref<512x64xf32, #tpu.memory_space<vmem>>, vector<1x16xf32>,
      %get3A_239 = vector.shape_cast %get3A_238 : vector<1x16xf32> to vector<16xf32>
      %add3A_240 = arith.addf %get3A_235, %get3A_239 : vector<16xf32>
      %get3A_241 = arith.index_cast %add3A_229 : i32 to index
      %get3A_242 = arith.constant 0 : index
      %get3A_243 = tpu.vector_load %arg13[%get3A_241, %get3A_242] {strides = array<i32>} : memref<512x64xf32, #tpu.memory_space<vmem>>, vector<1x16xf32>,
      %get3A_244 = vector.shape_cast %get3A_243 : vector<1x16xf32> to vector<16xf32>
      %sub3A_245 = arith.subf %add3A_240, %get3A_244 : vector<16xf32>
      %mul3A_246 = arith.mulf %sub3A_245, %sub3A_245 : vector<16xf32>
      %add3A_247 = arith.addf %broadcast_in_dim3A_231, %mul3A_246 : vector<16xf32>
      %get3A_248 = arith.index_cast %add3A_229 : i32 to index
      %get3A_249 = arith.constant 16 : index
      %get3A_250 = tpu.vector_load %arg11[%get3A_248, %get3A_249] {strides = array<i32>} : memref<512x64xf32, #tpu.memory_space<vmem>>, vector<1x16xf32>,
      %get3A_251 = vector.shape_cast %get3A_250 : vector<1x16xf32> to vector<16xf32>
      %get3A_252 = arith.index_cast %add3A_229 : i32 to index
      %get3A_253 = arith.constant 16 : index
      %get3A_254 = tpu.vector_load %arg12[%get3A_252, %get3A_253] {strides = array<i32>} : memref<512x64xf32, #tpu.memory_space<vmem>>, vector<1x16xf32>,
      %get3A_255 = vector.shape_cast %get3A_254 : vector<1x16xf32> to vector<16xf32>
      %add3A_256 = arith.addf %get3A_251, %get3A_255 : vector<16xf32>
      %get3A_257 = arith.index_cast %add3A_229 : i32 to index
      %get3A_258 = arith.constant 16 : index
      %get3A_259 = tpu.vector_load %arg13[%get3A_257, %get3A_258] {strides = array<i32>} : memref<512x64xf32, #tpu.memory_space<vmem>>, vector<1x16xf32>,
      %get3A_260 = vector.shape_cast %get3A_259 : vector<1x16xf32> to vector<16xf32>
      %sub3A_261 = arith.subf %add3A_256, %get3A_260 : vector<16xf32>
      %mul3A_262 = arith.mulf %sub3A_261, %sub3A_261 : vector<16xf32>
      %add3A_263 = arith.addf %add3A_247, %mul3A_262 : vector<16xf32>
      %get3A_264 = arith.index_cast %add3A_229 : i32 to index
      %get3A_265 = arith.constant 32 : index
      %get3A_266 = tpu.vector_load %arg11[%get3A_264, %get3A_265] {strides = array<i32>} : memref<512x64xf32, #tpu.memory_space<vmem>>, vector<1x16xf32>,
      %get3A_267 = vector.shape_cast %get3A_266 : vector<1x16xf32> to vector<16xf32>
      %get3A_268 = arith.index_cast %add3A_229 : i32 to index
      %get3A_269 = arith.constant 32 : index
      %get3A_270 = tpu.vector_load %arg12[%get3A_268, %get3A_269] {strides = array<i32>} : memref<512x64xf32, #tpu.memory_space<vmem>>, vector<1x16xf32>,
      %get3A_271 = vector.shape_cast %get3A_270 : vector<1x16xf32> to vector<16xf32>
      %add3A_272 = arith.addf %get3A_267, %get3A_271 : vector<16xf32>
      %get3A_273 = arith.index_cast %add3A_229 : i32 to index
      %get3A_274 = arith.constant 32 : index
      %get3A_275 = tpu.vector_load %arg13[%get3A_273, %get3A_274] {strides = array<i32>} : memref<512x64xf32, #tpu.memory_space<vmem>>, vector<1x16xf32>,
      %get3A_276 = vector.shape_cast %get3A_275 : vector<1x16xf32> to vector<16xf32>
      %sub3A_277 = arith.subf %add3A_272, %get3A_276 : vector<16xf32>
      %mul3A_278 = arith.mulf %sub3A_277, %sub3A_277 : vector<16xf32>
      %add3A_279 = arith.addf %add3A_263, %mul3A_278 : vector<16xf32>
      %get3A_280 = arith.index_cast %add3A_229 : i32 to index
      %get3A_281 = arith.constant 48 : index
      %get3A_282 = tpu.vector_load %arg11[%get3A_280, %get3A_281] {strides = array<i32>} : memref<512x64xf32, #tpu.memory_space<vmem>>, vector<1x16xf32>,
      %get3A_283 = vector.shape_cast %get3A_282 : vector<1x16xf32> to vector<16xf32>
      %get3A_284 = arith.index_cast %add3A_229 : i32 to index
      %get3A_285 = arith.constant 48 : index
      %get3A_286 = tpu.vector_load %arg12[%get3A_284, %get3A_285] {strides = array<i32>} : memref<512x64xf32, #tpu.memory_space<vmem>>, vector<1x16xf32>,
      %get3A_287 = vector.shape_cast %get3A_286 : vector<1x16xf32> to vector<16xf32>
      %add3A_288 = arith.addf %get3A_283, %get3A_287 : vector<16xf32>
      %get3A_289 = arith.index_cast %add3A_229 : i32 to index
      %get3A_290 = arith.constant 48 : index
      %get3A_291 = tpu.vector_load %arg13[%get3A_289, %get3A_290] {strides = array<i32>} : memref<512x64xf32, #tpu.memory_space<vmem>>, vector<1x16xf32>,
      %get3A_292 = vector.shape_cast %get3A_291 : vector<1x16xf32> to vector<16xf32>
      %sub3A_293 = arith.subf %add3A_288, %get3A_292 : vector<16xf32>
      %mul3A_294 = arith.mulf %sub3A_293, %sub3A_293 : vector<16xf32>
      %add3A_295 = arith.addf %add3A_279, %mul3A_294 : vector<16xf32>
      %xor3A_296 = arith.constant 8 : i32
      %xor3A_297 = vector.broadcast %xor3A_296 : i32 to vector<16xi32>
      %xor3A_298 = arith.xori %iota3A, %xor3A_297 : vector<16xi32>
      %broadcast_in_dim3A_299 = vector.shape_cast %xor3A_298 : vector<16xi32> to vector<16x1xi32>
      %gather3A_300 = vector.shape_cast %broadcast_in_dim3A_299 : vector<16x1xi32> to vector<16xi32>
      %gather3A_301 = tpu.dynamic_gather %add3A_295[%gather3A_300] in [0] : vector<16xf32>, vector<16xi32> -> vector<16xf32>
      %add3A_302 = arith.addf %add3A_295, %gather3A_301 : vector<16xf32>
      %xor3A_303 = arith.constant 4 : i32
      %xor3A_304 = vector.broadcast %xor3A_303 : i32 to vector<16xi32>
      %xor3A_305 = arith.xori %iota3A, %xor3A_304 : vector<16xi32>
      %broadcast_in_dim3A_306 = vector.shape_cast %xor3A_305 : vector<16xi32> to vector<16x1xi32>
      %gather3A_307 = vector.shape_cast %broadcast_in_dim3A_306 : vector<16x1xi32> to vector<16xi32>
      %gather3A_308 = tpu.dynamic_gather %add3A_302[%gather3A_307] in [0] : vector<16xf32>, vector<16xi32> -> vector<16xf32>
      %add3A_309 = arith.addf %add3A_302, %gather3A_308 : vector<16xf32>
      %xor3A_310 = arith.constant 2 : i32
      %xor3A_311 = vector.broadcast %xor3A_310 : i32 to vector<16xi32>
      %xor3A_312 = arith.xori %iota3A, %xor3A_311 : vector<16xi32>
      %broadcast_in_dim3A_313 = vector.shape_cast %xor3A_312 : vector<16xi32> to vector<16x1xi32>
      %gather3A_314 = vector.shape_cast %broadcast_in_dim3A_313 : vector<16x1xi32> to vector<16xi32>
      %gather3A_315 = tpu.dynamic_gather %add3A_309[%gather3A_314] in [0] : vector<16xf32>, vector<16xi32> -> vector<16xf32>
      %add3A_316 = arith.addf %add3A_309, %gather3A_315 : vector<16xf32>
      %xor3A_317 = arith.constant 1 : i32
      %xor3A_318 = vector.broadcast %xor3A_317 : i32 to vector<16xi32>
      %xor3A_319 = arith.xori %iota3A, %xor3A_318 : vector<16xi32>
      %broadcast_in_dim3A_320 = vector.shape_cast %xor3A_319 : vector<16xi32> to vector<16x1xi32>
      %gather3A_321 = vector.shape_cast %broadcast_in_dim3A_320 : vector<16x1xi32> to vector<16xi32>
      %gather3A_322 = tpu.dynamic_gather %add3A_316[%gather3A_321] in [0] : vector<16xf32>, vector<16xi32> -> vector<16xf32>
      %add3A_323 = arith.addf %add3A_316, %gather3A_322 : vector<16xf32>
      %eq3A_324 = arith.constant 2 : i32
      %eq3A_325 = vector.broadcast %eq3A_324 : i32 to vector<16xi32>
      %eq3A_326 = arith.cmpi eq, %iota3A, %eq3A_325 : vector<16xi32>
      %select_n3A_327 = arith.select %eq3A_326, %add3A_323, %select_n3A_225 : vector<16xi1>, vector<16xf32>
      %mul3A_328 = arith.constant 16 : i32
      %mul3A_329 = arith.muli %scan3A_25, %mul3A_328 : i32
      %add3A_330 = arith.constant 3 : i32
      %add3A_331 = arith.addi %mul3A_329, %add3A_330 : i32
      %broadcast_in_dim3A_332 = arith.constant 0.000000e+00 : f32
      %broadcast_in_dim3A_333 = vector.broadcast %broadcast_in_dim3A_332 : f32 to vector<16xf32>
      %get3A_334 = arith.index_cast %add3A_331 : i32 to index
      %get3A_335 = arith.constant 0 : index
      %get3A_336 = tpu.vector_load %arg11[%get3A_334, %get3A_335] {strides = array<i32>} : memref<512x64xf32, #tpu.memory_space<vmem>>, vector<1x16xf32>,
      %get3A_337 = vector.shape_cast %get3A_336 : vector<1x16xf32> to vector<16xf32>
      %get3A_338 = arith.index_cast %add3A_331 : i32 to index
      %get3A_339 = arith.constant 0 : index
      %get3A_340 = tpu.vector_load %arg12[%get3A_338, %get3A_339] {strides = array<i32>} : memref<512x64xf32, #tpu.memory_space<vmem>>, vector<1x16xf32>,
      %get3A_341 = vector.shape_cast %get3A_340 : vector<1x16xf32> to vector<16xf32>
      %add3A_342 = arith.addf %get3A_337, %get3A_341 : vector<16xf32>
      %get3A_343 = arith.index_cast %add3A_331 : i32 to index
      %get3A_344 = arith.constant 0 : index
      %get3A_345 = tpu.vector_load %arg13[%get3A_343, %get3A_344] {strides = array<i32>} : memref<512x64xf32, #tpu.memory_space<vmem>>, vector<1x16xf32>,
      %get3A_346 = vector.shape_cast %get3A_345 : vector<1x16xf32> to vector<16xf32>
      %sub3A_347 = arith.subf %add3A_342, %get3A_346 : vector<16xf32>
      %mul3A_348 = arith.mulf %sub3A_347, %sub3A_347 : vector<16xf32>
      %add3A_349 = arith.addf %broadcast_in_dim3A_333, %mul3A_348 : vector<16xf32>
      %get3A_350 = arith.index_cast %add3A_331 : i32 to index
      %get3A_351 = arith.constant 16 : index
      %get3A_352 = tpu.vector_load %arg11[%get3A_350, %get3A_351] {strides = array<i32>} : memref<512x64xf32, #tpu.memory_space<vmem>>, vector<1x16xf32>,
      %get3A_353 = vector.shape_cast %get3A_352 : vector<1x16xf32> to vector<16xf32>
      %get3A_354 = arith.index_cast %add3A_331 : i32 to index
      %get3A_355 = arith.constant 16 : index
      %get3A_356 = tpu.vector_load %arg12[%get3A_354, %get3A_355] {strides = array<i32>} : memref<512x64xf32, #tpu.memory_space<vmem>>, vector<1x16xf32>,
      %get3A_357 = vector.shape_cast %get3A_356 : vector<1x16xf32> to vector<16xf32>
      %add3A_358 = arith.addf %get3A_353, %get3A_357 : vector<16xf32>
      %get3A_359 = arith.index_cast %add3A_331 : i32 to index
      %get3A_360 = arith.constant 16 : index
      %get3A_361 = tpu.vector_load %arg13[%get3A_359, %get3A_360] {strides = array<i32>} : memref<512x64xf32, #tpu.memory_space<vmem>>, vector<1x16xf32>,
      %get3A_362 = vector.shape_cast %get3A_361 : vector<1x16xf32> to vector<16xf32>
      %sub3A_363 = arith.subf %add3A_358, %get3A_362 : vector<16xf32>
      %mul3A_364 = arith.mulf %sub3A_363, %sub3A_363 : vector<16xf32>
      %add3A_365 = arith.addf %add3A_349, %mul3A_364 : vector<16xf32>
      %get3A_366 = arith.index_cast %add3A_331 : i32 to index
      %get3A_367 = arith.constant 32 : index
      %get3A_368 = tpu.vector_load %arg11[%get3A_366, %get3A_367] {strides = array<i32>} : memref<512x64xf32, #tpu.memory_space<vmem>>, vector<1x16xf32>,
      %get3A_369 = vector.shape_cast %get3A_368 : vector<1x16xf32> to vector<16xf32>
      %get3A_370 = arith.index_cast %add3A_331 : i32 to index
      %get3A_371 = arith.constant 32 : index
      %get3A_372 = tpu.vector_load %arg12[%get3A_370, %get3A_371] {strides = array<i32>} : memref<512x64xf32, #tpu.memory_space<vmem>>, vector<1x16xf32>,
      %get3A_373 = vector.shape_cast %get3A_372 : vector<1x16xf32> to vector<16xf32>
      %add3A_374 = arith.addf %get3A_369, %get3A_373 : vector<16xf32>
      %get3A_375 = arith.index_cast %add3A_331 : i32 to index
      %get3A_376 = arith.constant 32 : index
      %get3A_377 = tpu.vector_load %arg13[%get3A_375, %get3A_376] {strides = array<i32>} : memref<512x64xf32, #tpu.memory_space<vmem>>, vector<1x16xf32>,
      %get3A_378 = vector.shape_cast %get3A_377 : vector<1x16xf32> to vector<16xf32>
      %sub3A_379 = arith.subf %add3A_374, %get3A_378 : vector<16xf32>
      %mul3A_380 = arith.mulf %sub3A_379, %sub3A_379 : vector<16xf32>
      %add3A_381 = arith.addf %add3A_365, %mul3A_380 : vector<16xf32>
      %get3A_382 = arith.index_cast %add3A_331 : i32 to index
      %get3A_383 = arith.constant 48 : index
      %get3A_384 = tpu.vector_load %arg11[%get3A_382, %get3A_383] {strides = array<i32>} : memref<512x64xf32, #tpu.memory_space<vmem>>, vector<1x16xf32>,
      %get3A_385 = vector.shape_cast %get3A_384 : vector<1x16xf32> to vector<16xf32>
      %get3A_386 = arith.index_cast %add3A_331 : i32 to index
      %get3A_387 = arith.constant 48 : index
      %get3A_388 = tpu.vector_load %arg12[%get3A_386, %get3A_387] {strides = array<i32>} : memref<512x64xf32, #tpu.memory_space<vmem>>, vector<1x16xf32>,
      %get3A_389 = vector.shape_cast %get3A_388 : vector<1x16xf32> to vector<16xf32>
      %add3A_390 = arith.addf %get3A_385, %get3A_389 : vector<16xf32>
      %get3A_391 = arith.index_cast %add3A_331 : i32 to index
      %get3A_392 = arith.constant 48 : index
      %get3A_393 = tpu.vector_load %arg13[%get3A_391, %get3A_392] {strides = array<i32>} : memref<512x64xf32, #tpu.memory_space<vmem>>, vector<1x16xf32>,
      %get3A_394 = vector.shape_cast %get3A_393 : vector<1x16xf32> to vector<16xf32>
      %sub3A_395 = arith.subf %add3A_390, %get3A_394 : vector<16xf32>
      %mul3A_396 = arith.mulf %sub3A_395, %sub3A_395 : vector<16xf32>
      %add3A_397 = arith.addf %add3A_381, %mul3A_396 : vector<16xf32>
      %xor3A_398 = arith.constant 8 : i32
      %xor3A_399 = vector.broadcast %xor3A_398 : i32 to vector<16xi32>
      %xor3A_400 = arith.xori %iota3A, %xor3A_399 : vector<16xi32>
      %broadcast_in_dim3A_401 = vector.shape_cast %xor3A_400 : vector<16xi32> to vector<16x1xi32>
      %gather3A_402 = vector.shape_cast %broadcast_in_dim3A_401 : vector<16x1xi32> to vector<16xi32>
      %gather3A_403 = tpu.dynamic_gather %add3A_397[%gather3A_402] in [0] : vector<16xf32>, vector<16xi32> -> vector<16xf32>
      %add3A_404 = arith.addf %add3A_397, %gather3A_403 : vector<16xf32>
      %xor3A_405 = arith.constant 4 : i32
      %xor3A_406 = vector.broadcast %xor3A_405 : i32 to vector<16xi32>
      %xor3A_407 = arith.xori %iota3A, %xor3A_406 : vector<16xi32>
      %broadcast_in_dim3A_408 = vector.shape_cast %xor3A_407 : vector<16xi32> to vector<16x1xi32>
      %gather3A_409 = vector.shape_cast %broadcast_in_dim3A_408 : vector<16x1xi32> to vector<16xi32>
      %gather3A_410 = tpu.dynamic_gather %add3A_404[%gather3A_409] in [0] : vector<16xf32>, vector<16xi32> -> vector<16xf32>
      %add3A_411 = arith.addf %add3A_404, %gather3A_410 : vector<16xf32>
      %xor3A_412 = arith.constant 2 : i32
      %xor3A_413 = vector.broadcast %xor3A_412 : i32 to vector<16xi32>
      %xor3A_414 = arith.xori %iota3A, %xor3A_413 : vector<16xi32>
      %broadcast_in_dim3A_415 = vector.shape_cast %xor3A_414 : vector<16xi32> to vector<16x1xi32>
      %gather3A_416 = vector.shape_cast %broadcast_in_dim3A_415 : vector<16x1xi32> to vector<16xi32>
      %gather3A_417 = tpu.dynamic_gather %add3A_411[%gather3A_416] in [0] : vector<16xf32>, vector<16xi32> -> vector<16xf32>
      %add3A_418 = arith.addf %add3A_411, %gather3A_417 : vector<16xf32>
      %xor3A_419 = arith.constant 1 : i32
      %xor3A_420 = vector.broadcast %xor3A_419 : i32 to vector<16xi32>
      %xor3A_421 = arith.xori %iota3A, %xor3A_420 : vector<16xi32>
      %broadcast_in_dim3A_422 = vector.shape_cast %xor3A_421 : vector<16xi32> to vector<16x1xi32>
      %gather3A_423 = vector.shape_cast %broadcast_in_dim3A_422 : vector<16x1xi32> to vector<16xi32>
      %gather3A_424 = tpu.dynamic_gather %add3A_418[%gather3A_423] in [0] : vector<16xf32>, vector<16xi32> -> vector<16xf32>
      %add3A_425 = arith.addf %add3A_418, %gather3A_424 : vector<16xf32>
      %eq3A_426 = arith.constant 3 : i32
      %eq3A_427 = vector.broadcast %eq3A_426 : i32 to vector<16xi32>
      %eq3A_428 = arith.cmpi eq, %iota3A, %eq3A_427 : vector<16xi32>
      %select_n3A_429 = arith.select %eq3A_428, %add3A_425, %select_n3A_327 : vector<16xi1>, vector<16xf32>
      %mul3A_430 = arith.constant 16 : i32
      %mul3A_431 = arith.muli %scan3A_25, %mul3A_430 : i32
      %add3A_432 = arith.constant 4 : i32
      %add3A_433 = arith.addi %mul3A_431, %add3A_432 : i32
      %broadcast_in_dim3A_434 = arith.constant 0.000000e+00 : f32
      %broadcast_in_dim3A_435 = vector.broadcast %broadcast_in_dim3A_434 : f32 to vector<16xf32>
      %get3A_436 = arith.index_cast %add3A_433 : i32 to index
      %get3A_437 = arith.constant 0 : index
      %get3A_438 = tpu.vector_load %arg11[%get3A_436, %get3A_437] {strides = array<i32>} : memref<512x64xf32, #tpu.memory_space<vmem>>, vector<1x16xf32>,
      %get3A_439 = vector.shape_cast %get3A_438 : vector<1x16xf32> to vector<16xf32>
      %get3A_440 = arith.index_cast %add3A_433 : i32 to index
      %get3A_441 = arith.constant 0 : index
      %get3A_442 = tpu.vector_load %arg12[%get3A_440, %get3A_441] {strides = array<i32>} : memref<512x64xf32, #tpu.memory_space<vmem>>, vector<1x16xf32>,
      %get3A_443 = vector.shape_cast %get3A_442 : vector<1x16xf32> to vector<16xf32>
      %add3A_444 = arith.addf %get3A_439, %get3A_443 : vector<16xf32>
      %get3A_445 = arith.index_cast %add3A_433 : i32 to index
      %get3A_446 = arith.constant 0 : index
      %get3A_447 = tpu.vector_load %arg13[%get3A_445, %get3A_446] {strides = array<i32>} : memref<512x64xf32, #tpu.memory_space<vmem>>, vector<1x16xf32>,
      %get3A_448 = vector.shape_cast %get3A_447 : vector<1x16xf32> to vector<16xf32>
      %sub3A_449 = arith.subf %add3A_444, %get3A_448 : vector<16xf32>
      %mul3A_450 = arith.mulf %sub3A_449, %sub3A_449 : vector<16xf32>
      %add3A_451 = arith.addf %broadcast_in_dim3A_435, %mul3A_450 : vector<16xf32>
      %get3A_452 = arith.index_cast %add3A_433 : i32 to index
      %get3A_453 = arith.constant 16 : index
      %get3A_454 = tpu.vector_load %arg11[%get3A_452, %get3A_453] {strides = array<i32>} : memref<512x64xf32, #tpu.memory_space<vmem>>, vector<1x16xf32>,
      %get3A_455 = vector.shape_cast %get3A_454 : vector<1x16xf32> to vector<16xf32>
      %get3A_456 = arith.index_cast %add3A_433 : i32 to index
      %get3A_457 = arith.constant 16 : index
      %get3A_458 = tpu.vector_load %arg12[%get3A_456, %get3A_457] {strides = array<i32>} : memref<512x64xf32, #tpu.memory_space<vmem>>, vector<1x16xf32>,
      %get3A_459 = vector.shape_cast %get3A_458 : vector<1x16xf32> to vector<16xf32>
      %add3A_460 = arith.addf %get3A_455, %get3A_459 : vector<16xf32>
      %get3A_461 = arith.index_cast %add3A_433 : i32 to index
      %get3A_462 = arith.constant 16 : index
      %get3A_463 = tpu.vector_load %arg13[%get3A_461, %get3A_462] {strides = array<i32>} : memref<512x64xf32, #tpu.memory_space<vmem>>, vector<1x16xf32>,
      %get3A_464 = vector.shape_cast %get3A_463 : vector<1x16xf32> to vector<16xf32>
      %sub3A_465 = arith.subf %add3A_460, %get3A_464 : vector<16xf32>
      %mul3A_466 = arith.mulf %sub3A_465, %sub3A_465 : vector<16xf32>
      %add3A_467 = arith.addf %add3A_451, %mul3A_466 : vector<16xf32>
      %get3A_468 = arith.index_cast %add3A_433 : i32 to index
      %get3A_469 = arith.constant 32 : index
      %get3A_470 = tpu.vector_load %arg11[%get3A_468, %get3A_469] {strides = array<i32>} : memref<512x64xf32, #tpu.memory_space<vmem>>, vector<1x16xf32>,
      %get3A_471 = vector.shape_cast %get3A_470 : vector<1x16xf32> to vector<16xf32>
      %get3A_472 = arith.index_cast %add3A_433 : i32 to index
      %get3A_473 = arith.constant 32 : index
      %get3A_474 = tpu.vector_load %arg12[%get3A_472, %get3A_473] {strides = array<i32>} : memref<512x64xf32, #tpu.memory_space<vmem>>, vector<1x16xf32>,
      %get3A_475 = vector.shape_cast %get3A_474 : vector<1x16xf32> to vector<16xf32>
      %add3A_476 = arith.addf %get3A_471, %get3A_475 : vector<16xf32>
      %get3A_477 = arith.index_cast %add3A_433 : i32 to index
      %get3A_478 = arith.constant 32 : index
      %get3A_479 = tpu.vector_load %arg13[%get3A_477, %get3A_478] {strides = array<i32>} : memref<512x64xf32, #tpu.memory_space<vmem>>, vector<1x16xf32>,
      %get3A_480 = vector.shape_cast %get3A_479 : vector<1x16xf32> to vector<16xf32>
      %sub3A_481 = arith.subf %add3A_476, %get3A_480 : vector<16xf32>
      %mul3A_482 = arith.mulf %sub3A_481, %sub3A_481 : vector<16xf32>
      %add3A_483 = arith.addf %add3A_467, %mul3A_482 : vector<16xf32>
      %get3A_484 = arith.index_cast %add3A_433 : i32 to index
      %get3A_485 = arith.constant 48 : index
      %get3A_486 = tpu.vector_load %arg11[%get3A_484, %get3A_485] {strides = array<i32>} : memref<512x64xf32, #tpu.memory_space<vmem>>, vector<1x16xf32>,
      %get3A_487 = vector.shape_cast %get3A_486 : vector<1x16xf32> to vector<16xf32>
      %get3A_488 = arith.index_cast %add3A_433 : i32 to index
      %get3A_489 = arith.constant 48 : index
      %get3A_490 = tpu.vector_load %arg12[%get3A_488, %get3A_489] {strides = array<i32>} : memref<512x64xf32, #tpu.memory_space<vmem>>, vector<1x16xf32>,
      %get3A_491 = vector.shape_cast %get3A_490 : vector<1x16xf32> to vector<16xf32>
      %add3A_492 = arith.addf %get3A_487, %get3A_491 : vector<16xf32>
      %get3A_493 = arith.index_cast %add3A_433 : i32 to index
      %get3A_494 = arith.constant 48 : index
      %get3A_495 = tpu.vector_load %arg13[%get3A_493, %get3A_494] {strides = array<i32>} : memref<512x64xf32, #tpu.memory_space<vmem>>, vector<1x16xf32>,
      %get3A_496 = vector.shape_cast %get3A_495 : vector<1x16xf32> to vector<16xf32>
      %sub3A_497 = arith.subf %add3A_492, %get3A_496 : vector<16xf32>
      %mul3A_498 = arith.mulf %sub3A_497, %sub3A_497 : vector<16xf32>
      %add3A_499 = arith.addf %add3A_483, %mul3A_498 : vector<16xf32>
      %xor3A_500 = arith.constant 8 : i32
      %xor3A_501 = vector.broadcast %xor3A_500 : i32 to vector<16xi32>
      %xor3A_502 = arith.xori %iota3A, %xor3A_501 : vector<16xi32>
      %broadcast_in_dim3A_503 = vector.shape_cast %xor3A_502 : vector<16xi32> to vector<16x1xi32>
      %gather3A_504 = vector.shape_cast %broadcast_in_dim3A_503 : vector<16x1xi32> to vector<16xi32>
      %gather3A_505 = tpu.dynamic_gather %add3A_499[%gather3A_504] in [0] : vector<16xf32>, vector<16xi32> -> vector<16xf32>
      %add3A_506 = arith.addf %add3A_499, %gather3A_505 : vector<16xf32>
      %xor3A_507 = arith.constant 4 : i32
      %xor3A_508 = vector.broadcast %xor3A_507 : i32 to vector<16xi32>
      %xor3A_509 = arith.xori %iota3A, %xor3A_508 : vector<16xi32>
      %broadcast_in_dim3A_510 = vector.shape_cast %xor3A_509 : vector<16xi32> to vector<16x1xi32>
      %gather3A_511 = vector.shape_cast %broadcast_in_dim3A_510 : vector<16x1xi32> to vector<16xi32>
      %gather3A_512 = tpu.dynamic_gather %add3A_506[%gather3A_511] in [0] : vector<16xf32>, vector<16xi32> -> vector<16xf32>
      %add3A_513 = arith.addf %add3A_506, %gather3A_512 : vector<16xf32>
      %xor3A_514 = arith.constant 2 : i32
      %xor3A_515 = vector.broadcast %xor3A_514 : i32 to vector<16xi32>
      %xor3A_516 = arith.xori %iota3A, %xor3A_515 : vector<16xi32>
      %broadcast_in_dim3A_517 = vector.shape_cast %xor3A_516 : vector<16xi32> to vector<16x1xi32>
      %gather3A_518 = vector.shape_cast %broadcast_in_dim3A_517 : vector<16x1xi32> to vector<16xi32>
      %gather3A_519 = tpu.dynamic_gather %add3A_513[%gather3A_518] in [0] : vector<16xf32>, vector<16xi32> -> vector<16xf32>
      %add3A_520 = arith.addf %add3A_513, %gather3A_519 : vector<16xf32>
      %xor3A_521 = arith.constant 1 : i32
      %xor3A_522 = vector.broadcast %xor3A_521 : i32 to vector<16xi32>
      %xor3A_523 = arith.xori %iota3A, %xor3A_522 : vector<16xi32>
      %broadcast_in_dim3A_524 = vector.shape_cast %xor3A_523 : vector<16xi32> to vector<16x1xi32>
      %gather3A_525 = vector.shape_cast %broadcast_in_dim3A_524 : vector<16x1xi32> to vector<16xi32>
      %gather3A_526 = tpu.dynamic_gather %add3A_520[%gather3A_525] in [0] : vector<16xf32>, vector<16xi32> -> vector<16xf32>
      %add3A_527 = arith.addf %add3A_520, %gather3A_526 : vector<16xf32>
      %eq3A_528 = arith.constant 4 : i32
      %eq3A_529 = vector.broadcast %eq3A_528 : i32 to vector<16xi32>
      %eq3A_530 = arith.cmpi eq, %iota3A, %eq3A_529 : vector<16xi32>
      %select_n3A_531 = arith.select %eq3A_530, %add3A_527, %select_n3A_429 : vector<16xi1>, vector<16xf32>
      %mul3A_532 = arith.constant 16 : i32
      %mul3A_533 = arith.muli %scan3A_25, %mul3A_532 : i32
      %add3A_534 = arith.constant 5 : i32
      %add3A_535 = arith.addi %mul3A_533, %add3A_534 : i32
      %broadcast_in_dim3A_536 = arith.constant 0.000000e+00 : f32
      %broadcast_in_dim3A_537 = vector.broadcast %broadcast_in_dim3A_536 : f32 to vector<16xf32>
      %get3A_538 = arith.index_cast %add3A_535 : i32 to index
      %get3A_539 = arith.constant 0 : index
      %get3A_540 = tpu.vector_load %arg11[%get3A_538, %get3A_539] {strides = array<i32>} : memref<512x64xf32, #tpu.memory_space<vmem>>, vector<1x16xf32>,
      %get3A_541 = vector.shape_cast %get3A_540 : vector<1x16xf32> to vector<16xf32>
      %get3A_542 = arith.index_cast %add3A_535 : i32 to index
      %get3A_543 = arith.constant 0 : index
      %get3A_544 = tpu.vector_load %arg12[%get3A_542, %get3A_543] {strides = array<i32>} : memref<512x64xf32, #tpu.memory_space<vmem>>, vector<1x16xf32>,
      %get3A_545 = vector.shape_cast %get3A_544 : vector<1x16xf32> to vector<16xf32>
      %add3A_546 = arith.addf %get3A_541, %get3A_545 : vector<16xf32>
      %get3A_547 = arith.index_cast %add3A_535 : i32 to index
      %get3A_548 = arith.constant 0 : index
      %get3A_549 = tpu.vector_load %arg13[%get3A_547, %get3A_548] {strides = array<i32>} : memref<512x64xf32, #tpu.memory_space<vmem>>, vector<1x16xf32>,
      %get3A_550 = vector.shape_cast %get3A_549 : vector<1x16xf32> to vector<16xf32>
      %sub3A_551 = arith.subf %add3A_546, %get3A_550 : vector<16xf32>
      %mul3A_552 = arith.mulf %sub3A_551, %sub3A_551 : vector<16xf32>
      %add3A_553 = arith.addf %broadcast_in_dim3A_537, %mul3A_552 : vector<16xf32>
      %get3A_554 = arith.index_cast %add3A_535 : i32 to index
      %get3A_555 = arith.constant 16 : index
      %get3A_556 = tpu.vector_load %arg11[%get3A_554, %get3A_555] {strides = array<i32>} : memref<512x64xf32, #tpu.memory_space<vmem>>, vector<1x16xf32>,
      %get3A_557 = vector.shape_cast %get3A_556 : vector<1x16xf32> to vector<16xf32>
      %get3A_558 = arith.index_cast %add3A_535 : i32 to index
      %get3A_559 = arith.constant 16 : index
      %get3A_560 = tpu.vector_load %arg12[%get3A_558, %get3A_559] {strides = array<i32>} : memref<512x64xf32, #tpu.memory_space<vmem>>, vector<1x16xf32>,
      %get3A_561 = vector.shape_cast %get3A_560 : vector<1x16xf32> to vector<16xf32>
      %add3A_562 = arith.addf %get3A_557, %get3A_561 : vector<16xf32>
      %get3A_563 = arith.index_cast %add3A_535 : i32 to index
      %get3A_564 = arith.constant 16 : index
      %get3A_565 = tpu.vector_load %arg13[%get3A_563, %get3A_564] {strides = array<i32>} : memref<512x64xf32, #tpu.memory_space<vmem>>, vector<1x16xf32>,
      %get3A_566 = vector.shape_cast %get3A_565 : vector<1x16xf32> to vector<16xf32>
      %sub3A_567 = arith.subf %add3A_562, %get3A_566 : vector<16xf32>
      %mul3A_568 = arith.mulf %sub3A_567, %sub3A_567 : vector<16xf32>
      %add3A_569 = arith.addf %add3A_553, %mul3A_568 : vector<16xf32>
      %get3A_570 = arith.index_cast %add3A_535 : i32 to index
      %get3A_571 = arith.constant 32 : index
      %get3A_572 = tpu.vector_load %arg11[%get3A_570, %get3A_571] {strides = array<i32>} : memref<512x64xf32, #tpu.memory_space<vmem>>, vector<1x16xf32>,
      %get3A_573 = vector.shape_cast %get3A_572 : vector<1x16xf32> to vector<16xf32>
      %get3A_574 = arith.index_cast %add3A_535 : i32 to index
      %get3A_575 = arith.constant 32 : index
      %get3A_576 = tpu.vector_load %arg12[%get3A_574, %get3A_575] {strides = array<i32>} : memref<512x64xf32, #tpu.memory_space<vmem>>, vector<1x16xf32>,
      %get3A_577 = vector.shape_cast %get3A_576 : vector<1x16xf32> to vector<16xf32>
      %add3A_578 = arith.addf %get3A_573, %get3A_577 : vector<16xf32>
      %get3A_579 = arith.index_cast %add3A_535 : i32 to index
      %get3A_580 = arith.constant 32 : index
      %get3A_581 = tpu.vector_load %arg13[%get3A_579, %get3A_580] {strides = array<i32>} : memref<512x64xf32, #tpu.memory_space<vmem>>, vector<1x16xf32>,
      %get3A_582 = vector.shape_cast %get3A_581 : vector<1x16xf32> to vector<16xf32>
      %sub3A_583 = arith.subf %add3A_578, %get3A_582 : vector<16xf32>
      %mul3A_584 = arith.mulf %sub3A_583, %sub3A_583 : vector<16xf32>
      %add3A_585 = arith.addf %add3A_569, %mul3A_584 : vector<16xf32>
      %get3A_586 = arith.index_cast %add3A_535 : i32 to index
      %get3A_587 = arith.constant 48 : index
      %get3A_588 = tpu.vector_load %arg11[%get3A_586, %get3A_587] {strides = array<i32>} : memref<512x64xf32, #tpu.memory_space<vmem>>, vector<1x16xf32>,
      %get3A_589 = vector.shape_cast %get3A_588 : vector<1x16xf32> to vector<16xf32>
      %get3A_590 = arith.index_cast %add3A_535 : i32 to index
      %get3A_591 = arith.constant 48 : index
      %get3A_592 = tpu.vector_load %arg12[%get3A_590, %get3A_591] {strides = array<i32>} : memref<512x64xf32, #tpu.memory_space<vmem>>, vector<1x16xf32>,
      %get3A_593 = vector.shape_cast %get3A_592 : vector<1x16xf32> to vector<16xf32>
      %add3A_594 = arith.addf %get3A_589, %get3A_593 : vector<16xf32>
      %get3A_595 = arith.index_cast %add3A_535 : i32 to index
      %get3A_596 = arith.constant 48 : index
      %get3A_597 = tpu.vector_load %arg13[%get3A_595, %get3A_596] {strides = array<i32>} : memref<512x64xf32, #tpu.memory_space<vmem>>, vector<1x16xf32>,
      %get3A_598 = vector.shape_cast %get3A_597 : vector<1x16xf32> to vector<16xf32>
      %sub3A_599 = arith.subf %add3A_594, %get3A_598 : vector<16xf32>
      %mul3A_600 = arith.mulf %sub3A_599, %sub3A_599 : vector<16xf32>
      %add3A_601 = arith.addf %add3A_585, %mul3A_600 : vector<16xf32>
      %xor3A_602 = arith.constant 8 : i32
      %xor3A_603 = vector.broadcast %xor3A_602 : i32 to vector<16xi32>
      %xor3A_604 = arith.xori %iota3A, %xor3A_603 : vector<16xi32>
      %broadcast_in_dim3A_605 = vector.shape_cast %xor3A_604 : vector<16xi32> to vector<16x1xi32>
      %gather3A_606 = vector.shape_cast %broadcast_in_dim3A_605 : vector<16x1xi32> to vector<16xi32>
      %gather3A_607 = tpu.dynamic_gather %add3A_601[%gather3A_606] in [0] : vector<16xf32>, vector<16xi32> -> vector<16xf32>
      %add3A_608 = arith.addf %add3A_601, %gather3A_607 : vector<16xf32>
      %xor3A_609 = arith.constant 4 : i32
      %xor3A_610 = vector.broadcast %xor3A_609 : i32 to vector<16xi32>
      %xor3A_611 = arith.xori %iota3A, %xor3A_610 : vector<16xi32>
      %broadcast_in_dim3A_612 = vector.shape_cast %xor3A_611 : vector<16xi32> to vector<16x1xi32>
      %gather3A_613 = vector.shape_cast %broadcast_in_dim3A_612 : vector<16x1xi32> to vector<16xi32>
      %gather3A_614 = tpu.dynamic_gather %add3A_608[%gather3A_613] in [0] : vector<16xf32>, vector<16xi32> -> vector<16xf32>
      %add3A_615 = arith.addf %add3A_608, %gather3A_614 : vector<16xf32>
      %xor3A_616 = arith.constant 2 : i32
      %xor3A_617 = vector.broadcast %xor3A_616 : i32 to vector<16xi32>
      %xor3A_618 = arith.xori %iota3A, %xor3A_617 : vector<16xi32>
      %broadcast_in_dim3A_619 = vector.shape_cast %xor3A_618 : vector<16xi32> to vector<16x1xi32>
      %gather3A_620 = vector.shape_cast %broadcast_in_dim3A_619 : vector<16x1xi32> to vector<16xi32>
      %gather3A_621 = tpu.dynamic_gather %add3A_615[%gather3A_620] in [0] : vector<16xf32>, vector<16xi32> -> vector<16xf32>
      %add3A_622 = arith.addf %add3A_615, %gather3A_621 : vector<16xf32>
      %xor3A_623 = arith.constant 1 : i32
      %xor3A_624 = vector.broadcast %xor3A_623 : i32 to vector<16xi32>
      %xor3A_625 = arith.xori %iota3A, %xor3A_624 : vector<16xi32>
      %broadcast_in_dim3A_626 = vector.shape_cast %xor3A_625 : vector<16xi32> to vector<16x1xi32>
      %gather3A_627 = vector.shape_cast %broadcast_in_dim3A_626 : vector<16x1xi32> to vector<16xi32>
      %gather3A_628 = tpu.dynamic_gather %add3A_622[%gather3A_627] in [0] : vector<16xf32>, vector<16xi32> -> vector<16xf32>
      %add3A_629 = arith.addf %add3A_622, %gather3A_628 : vector<16xf32>
      %eq3A_630 = arith.constant 5 : i32
      %eq3A_631 = vector.broadcast %eq3A_630 : i32 to vector<16xi32>
      %eq3A_632 = arith.cmpi eq, %iota3A, %eq3A_631 : vector<16xi32>
      %select_n3A_633 = arith.select %eq3A_632, %add3A_629, %select_n3A_531 : vector<16xi1>, vector<16xf32>
      %mul3A_634 = arith.constant 16 : i32
      %mul3A_635 = arith.muli %scan3A_25, %mul3A_634 : i32
      %add3A_636 = arith.constant 6 : i32
      %add3A_637 = arith.addi %mul3A_635, %add3A_636 : i32
      %broadcast_in_dim3A_638 = arith.constant 0.000000e+00 : f32
      %broadcast_in_dim3A_639 = vector.broadcast %broadcast_in_dim3A_638 : f32 to vector<16xf32>
      %get3A_640 = arith.index_cast %add3A_637 : i32 to index
      %get3A_641 = arith.constant 0 : index
      %get3A_642 = tpu.vector_load %arg11[%get3A_640, %get3A_641] {strides = array<i32>} : memref<512x64xf32, #tpu.memory_space<vmem>>, vector<1x16xf32>,
      %get3A_643 = vector.shape_cast %get3A_642 : vector<1x16xf32> to vector<16xf32>
      %get3A_644 = arith.index_cast %add3A_637 : i32 to index
      %get3A_645 = arith.constant 0 : index
      %get3A_646 = tpu.vector_load %arg12[%get3A_644, %get3A_645] {strides = array<i32>} : memref<512x64xf32, #tpu.memory_space<vmem>>, vector<1x16xf32>,
      %get3A_647 = vector.shape_cast %get3A_646 : vector<1x16xf32> to vector<16xf32>
      %add3A_648 = arith.addf %get3A_643, %get3A_647 : vector<16xf32>
      %get3A_649 = arith.index_cast %add3A_637 : i32 to index
      %get3A_650 = arith.constant 0 : index
      %get3A_651 = tpu.vector_load %arg13[%get3A_649, %get3A_650] {strides = array<i32>} : memref<512x64xf32, #tpu.memory_space<vmem>>, vector<1x16xf32>,
      %get3A_652 = vector.shape_cast %get3A_651 : vector<1x16xf32> to vector<16xf32>
      %sub3A_653 = arith.subf %add3A_648, %get3A_652 : vector<16xf32>
      %mul3A_654 = arith.mulf %sub3A_653, %sub3A_653 : vector<16xf32>
      %add3A_655 = arith.addf %broadcast_in_dim3A_639, %mul3A_654 : vector<16xf32>
      %get3A_656 = arith.index_cast %add3A_637 : i32 to index
      %get3A_657 = arith.constant 16 : index
      %get3A_658 = tpu.vector_load %arg11[%get3A_656, %get3A_657] {strides = array<i32>} : memref<512x64xf32, #tpu.memory_space<vmem>>, vector<1x16xf32>,
      %get3A_659 = vector.shape_cast %get3A_658 : vector<1x16xf32> to vector<16xf32>
      %get3A_660 = arith.index_cast %add3A_637 : i32 to index
      %get3A_661 = arith.constant 16 : index
      %get3A_662 = tpu.vector_load %arg12[%get3A_660, %get3A_661] {strides = array<i32>} : memref<512x64xf32, #tpu.memory_space<vmem>>, vector<1x16xf32>,
      %get3A_663 = vector.shape_cast %get3A_662 : vector<1x16xf32> to vector<16xf32>
      %add3A_664 = arith.addf %get3A_659, %get3A_663 : vector<16xf32>
      %get3A_665 = arith.index_cast %add3A_637 : i32 to index
      %get3A_666 = arith.constant 16 : index
      %get3A_667 = tpu.vector_load %arg13[%get3A_665, %get3A_666] {strides = array<i32>} : memref<512x64xf32, #tpu.memory_space<vmem>>, vector<1x16xf32>,
      %get3A_668 = vector.shape_cast %get3A_667 : vector<1x16xf32> to vector<16xf32>
      %sub3A_669 = arith.subf %add3A_664, %get3A_668 : vector<16xf32>
      %mul3A_670 = arith.mulf %sub3A_669, %sub3A_669 : vector<16xf32>
      %add3A_671 = arith.addf %add3A_655, %mul3A_670 : vector<16xf32>
      %get3A_672 = arith.index_cast %add3A_637 : i32 to index
      %get3A_673 = arith.constant 32 : index
      %get3A_674 = tpu.vector_load %arg11[%get3A_672, %get3A_673] {strides = array<i32>} : memref<512x64xf32, #tpu.memory_space<vmem>>, vector<1x16xf32>,
      %get3A_675 = vector.shape_cast %get3A_674 : vector<1x16xf32> to vector<16xf32>
      %get3A_676 = arith.index_cast %add3A_637 : i32 to index
      %get3A_677 = arith.constant 32 : index
      %get3A_678 = tpu.vector_load %arg12[%get3A_676, %get3A_677] {strides = array<i32>} : memref<512x64xf32, #tpu.memory_space<vmem>>, vector<1x16xf32>,
      %get3A_679 = vector.shape_cast %get3A_678 : vector<1x16xf32> to vector<16xf32>
      %add3A_680 = arith.addf %get3A_675, %get3A_679 : vector<16xf32>
      %get3A_681 = arith.index_cast %add3A_637 : i32 to index
      %get3A_682 = arith.constant 32 : index
      %get3A_683 = tpu.vector_load %arg13[%get3A_681, %get3A_682] {strides = array<i32>} : memref<512x64xf32, #tpu.memory_space<vmem>>, vector<1x16xf32>,
      %get3A_684 = vector.shape_cast %get3A_683 : vector<1x16xf32> to vector<16xf32>
      %sub3A_685 = arith.subf %add3A_680, %get3A_684 : vector<16xf32>
      %mul3A_686 = arith.mulf %sub3A_685, %sub3A_685 : vector<16xf32>
      %add3A_687 = arith.addf %add3A_671, %mul3A_686 : vector<16xf32>
      %get3A_688 = arith.index_cast %add3A_637 : i32 to index
      %get3A_689 = arith.constant 48 : index
      %get3A_690 = tpu.vector_load %arg11[%get3A_688, %get3A_689] {strides = array<i32>} : memref<512x64xf32, #tpu.memory_space<vmem>>, vector<1x16xf32>,
      %get3A_691 = vector.shape_cast %get3A_690 : vector<1x16xf32> to vector<16xf32>
      %get3A_692 = arith.index_cast %add3A_637 : i32 to index
      %get3A_693 = arith.constant 48 : index
      %get3A_694 = tpu.vector_load %arg12[%get3A_692, %get3A_693] {strides = array<i32>} : memref<512x64xf32, #tpu.memory_space<vmem>>, vector<1x16xf32>,
      %get3A_695 = vector.shape_cast %get3A_694 : vector<1x16xf32> to vector<16xf32>
      %add3A_696 = arith.addf %get3A_691, %get3A_695 : vector<16xf32>
      %get3A_697 = arith.index_cast %add3A_637 : i32 to index
      %get3A_698 = arith.constant 48 : index
      %get3A_699 = tpu.vector_load %arg13[%get3A_697, %get3A_698] {strides = array<i32>} : memref<512x64xf32, #tpu.memory_space<vmem>>, vector<1x16xf32>,
      %get3A_700 = vector.shape_cast %get3A_699 : vector<1x16xf32> to vector<16xf32>
      %sub3A_701 = arith.subf %add3A_696, %get3A_700 : vector<16xf32>
      %mul3A_702 = arith.mulf %sub3A_701, %sub3A_701 : vector<16xf32>
      %add3A_703 = arith.addf %add3A_687, %mul3A_702 : vector<16xf32>
      %xor3A_704 = arith.constant 8 : i32
      %xor3A_705 = vector.broadcast %xor3A_704 : i32 to vector<16xi32>
      %xor3A_706 = arith.xori %iota3A, %xor3A_705 : vector<16xi32>
      %broadcast_in_dim3A_707 = vector.shape_cast %xor3A_706 : vector<16xi32> to vector<16x1xi32>
      %gather3A_708 = vector.shape_cast %broadcast_in_dim3A_707 : vector<16x1xi32> to vector<16xi32>
      %gather3A_709 = tpu.dynamic_gather %add3A_703[%gather3A_708] in [0] : vector<16xf32>, vector<16xi32> -> vector<16xf32>
      %add3A_710 = arith.addf %add3A_703, %gather3A_709 : vector<16xf32>
      %xor3A_711 = arith.constant 4 : i32
      %xor3A_712 = vector.broadcast %xor3A_711 : i32 to vector<16xi32>
      %xor3A_713 = arith.xori %iota3A, %xor3A_712 : vector<16xi32>
      %broadcast_in_dim3A_714 = vector.shape_cast %xor3A_713 : vector<16xi32> to vector<16x1xi32>
      %gather3A_715 = vector.shape_cast %broadcast_in_dim3A_714 : vector<16x1xi32> to vector<16xi32>
      %gather3A_716 = tpu.dynamic_gather %add3A_710[%gather3A_715] in [0] : vector<16xf32>, vector<16xi32> -> vector<16xf32>
      %add3A_717 = arith.addf %add3A_710, %gather3A_716 : vector<16xf32>
      %xor3A_718 = arith.constant 2 : i32
      %xor3A_719 = vector.broadcast %xor3A_718 : i32 to vector<16xi32>
      %xor3A_720 = arith.xori %iota3A, %xor3A_719 : vector<16xi32>
      %broadcast_in_dim3A_721 = vector.shape_cast %xor3A_720 : vector<16xi32> to vector<16x1xi32>
      %gather3A_722 = vector.shape_cast %broadcast_in_dim3A_721 : vector<16x1xi32> to vector<16xi32>
      %gather3A_723 = tpu.dynamic_gather %add3A_717[%gather3A_722] in [0] : vector<16xf32>, vector<16xi32> -> vector<16xf32>
      %add3A_724 = arith.addf %add3A_717, %gather3A_723 : vector<16xf32>
      %xor3A_725 = arith.constant 1 : i32
      %xor3A_726 = vector.broadcast %xor3A_725 : i32 to vector<16xi32>
      %xor3A_727 = arith.xori %iota3A, %xor3A_726 : vector<16xi32>
      %broadcast_in_dim3A_728 = vector.shape_cast %xor3A_727 : vector<16xi32> to vector<16x1xi32>
      %gather3A_729 = vector.shape_cast %broadcast_in_dim3A_728 : vector<16x1xi32> to vector<16xi32>
      %gather3A_730 = tpu.dynamic_gather %add3A_724[%gather3A_729] in [0] : vector<16xf32>, vector<16xi32> -> vector<16xf32>
      %add3A_731 = arith.addf %add3A_724, %gather3A_730 : vector<16xf32>
      %eq3A_732 = arith.constant 6 : i32
      %eq3A_733 = vector.broadcast %eq3A_732 : i32 to vector<16xi32>
      %eq3A_734 = arith.cmpi eq, %iota3A, %eq3A_733 : vector<16xi32>
      %select_n3A_735 = arith.select %eq3A_734, %add3A_731, %select_n3A_633 : vector<16xi1>, vector<16xf32>
      %mul3A_736 = arith.constant 16 : i32
      %mul3A_737 = arith.muli %scan3A_25, %mul3A_736 : i32
      %add3A_738 = arith.constant 7 : i32
      %add3A_739 = arith.addi %mul3A_737, %add3A_738 : i32
      %broadcast_in_dim3A_740 = arith.constant 0.000000e+00 : f32
      %broadcast_in_dim3A_741 = vector.broadcast %broadcast_in_dim3A_740 : f32 to vector<16xf32>
      %get3A_742 = arith.index_cast %add3A_739 : i32 to index
      %get3A_743 = arith.constant 0 : index
      %get3A_744 = tpu.vector_load %arg11[%get3A_742, %get3A_743] {strides = array<i32>} : memref<512x64xf32, #tpu.memory_space<vmem>>, vector<1x16xf32>,
      %get3A_745 = vector.shape_cast %get3A_744 : vector<1x16xf32> to vector<16xf32>
      %get3A_746 = arith.index_cast %add3A_739 : i32 to index
      %get3A_747 = arith.constant 0 : index
      %get3A_748 = tpu.vector_load %arg12[%get3A_746, %get3A_747] {strides = array<i32>} : memref<512x64xf32, #tpu.memory_space<vmem>>, vector<1x16xf32>,
      %get3A_749 = vector.shape_cast %get3A_748 : vector<1x16xf32> to vector<16xf32>
      %add3A_750 = arith.addf %get3A_745, %get3A_749 : vector<16xf32>
      %get3A_751 = arith.index_cast %add3A_739 : i32 to index
      %get3A_752 = arith.constant 0 : index
      %get3A_753 = tpu.vector_load %arg13[%get3A_751, %get3A_752] {strides = array<i32>} : memref<512x64xf32, #tpu.memory_space<vmem>>, vector<1x16xf32>,
      %get3A_754 = vector.shape_cast %get3A_753 : vector<1x16xf32> to vector<16xf32>
      %sub3A_755 = arith.subf %add3A_750, %get3A_754 : vector<16xf32>
      %mul3A_756 = arith.mulf %sub3A_755, %sub3A_755 : vector<16xf32>
      %add3A_757 = arith.addf %broadcast_in_dim3A_741, %mul3A_756 : vector<16xf32>
      %get3A_758 = arith.index_cast %add3A_739 : i32 to index
      %get3A_759 = arith.constant 16 : index
      %get3A_760 = tpu.vector_load %arg11[%get3A_758, %get3A_759] {strides = array<i32>} : memref<512x64xf32, #tpu.memory_space<vmem>>, vector<1x16xf32>,
      %get3A_761 = vector.shape_cast %get3A_760 : vector<1x16xf32> to vector<16xf32>
      %get3A_762 = arith.index_cast %add3A_739 : i32 to index
      %get3A_763 = arith.constant 16 : index
      %get3A_764 = tpu.vector_load %arg12[%get3A_762, %get3A_763] {strides = array<i32>} : memref<512x64xf32, #tpu.memory_space<vmem>>, vector<1x16xf32>,
      %get3A_765 = vector.shape_cast %get3A_764 : vector<1x16xf32> to vector<16xf32>
      %add3A_766 = arith.addf %get3A_761, %get3A_765 : vector<16xf32>
      %get3A_767 = arith.index_cast %add3A_739 : i32 to index
      %get3A_768 = arith.constant 16 : index
      %get3A_769 = tpu.vector_load %arg13[%get3A_767, %get3A_768] {strides = array<i32>} : memref<512x64xf32, #tpu.memory_space<vmem>>, vector<1x16xf32>,
      %get3A_770 = vector.shape_cast %get3A_769 : vector<1x16xf32> to vector<16xf32>
      %sub3A_771 = arith.subf %add3A_766, %get3A_770 : vector<16xf32>
      %mul3A_772 = arith.mulf %sub3A_771, %sub3A_771 : vector<16xf32>
      %add3A_773 = arith.addf %add3A_757, %mul3A_772 : vector<16xf32>
      %get3A_774 = arith.index_cast %add3A_739 : i32 to index
      %get3A_775 = arith.constant 32 : index
      %get3A_776 = tpu.vector_load %arg11[%get3A_774, %get3A_775] {strides = array<i32>} : memref<512x64xf32, #tpu.memory_space<vmem>>, vector<1x16xf32>,
      %get3A_777 = vector.shape_cast %get3A_776 : vector<1x16xf32> to vector<16xf32>
      %get3A_778 = arith.index_cast %add3A_739 : i32 to index
      %get3A_779 = arith.constant 32 : index
      %get3A_780 = tpu.vector_load %arg12[%get3A_778, %get3A_779] {strides = array<i32>} : memref<512x64xf32, #tpu.memory_space<vmem>>, vector<1x16xf32>,
      %get3A_781 = vector.shape_cast %get3A_780 : vector<1x16xf32> to vector<16xf32>
      %add3A_782 = arith.addf %get3A_777, %get3A_781 : vector<16xf32>
      %get3A_783 = arith.index_cast %add3A_739 : i32 to index
      %get3A_784 = arith.constant 32 : index
      %get3A_785 = tpu.vector_load %arg13[%get3A_783, %get3A_784] {strides = array<i32>} : memref<512x64xf32, #tpu.memory_space<vmem>>, vector<1x16xf32>,
      %get3A_786 = vector.shape_cast %get3A_785 : vector<1x16xf32> to vector<16xf32>
      %sub3A_787 = arith.subf %add3A_782, %get3A_786 : vector<16xf32>
      %mul3A_788 = arith.mulf %sub3A_787, %sub3A_787 : vector<16xf32>
      %add3A_789 = arith.addf %add3A_773, %mul3A_788 : vector<16xf32>
      %get3A_790 = arith.index_cast %add3A_739 : i32 to index
      %get3A_791 = arith.constant 48 : index
      %get3A_792 = tpu.vector_load %arg11[%get3A_790, %get3A_791] {strides = array<i32>} : memref<512x64xf32, #tpu.memory_space<vmem>>, vector<1x16xf32>,
      %get3A_793 = vector.shape_cast %get3A_792 : vector<1x16xf32> to vector<16xf32>
      %get3A_794 = arith.index_cast %add3A_739 : i32 to index
      %get3A_795 = arith.constant 48 : index
      %get3A_796 = tpu.vector_load %arg12[%get3A_794, %get3A_795] {strides = array<i32>} : memref<512x64xf32, #tpu.memory_space<vmem>>, vector<1x16xf32>,
      %get3A_797 = vector.shape_cast %get3A_796 : vector<1x16xf32> to vector<16xf32>
      %add3A_798 = arith.addf %get3A_793, %get3A_797 : vector<16xf32>
      %get3A_799 = arith.index_cast %add3A_739 : i32 to index
      %get3A_800 = arith.constant 48 : index
      %get3A_801 = tpu.vector_load %arg13[%get3A_799, %get3A_800] {strides = array<i32>} : memref<512x64xf32, #tpu.memory_space<vmem>>, vector<1x16xf32>,
      %get3A_802 = vector.shape_cast %get3A_801 : vector<1x16xf32> to vector<16xf32>
      %sub3A_803 = arith.subf %add3A_798, %get3A_802 : vector<16xf32>
      %mul3A_804 = arith.mulf %sub3A_803, %sub3A_803 : vector<16xf32>
      %add3A_805 = arith.addf %add3A_789, %mul3A_804 : vector<16xf32>
      %xor3A_806 = arith.constant 8 : i32
      %xor3A_807 = vector.broadcast %xor3A_806 : i32 to vector<16xi32>
      %xor3A_808 = arith.xori %iota3A, %xor3A_807 : vector<16xi32>
      %broadcast_in_dim3A_809 = vector.shape_cast %xor3A_808 : vector<16xi32> to vector<16x1xi32>
      %gather3A_810 = vector.shape_cast %broadcast_in_dim3A_809 : vector<16x1xi32> to vector<16xi32>
      %gather3A_811 = tpu.dynamic_gather %add3A_805[%gather3A_810] in [0] : vector<16xf32>, vector<16xi32> -> vector<16xf32>
      %add3A_812 = arith.addf %add3A_805, %gather3A_811 : vector<16xf32>
      %xor3A_813 = arith.constant 4 : i32
      %xor3A_814 = vector.broadcast %xor3A_813 : i32 to vector<16xi32>
      %xor3A_815 = arith.xori %iota3A, %xor3A_814 : vector<16xi32>
      %broadcast_in_dim3A_816 = vector.shape_cast %xor3A_815 : vector<16xi32> to vector<16x1xi32>
      %gather3A_817 = vector.shape_cast %broadcast_in_dim3A_816 : vector<16x1xi32> to vector<16xi32>
      %gather3A_818 = tpu.dynamic_gather %add3A_812[%gather3A_817] in [0] : vector<16xf32>, vector<16xi32> -> vector<16xf32>
      %add3A_819 = arith.addf %add3A_812, %gather3A_818 : vector<16xf32>
      %xor3A_820 = arith.constant 2 : i32
      %xor3A_821 = vector.broadcast %xor3A_820 : i32 to vector<16xi32>
      %xor3A_822 = arith.xori %iota3A, %xor3A_821 : vector<16xi32>
      %broadcast_in_dim3A_823 = vector.shape_cast %xor3A_822 : vector<16xi32> to vector<16x1xi32>
      %gather3A_824 = vector.shape_cast %broadcast_in_dim3A_823 : vector<16x1xi32> to vector<16xi32>
      %gather3A_825 = tpu.dynamic_gather %add3A_819[%gather3A_824] in [0] : vector<16xf32>, vector<16xi32> -> vector<16xf32>
      %add3A_826 = arith.addf %add3A_819, %gather3A_825 : vector<16xf32>
      %xor3A_827 = arith.constant 1 : i32
      %xor3A_828 = vector.broadcast %xor3A_827 : i32 to vector<16xi32>
      %xor3A_829 = arith.xori %iota3A, %xor3A_828 : vector<16xi32>
      %broadcast_in_dim3A_830 = vector.shape_cast %xor3A_829 : vector<16xi32> to vector<16x1xi32>
      %gather3A_831 = vector.shape_cast %broadcast_in_dim3A_830 : vector<16x1xi32> to vector<16xi32>
      %gather3A_832 = tpu.dynamic_gather %add3A_826[%gather3A_831] in [0] : vector<16xf32>, vector<16xi32> -> vector<16xf32>
      %add3A_833 = arith.addf %add3A_826, %gather3A_832 : vector<16xf32>
      %eq3A_834 = arith.constant 7 : i32
      %eq3A_835 = vector.broadcast %eq3A_834 : i32 to vector<16xi32>
      %eq3A_836 = arith.cmpi eq, %iota3A, %eq3A_835 : vector<16xi32>
      %select_n3A_837 = arith.select %eq3A_836, %add3A_833, %select_n3A_735 : vector<16xi1>, vector<16xf32>
      %mul3A_838 = arith.constant 16 : i32
      %mul3A_839 = arith.muli %scan3A_25, %mul3A_838 : i32
      %add3A_840 = arith.constant 8 : i32
      %add3A_841 = arith.addi %mul3A_839, %add3A_840 : i32
      %broadcast_in_dim3A_842 = arith.constant 0.000000e+00 : f32
      %broadcast_in_dim3A_843 = vector.broadcast %broadcast_in_dim3A_842 : f32 to vector<16xf32>
      %get3A_844 = arith.index_cast %add3A_841 : i32 to index
      %get3A_845 = arith.constant 0 : index
      %get3A_846 = tpu.vector_load %arg11[%get3A_844, %get3A_845] {strides = array<i32>} : memref<512x64xf32, #tpu.memory_space<vmem>>, vector<1x16xf32>,
      %get3A_847 = vector.shape_cast %get3A_846 : vector<1x16xf32> to vector<16xf32>
      %get3A_848 = arith.index_cast %add3A_841 : i32 to index
      %get3A_849 = arith.constant 0 : index
      %get3A_850 = tpu.vector_load %arg12[%get3A_848, %get3A_849] {strides = array<i32>} : memref<512x64xf32, #tpu.memory_space<vmem>>, vector<1x16xf32>,
      %get3A_851 = vector.shape_cast %get3A_850 : vector<1x16xf32> to vector<16xf32>
      %add3A_852 = arith.addf %get3A_847, %get3A_851 : vector<16xf32>
      %get3A_853 = arith.index_cast %add3A_841 : i32 to index
      %get3A_854 = arith.constant 0 : index
      %get3A_855 = tpu.vector_load %arg13[%get3A_853, %get3A_854] {strides = array<i32>} : memref<512x64xf32, #tpu.memory_space<vmem>>, vector<1x16xf32>,
      %get3A_856 = vector.shape_cast %get3A_855 : vector<1x16xf32> to vector<16xf32>
      %sub3A_857 = arith.subf %add3A_852, %get3A_856 : vector<16xf32>
      %mul3A_858 = arith.mulf %sub3A_857, %sub3A_857 : vector<16xf32>
      %add3A_859 = arith.addf %broadcast_in_dim3A_843, %mul3A_858 : vector<16xf32>
      %get3A_860 = arith.index_cast %add3A_841 : i32 to index
      %get3A_861 = arith.constant 16 : index
      %get3A_862 = tpu.vector_load %arg11[%get3A_860, %get3A_861] {strides = array<i32>} : memref<512x64xf32, #tpu.memory_space<vmem>>, vector<1x16xf32>,
      %get3A_863 = vector.shape_cast %get3A_862 : vector<1x16xf32> to vector<16xf32>
      %get3A_864 = arith.index_cast %add3A_841 : i32 to index
      %get3A_865 = arith.constant 16 : index
      %get3A_866 = tpu.vector_load %arg12[%get3A_864, %get3A_865] {strides = array<i32>} : memref<512x64xf32, #tpu.memory_space<vmem>>, vector<1x16xf32>,
      %get3A_867 = vector.shape_cast %get3A_866 : vector<1x16xf32> to vector<16xf32>
      %add3A_868 = arith.addf %get3A_863, %get3A_867 : vector<16xf32>
      %get3A_869 = arith.index_cast %add3A_841 : i32 to index
      %get3A_870 = arith.constant 16 : index
      %get3A_871 = tpu.vector_load %arg13[%get3A_869, %get3A_870] {strides = array<i32>} : memref<512x64xf32, #tpu.memory_space<vmem>>, vector<1x16xf32>,
      %get3A_872 = vector.shape_cast %get3A_871 : vector<1x16xf32> to vector<16xf32>
      %sub3A_873 = arith.subf %add3A_868, %get3A_872 : vector<16xf32>
      %mul3A_874 = arith.mulf %sub3A_873, %sub3A_873 : vector<16xf32>
      %add3A_875 = arith.addf %add3A_859, %mul3A_874 : vector<16xf32>
      %get3A_876 = arith.index_cast %add3A_841 : i32 to index
      %get3A_877 = arith.constant 32 : index
      %get3A_878 = tpu.vector_load %arg11[%get3A_876, %get3A_877] {strides = array<i32>} : memref<512x64xf32, #tpu.memory_space<vmem>>, vector<1x16xf32>,
      %get3A_879 = vector.shape_cast %get3A_878 : vector<1x16xf32> to vector<16xf32>
      %get3A_880 = arith.index_cast %add3A_841 : i32 to index
      %get3A_881 = arith.constant 32 : index
      %get3A_882 = tpu.vector_load %arg12[%get3A_880, %get3A_881] {strides = array<i32>} : memref<512x64xf32, #tpu.memory_space<vmem>>, vector<1x16xf32>,
      %get3A_883 = vector.shape_cast %get3A_882 : vector<1x16xf32> to vector<16xf32>
      %add3A_884 = arith.addf %get3A_879, %get3A_883 : vector<16xf32>
      %get3A_885 = arith.index_cast %add3A_841 : i32 to index
      %get3A_886 = arith.constant 32 : index
      %get3A_887 = tpu.vector_load %arg13[%get3A_885, %get3A_886] {strides = array<i32>} : memref<512x64xf32, #tpu.memory_space<vmem>>, vector<1x16xf32>,
      %get3A_888 = vector.shape_cast %get3A_887 : vector<1x16xf32> to vector<16xf32>
      %sub3A_889 = arith.subf %add3A_884, %get3A_888 : vector<16xf32>
      %mul3A_890 = arith.mulf %sub3A_889, %sub3A_889 : vector<16xf32>
      %add3A_891 = arith.addf %add3A_875, %mul3A_890 : vector<16xf32>
      %get3A_892 = arith.index_cast %add3A_841 : i32 to index
      %get3A_893 = arith.constant 48 : index
      %get3A_894 = tpu.vector_load %arg11[%get3A_892, %get3A_893] {strides = array<i32>} : memref<512x64xf32, #tpu.memory_space<vmem>>, vector<1x16xf32>,
      %get3A_895 = vector.shape_cast %get3A_894 : vector<1x16xf32> to vector<16xf32>
      %get3A_896 = arith.index_cast %add3A_841 : i32 to index
      %get3A_897 = arith.constant 48 : index
      %get3A_898 = tpu.vector_load %arg12[%get3A_896, %get3A_897] {strides = array<i32>} : memref<512x64xf32, #tpu.memory_space<vmem>>, vector<1x16xf32>,
      %get3A_899 = vector.shape_cast %get3A_898 : vector<1x16xf32> to vector<16xf32>
      %add3A_900 = arith.addf %get3A_895, %get3A_899 : vector<16xf32>
      %get3A_901 = arith.index_cast %add3A_841 : i32 to index
      %get3A_902 = arith.constant 48 : index
      %get3A_903 = tpu.vector_load %arg13[%get3A_901, %get3A_902] {strides = array<i32>} : memref<512x64xf32, #tpu.memory_space<vmem>>, vector<1x16xf32>,
      %get3A_904 = vector.shape_cast %get3A_903 : vector<1x16xf32> to vector<16xf32>
      %sub3A_905 = arith.subf %add3A_900, %get3A_904 : vector<16xf32>
      %mul3A_906 = arith.mulf %sub3A_905, %sub3A_905 : vector<16xf32>
      %add3A_907 = arith.addf %add3A_891, %mul3A_906 : vector<16xf32>
      %xor3A_908 = arith.constant 8 : i32
      %xor3A_909 = vector.broadcast %xor3A_908 : i32 to vector<16xi32>
      %xor3A_910 = arith.xori %iota3A, %xor3A_909 : vector<16xi32>
      %broadcast_in_dim3A_911 = vector.shape_cast %xor3A_910 : vector<16xi32> to vector<16x1xi32>
      %gather3A_912 = vector.shape_cast %broadcast_in_dim3A_911 : vector<16x1xi32> to vector<16xi32>
      %gather3A_913 = tpu.dynamic_gather %add3A_907[%gather3A_912] in [0] : vector<16xf32>, vector<16xi32> -> vector<16xf32>
      %add3A_914 = arith.addf %add3A_907, %gather3A_913 : vector<16xf32>
      %xor3A_915 = arith.constant 4 : i32
      %xor3A_916 = vector.broadcast %xor3A_915 : i32 to vector<16xi32>
      %xor3A_917 = arith.xori %iota3A, %xor3A_916 : vector<16xi32>
      %broadcast_in_dim3A_918 = vector.shape_cast %xor3A_917 : vector<16xi32> to vector<16x1xi32>
      %gather3A_919 = vector.shape_cast %broadcast_in_dim3A_918 : vector<16x1xi32> to vector<16xi32>
      %gather3A_920 = tpu.dynamic_gather %add3A_914[%gather3A_919] in [0] : vector<16xf32>, vector<16xi32> -> vector<16xf32>
      %add3A_921 = arith.addf %add3A_914, %gather3A_920 : vector<16xf32>
      %xor3A_922 = arith.constant 2 : i32
      %xor3A_923 = vector.broadcast %xor3A_922 : i32 to vector<16xi32>
      %xor3A_924 = arith.xori %iota3A, %xor3A_923 : vector<16xi32>
      %broadcast_in_dim3A_925 = vector.shape_cast %xor3A_924 : vector<16xi32> to vector<16x1xi32>
      %gather3A_926 = vector.shape_cast %broadcast_in_dim3A_925 : vector<16x1xi32> to vector<16xi32>
      %gather3A_927 = tpu.dynamic_gather %add3A_921[%gather3A_926] in [0] : vector<16xf32>, vector<16xi32> -> vector<16xf32>
      %add3A_928 = arith.addf %add3A_921, %gather3A_927 : vector<16xf32>
      %xor3A_929 = arith.constant 1 : i32
      %xor3A_930 = vector.broadcast %xor3A_929 : i32 to vector<16xi32>
      %xor3A_931 = arith.xori %iota3A, %xor3A_930 : vector<16xi32>
      %broadcast_in_dim3A_932 = vector.shape_cast %xor3A_931 : vector<16xi32> to vector<16x1xi32>
      %gather3A_933 = vector.shape_cast %broadcast_in_dim3A_932 : vector<16x1xi32> to vector<16xi32>
      %gather3A_934 = tpu.dynamic_gather %add3A_928[%gather3A_933] in [0] : vector<16xf32>, vector<16xi32> -> vector<16xf32>
      %add3A_935 = arith.addf %add3A_928, %gather3A_934 : vector<16xf32>
      %eq3A_936 = arith.constant 8 : i32
      %eq3A_937 = vector.broadcast %eq3A_936 : i32 to vector<16xi32>
      %eq3A_938 = arith.cmpi eq, %iota3A, %eq3A_937 : vector<16xi32>
      %select_n3A_939 = arith.select %eq3A_938, %add3A_935, %select_n3A_837 : vector<16xi1>, vector<16xf32>
      %mul3A_940 = arith.constant 16 : i32
      %mul3A_941 = arith.muli %scan3A_25, %mul3A_940 : i32
      %add3A_942 = arith.constant 9 : i32
      %add3A_943 = arith.addi %mul3A_941, %add3A_942 : i32
      %broadcast_in_dim3A_944 = arith.constant 0.000000e+00 : f32
      %broadcast_in_dim3A_945 = vector.broadcast %broadcast_in_dim3A_944 : f32 to vector<16xf32>
      %get3A_946 = arith.index_cast %add3A_943 : i32 to index
      %get3A_947 = arith.constant 0 : index
      %get3A_948 = tpu.vector_load %arg11[%get3A_946, %get3A_947] {strides = array<i32>} : memref<512x64xf32, #tpu.memory_space<vmem>>, vector<1x16xf32>,
      %get3A_949 = vector.shape_cast %get3A_948 : vector<1x16xf32> to vector<16xf32>
      %get3A_950 = arith.index_cast %add3A_943 : i32 to index
      %get3A_951 = arith.constant 0 : index
      %get3A_952 = tpu.vector_load %arg12[%get3A_950, %get3A_951] {strides = array<i32>} : memref<512x64xf32, #tpu.memory_space<vmem>>, vector<1x16xf32>,
      %get3A_953 = vector.shape_cast %get3A_952 : vector<1x16xf32> to vector<16xf32>
      %add3A_954 = arith.addf %get3A_949, %get3A_953 : vector<16xf32>
      %get3A_955 = arith.index_cast %add3A_943 : i32 to index
      %get3A_956 = arith.constant 0 : index
      %get3A_957 = tpu.vector_load %arg13[%get3A_955, %get3A_956] {strides = array<i32>} : memref<512x64xf32, #tpu.memory_space<vmem>>, vector<1x16xf32>,
      %get3A_958 = vector.shape_cast %get3A_957 : vector<1x16xf32> to vector<16xf32>
      %sub3A_959 = arith.subf %add3A_954, %get3A_958 : vector<16xf32>
      %mul3A_960 = arith.mulf %sub3A_959, %sub3A_959 : vector<16xf32>
      %add3A_961 = arith.addf %broadcast_in_dim3A_945, %mul3A_960 : vector<16xf32>
      %get3A_962 = arith.index_cast %add3A_943 : i32 to index
      %get3A_963 = arith.constant 16 : index
      %get3A_964 = tpu.vector_load %arg11[%get3A_962, %get3A_963] {strides = array<i32>} : memref<512x64xf32, #tpu.memory_space<vmem>>, vector<1x16xf32>,
      %get3A_965 = vector.shape_cast %get3A_964 : vector<1x16xf32> to vector<16xf32>
      %get3A_966 = arith.index_cast %add3A_943 : i32 to index
      %get3A_967 = arith.constant 16 : index
      %get3A_968 = tpu.vector_load %arg12[%get3A_966, %get3A_967] {strides = array<i32>} : memref<512x64xf32, #tpu.memory_space<vmem>>, vector<1x16xf32>,
      %get3A_969 = vector.shape_cast %get3A_968 : vector<1x16xf32> to vector<16xf32>
      %add3A_970 = arith.addf %get3A_965, %get3A_969 : vector<16xf32>
      %get3A_971 = arith.index_cast %add3A_943 : i32 to index
      %get3A_972 = arith.constant 16 : index
      %get3A_973 = tpu.vector_load %arg13[%get3A_971, %get3A_972] {strides = array<i32>} : memref<512x64xf32, #tpu.memory_space<vmem>>, vector<1x16xf32>,
      %get3A_974 = vector.shape_cast %get3A_973 : vector<1x16xf32> to vector<16xf32>
      %sub3A_975 = arith.subf %add3A_970, %get3A_974 : vector<16xf32>
      %mul3A_976 = arith.mulf %sub3A_975, %sub3A_975 : vector<16xf32>
      %add3A_977 = arith.addf %add3A_961, %mul3A_976 : vector<16xf32>
      %get3A_978 = arith.index_cast %add3A_943 : i32 to index
      %get3A_979 = arith.constant 32 : index
      %get3A_980 = tpu.vector_load %arg11[%get3A_978, %get3A_979] {strides = array<i32>} : memref<512x64xf32, #tpu.memory_space<vmem>>, vector<1x16xf32>,
      %get3A_981 = vector.shape_cast %get3A_980 : vector<1x16xf32> to vector<16xf32>
      %get3A_982 = arith.index_cast %add3A_943 : i32 to index
      %get3A_983 = arith.constant 32 : index
      %get3A_984 = tpu.vector_load %arg12[%get3A_982, %get3A_983] {strides = array<i32>} : memref<512x64xf32, #tpu.memory_space<vmem>>, vector<1x16xf32>,
      %get3A_985 = vector.shape_cast %get3A_984 : vector<1x16xf32> to vector<16xf32>
      %add3A_986 = arith.addf %get3A_981, %get3A_985 : vector<16xf32>
      %get3A_987 = arith.index_cast %add3A_943 : i32 to index
      %get3A_988 = arith.constant 32 : index
      %get3A_989 = tpu.vector_load %arg13[%get3A_987, %get3A_988] {strides = array<i32>} : memref<512x64xf32, #tpu.memory_space<vmem>>, vector<1x16xf32>,
      %get3A_990 = vector.shape_cast %get3A_989 : vector<1x16xf32> to vector<16xf32>
      %sub3A_991 = arith.subf %add3A_986, %get3A_990 : vector<16xf32>
      %mul3A_992 = arith.mulf %sub3A_991, %sub3A_991 : vector<16xf32>
      %add3A_993 = arith.addf %add3A_977, %mul3A_992 : vector<16xf32>
      %get3A_994 = arith.index_cast %add3A_943 : i32 to index
      %get3A_995 = arith.constant 48 : index
      %get3A_996 = tpu.vector_load %arg11[%get3A_994, %get3A_995] {strides = array<i32>} : memref<512x64xf32, #tpu.memory_space<vmem>>, vector<1x16xf32>,
      %get3A_997 = vector.shape_cast %get3A_996 : vector<1x16xf32> to vector<16xf32>
      %get3A_998 = arith.index_cast %add3A_943 : i32 to index
      %get3A_999 = arith.constant 48 : index
      %get3A_1000 = tpu.vector_load %arg12[%get3A_998, %get3A_999] {strides = array<i32>} : memref<512x64xf32, #tpu.memory_space<vmem>>, vector<1x16xf32>,
      %get3A_1001 = vector.shape_cast %get3A_1000 : vector<1x16xf32> to vector<16xf32>
      %add3A_1002 = arith.addf %get3A_997, %get3A_1001 : vector<16xf32>
      %get3A_1003 = arith.index_cast %add3A_943 : i32 to index
      %get3A_1004 = arith.constant 48 : index
      %get3A_1005 = tpu.vector_load %arg13[%get3A_1003, %get3A_1004] {strides = array<i32>} : memref<512x64xf32, #tpu.memory_space<vmem>>, vector<1x16xf32>,
      %get3A_1006 = vector.shape_cast %get3A_1005 : vector<1x16xf32> to vector<16xf32>
      %sub3A_1007 = arith.subf %add3A_1002, %get3A_1006 : vector<16xf32>
      %mul3A_1008 = arith.mulf %sub3A_1007, %sub3A_1007 : vector<16xf32>
      %add3A_1009 = arith.addf %add3A_993, %mul3A_1008 : vector<16xf32>
      %xor3A_1010 = arith.constant 8 : i32
      %xor3A_1011 = vector.broadcast %xor3A_1010 : i32 to vector<16xi32>
      %xor3A_1012 = arith.xori %iota3A, %xor3A_1011 : vector<16xi32>
      %broadcast_in_dim3A_1013 = vector.shape_cast %xor3A_1012 : vector<16xi32> to vector<16x1xi32>
      %gather3A_1014 = vector.shape_cast %broadcast_in_dim3A_1013 : vector<16x1xi32> to vector<16xi32>
      %gather3A_1015 = tpu.dynamic_gather %add3A_1009[%gather3A_1014] in [0] : vector<16xf32>, vector<16xi32> -> vector<16xf32>
      %add3A_1016 = arith.addf %add3A_1009, %gather3A_1015 : vector<16xf32>
      %xor3A_1017 = arith.constant 4 : i32
      %xor3A_1018 = vector.broadcast %xor3A_1017 : i32 to vector<16xi32>
      %xor3A_1019 = arith.xori %iota3A, %xor3A_1018 : vector<16xi32>
      %broadcast_in_dim3A_1020 = vector.shape_cast %xor3A_1019 : vector<16xi32> to vector<16x1xi32>
      %gather3A_1021 = vector.shape_cast %broadcast_in_dim3A_1020 : vector<16x1xi32> to vector<16xi32>
      %gather3A_1022 = tpu.dynamic_gather %add3A_1016[%gather3A_1021] in [0] : vector<16xf32>, vector<16xi32> -> vector<16xf32>
      %add3A_1023 = arith.addf %add3A_1016, %gather3A_1022 : vector<16xf32>
      %xor3A_1024 = arith.constant 2 : i32
      %xor3A_1025 = vector.broadcast %xor3A_1024 : i32 to vector<16xi32>
      %xor3A_1026 = arith.xori %iota3A, %xor3A_1025 : vector<16xi32>
      %broadcast_in_dim3A_1027 = vector.shape_cast %xor3A_1026 : vector<16xi32> to vector<16x1xi32>
      %gather3A_1028 = vector.shape_cast %broadcast_in_dim3A_1027 : vector<16x1xi32> to vector<16xi32>
      %gather3A_1029 = tpu.dynamic_gather %add3A_1023[%gather3A_1028] in [0] : vector<16xf32>, vector<16xi32> -> vector<16xf32>
      %add3A_1030 = arith.addf %add3A_1023, %gather3A_1029 : vector<16xf32>
      %xor3A_1031 = arith.constant 1 : i32
      %xor3A_1032 = vector.broadcast %xor3A_1031 : i32 to vector<16xi32>
      %xor3A_1033 = arith.xori %iota3A, %xor3A_1032 : vector<16xi32>
      %broadcast_in_dim3A_1034 = vector.shape_cast %xor3A_1033 : vector<16xi32> to vector<16x1xi32>
      %gather3A_1035 = vector.shape_cast %broadcast_in_dim3A_1034 : vector<16x1xi32> to vector<16xi32>
      %gather3A_1036 = tpu.dynamic_gather %add3A_1030[%gather3A_1035] in [0] : vector<16xf32>, vector<16xi32> -> vector<16xf32>
      %add3A_1037 = arith.addf %add3A_1030, %gather3A_1036 : vector<16xf32>
      %eq3A_1038 = arith.constant 9 : i32
      %eq3A_1039 = vector.broadcast %eq3A_1038 : i32 to vector<16xi32>
      %eq3A_1040 = arith.cmpi eq, %iota3A, %eq3A_1039 : vector<16xi32>
      %select_n3A_1041 = arith.select %eq3A_1040, %add3A_1037, %select_n3A_939 : vector<16xi1>, vector<16xf32>
      %mul3A_1042 = arith.constant 16 : i32
      %mul3A_1043 = arith.muli %scan3A_25, %mul3A_1042 : i32
      %add3A_1044 = arith.constant 10 : i32
      %add3A_1045 = arith.addi %mul3A_1043, %add3A_1044 : i32
      %broadcast_in_dim3A_1046 = arith.constant 0.000000e+00 : f32
      %broadcast_in_dim3A_1047 = vector.broadcast %broadcast_in_dim3A_1046 : f32 to vector<16xf32>
      %get3A_1048 = arith.index_cast %add3A_1045 : i32 to index
      %get3A_1049 = arith.constant 0 : index
      %get3A_1050 = tpu.vector_load %arg11[%get3A_1048, %get3A_1049] {strides = array<i32>} : memref<512x64xf32, #tpu.memory_space<vmem>>, vector<1x16xf32>,
      %get3A_1051 = vector.shape_cast %get3A_1050 : vector<1x16xf32> to vector<16xf32>
      %get3A_1052 = arith.index_cast %add3A_1045 : i32 to index
      %get3A_1053 = arith.constant 0 : index
      %get3A_1054 = tpu.vector_load %arg12[%get3A_1052, %get3A_1053] {strides = array<i32>} : memref<512x64xf32, #tpu.memory_space<vmem>>, vector<1x16xf32>,
      %get3A_1055 = vector.shape_cast %get3A_1054 : vector<1x16xf32> to vector<16xf32>
      %add3A_1056 = arith.addf %get3A_1051, %get3A_1055 : vector<16xf32>
      %get3A_1057 = arith.index_cast %add3A_1045 : i32 to index
      %get3A_1058 = arith.constant 0 : index
      %get3A_1059 = tpu.vector_load %arg13[%get3A_1057, %get3A_1058] {strides = array<i32>} : memref<512x64xf32, #tpu.memory_space<vmem>>, vector<1x16xf32>,
      %get3A_1060 = vector.shape_cast %get3A_1059 : vector<1x16xf32> to vector<16xf32>
      %sub3A_1061 = arith.subf %add3A_1056, %get3A_1060 : vector<16xf32>
      %mul3A_1062 = arith.mulf %sub3A_1061, %sub3A_1061 : vector<16xf32>
      %add3A_1063 = arith.addf %broadcast_in_dim3A_1047, %mul3A_1062 : vector<16xf32>
      %get3A_1064 = arith.index_cast %add3A_1045 : i32 to index
      %get3A_1065 = arith.constant 16 : index
      %get3A_1066 = tpu.vector_load %arg11[%get3A_1064, %get3A_1065] {strides = array<i32>} : memref<512x64xf32, #tpu.memory_space<vmem>>, vector<1x16xf32>,
      %get3A_1067 = vector.shape_cast %get3A_1066 : vector<1x16xf32> to vector<16xf32>
      %get3A_1068 = arith.index_cast %add3A_1045 : i32 to index
      %get3A_1069 = arith.constant 16 : index
      %get3A_1070 = tpu.vector_load %arg12[%get3A_1068, %get3A_1069] {strides = array<i32>} : memref<512x64xf32, #tpu.memory_space<vmem>>, vector<1x16xf32>,
      %get3A_1071 = vector.shape_cast %get3A_1070 : vector<1x16xf32> to vector<16xf32>
      %add3A_1072 = arith.addf %get3A_1067, %get3A_1071 : vector<16xf32>
      %get3A_1073 = arith.index_cast %add3A_1045 : i32 to index
      %get3A_1074 = arith.constant 16 : index
      %get3A_1075 = tpu.vector_load %arg13[%get3A_1073, %get3A_1074] {strides = array<i32>} : memref<512x64xf32, #tpu.memory_space<vmem>>, vector<1x16xf32>,
      %get3A_1076 = vector.shape_cast %get3A_1075 : vector<1x16xf32> to vector<16xf32>
      %sub3A_1077 = arith.subf %add3A_1072, %get3A_1076 : vector<16xf32>
      %mul3A_1078 = arith.mulf %sub3A_1077, %sub3A_1077 : vector<16xf32>
      %add3A_1079 = arith.addf %add3A_1063, %mul3A_1078 : vector<16xf32>
      %get3A_1080 = arith.index_cast %add3A_1045 : i32 to index
      %get3A_1081 = arith.constant 32 : index
      %get3A_1082 = tpu.vector_load %arg11[%get3A_1080, %get3A_1081] {strides = array<i32>} : memref<512x64xf32, #tpu.memory_space<vmem>>, vector<1x16xf32>,
      %get3A_1083 = vector.shape_cast %get3A_1082 : vector<1x16xf32> to vector<16xf32>
      %get3A_1084 = arith.index_cast %add3A_1045 : i32 to index
      %get3A_1085 = arith.constant 32 : index
      %get3A_1086 = tpu.vector_load %arg12[%get3A_1084, %get3A_1085] {strides = array<i32>} : memref<512x64xf32, #tpu.memory_space<vmem>>, vector<1x16xf32>,
      %get3A_1087 = vector.shape_cast %get3A_1086 : vector<1x16xf32> to vector<16xf32>
      %add3A_1088 = arith.addf %get3A_1083, %get3A_1087 : vector<16xf32>
      %get3A_1089 = arith.index_cast %add3A_1045 : i32 to index
      %get3A_1090 = arith.constant 32 : index
      %get3A_1091 = tpu.vector_load %arg13[%get3A_1089, %get3A_1090] {strides = array<i32>} : memref<512x64xf32, #tpu.memory_space<vmem>>, vector<1x16xf32>,
      %get3A_1092 = vector.shape_cast %get3A_1091 : vector<1x16xf32> to vector<16xf32>
      %sub3A_1093 = arith.subf %add3A_1088, %get3A_1092 : vector<16xf32>
      %mul3A_1094 = arith.mulf %sub3A_1093, %sub3A_1093 : vector<16xf32>
      %add3A_1095 = arith.addf %add3A_1079, %mul3A_1094 : vector<16xf32>
      %get3A_1096 = arith.index_cast %add3A_1045 : i32 to index
      %get3A_1097 = arith.constant 48 : index
      %get3A_1098 = tpu.vector_load %arg11[%get3A_1096, %get3A_1097] {strides = array<i32>} : memref<512x64xf32, #tpu.memory_space<vmem>>, vector<1x16xf32>,
      %get3A_1099 = vector.shape_cast %get3A_1098 : vector<1x16xf32> to vector<16xf32>
      %get3A_1100 = arith.index_cast %add3A_1045 : i32 to index
      %get3A_1101 = arith.constant 48 : index
      %get3A_1102 = tpu.vector_load %arg12[%get3A_1100, %get3A_1101] {strides = array<i32>} : memref<512x64xf32, #tpu.memory_space<vmem>>, vector<1x16xf32>,
      %get3A_1103 = vector.shape_cast %get3A_1102 : vector<1x16xf32> to vector<16xf32>
      %add3A_1104 = arith.addf %get3A_1099, %get3A_1103 : vector<16xf32>
      %get3A_1105 = arith.index_cast %add3A_1045 : i32 to index
      %get3A_1106 = arith.constant 48 : index
      %get3A_1107 = tpu.vector_load %arg13[%get3A_1105, %get3A_1106] {strides = array<i32>} : memref<512x64xf32, #tpu.memory_space<vmem>>, vector<1x16xf32>,
      %get3A_1108 = vector.shape_cast %get3A_1107 : vector<1x16xf32> to vector<16xf32>
      %sub3A_1109 = arith.subf %add3A_1104, %get3A_1108 : vector<16xf32>
      %mul3A_1110 = arith.mulf %sub3A_1109, %sub3A_1109 : vector<16xf32>
      %add3A_1111 = arith.addf %add3A_1095, %mul3A_1110 : vector<16xf32>
      %xor3A_1112 = arith.constant 8 : i32
      %xor3A_1113 = vector.broadcast %xor3A_1112 : i32 to vector<16xi32>
      %xor3A_1114 = arith.xori %iota3A, %xor3A_1113 : vector<16xi32>
      %broadcast_in_dim3A_1115 = vector.shape_cast %xor3A_1114 : vector<16xi32> to vector<16x1xi32>
      %gather3A_1116 = vector.shape_cast %broadcast_in_dim3A_1115 : vector<16x1xi32> to vector<16xi32>
      %gather3A_1117 = tpu.dynamic_gather %add3A_1111[%gather3A_1116] in [0] : vector<16xf32>, vector<16xi32> -> vector<16xf32>
      %add3A_1118 = arith.addf %add3A_1111, %gather3A_1117 : vector<16xf32>
      %xor3A_1119 = arith.constant 4 : i32
      %xor3A_1120 = vector.broadcast %xor3A_1119 : i32 to vector<16xi32>
      %xor3A_1121 = arith.xori %iota3A, %xor3A_1120 : vector<16xi32>
      %broadcast_in_dim3A_1122 = vector.shape_cast %xor3A_1121 : vector<16xi32> to vector<16x1xi32>
      %gather3A_1123 = vector.shape_cast %broadcast_in_dim3A_1122 : vector<16x1xi32> to vector<16xi32>
      %gather3A_1124 = tpu.dynamic_gather %add3A_1118[%gather3A_1123] in [0] : vector<16xf32>, vector<16xi32> -> vector<16xf32>
      %add3A_1125 = arith.addf %add3A_1118, %gather3A_1124 : vector<16xf32>
      %xor3A_1126 = arith.constant 2 : i32
      %xor3A_1127 = vector.broadcast %xor3A_1126 : i32 to vector<16xi32>
      %xor3A_1128 = arith.xori %iota3A, %xor3A_1127 : vector<16xi32>
      %broadcast_in_dim3A_1129 = vector.shape_cast %xor3A_1128 : vector<16xi32> to vector<16x1xi32>
      %gather3A_1130 = vector.shape_cast %broadcast_in_dim3A_1129 : vector<16x1xi32> to vector<16xi32>
      %gather3A_1131 = tpu.dynamic_gather %add3A_1125[%gather3A_1130] in [0] : vector<16xf32>, vector<16xi32> -> vector<16xf32>
      %add3A_1132 = arith.addf %add3A_1125, %gather3A_1131 : vector<16xf32>
      %xor3A_1133 = arith.constant 1 : i32
      %xor3A_1134 = vector.broadcast %xor3A_1133 : i32 to vector<16xi32>
      %xor3A_1135 = arith.xori %iota3A, %xor3A_1134 : vector<16xi32>
      %broadcast_in_dim3A_1136 = vector.shape_cast %xor3A_1135 : vector<16xi32> to vector<16x1xi32>
      %gather3A_1137 = vector.shape_cast %broadcast_in_dim3A_1136 : vector<16x1xi32> to vector<16xi32>
      %gather3A_1138 = tpu.dynamic_gather %add3A_1132[%gather3A_1137] in [0] : vector<16xf32>, vector<16xi32> -> vector<16xf32>
      %add3A_1139 = arith.addf %add3A_1132, %gather3A_1138 : vector<16xf32>
      %eq3A_1140 = arith.constant 10 : i32
      %eq3A_1141 = vector.broadcast %eq3A_1140 : i32 to vector<16xi32>
      %eq3A_1142 = arith.cmpi eq, %iota3A, %eq3A_1141 : vector<16xi32>
      %select_n3A_1143 = arith.select %eq3A_1142, %add3A_1139, %select_n3A_1041 : vector<16xi1>, vector<16xf32>
      %mul3A_1144 = arith.constant 16 : i32
      %mul3A_1145 = arith.muli %scan3A_25, %mul3A_1144 : i32
      %add3A_1146 = arith.constant 11 : i32
      %add3A_1147 = arith.addi %mul3A_1145, %add3A_1146 : i32
      %broadcast_in_dim3A_1148 = arith.constant 0.000000e+00 : f32
      %broadcast_in_dim3A_1149 = vector.broadcast %broadcast_in_dim3A_1148 : f32 to vector<16xf32>
      %get3A_1150 = arith.index_cast %add3A_1147 : i32 to index
      %get3A_1151 = arith.constant 0 : index
      %get3A_1152 = tpu.vector_load %arg11[%get3A_1150, %get3A_1151] {strides = array<i32>} : memref<512x64xf32, #tpu.memory_space<vmem>>, vector<1x16xf32>,
      %get3A_1153 = vector.shape_cast %get3A_1152 : vector<1x16xf32> to vector<16xf32>
      %get3A_1154 = arith.index_cast %add3A_1147 : i32 to index
      %get3A_1155 = arith.constant 0 : index
      %get3A_1156 = tpu.vector_load %arg12[%get3A_1154, %get3A_1155] {strides = array<i32>} : memref<512x64xf32, #tpu.memory_space<vmem>>, vector<1x16xf32>,
      %get3A_1157 = vector.shape_cast %get3A_1156 : vector<1x16xf32> to vector<16xf32>
      %add3A_1158 = arith.addf %get3A_1153, %get3A_1157 : vector<16xf32>
      %get3A_1159 = arith.index_cast %add3A_1147 : i32 to index
      %get3A_1160 = arith.constant 0 : index
      %get3A_1161 = tpu.vector_load %arg13[%get3A_1159, %get3A_1160] {strides = array<i32>} : memref<512x64xf32, #tpu.memory_space<vmem>>, vector<1x16xf32>,
      %get3A_1162 = vector.shape_cast %get3A_1161 : vector<1x16xf32> to vector<16xf32>
      %sub3A_1163 = arith.subf %add3A_1158, %get3A_1162 : vector<16xf32>
      %mul3A_1164 = arith.mulf %sub3A_1163, %sub3A_1163 : vector<16xf32>
      %add3A_1165 = arith.addf %broadcast_in_dim3A_1149, %mul3A_1164 : vector<16xf32>
      %get3A_1166 = arith.index_cast %add3A_1147 : i32 to index
      %get3A_1167 = arith.constant 16 : index
      %get3A_1168 = tpu.vector_load %arg11[%get3A_1166, %get3A_1167] {strides = array<i32>} : memref<512x64xf32, #tpu.memory_space<vmem>>, vector<1x16xf32>,
      %get3A_1169 = vector.shape_cast %get3A_1168 : vector<1x16xf32> to vector<16xf32>
      %get3A_1170 = arith.index_cast %add3A_1147 : i32 to index
      %get3A_1171 = arith.constant 16 : index
      %get3A_1172 = tpu.vector_load %arg12[%get3A_1170, %get3A_1171] {strides = array<i32>} : memref<512x64xf32, #tpu.memory_space<vmem>>, vector<1x16xf32>,
      %get3A_1173 = vector.shape_cast %get3A_1172 : vector<1x16xf32> to vector<16xf32>
      %add3A_1174 = arith.addf %get3A_1169, %get3A_1173 : vector<16xf32>
      %get3A_1175 = arith.index_cast %add3A_1147 : i32 to index
      %get3A_1176 = arith.constant 16 : index
      %get3A_1177 = tpu.vector_load %arg13[%get3A_1175, %get3A_1176] {strides = array<i32>} : memref<512x64xf32, #tpu.memory_space<vmem>>, vector<1x16xf32>,
      %get3A_1178 = vector.shape_cast %get3A_1177 : vector<1x16xf32> to vector<16xf32>
      %sub3A_1179 = arith.subf %add3A_1174, %get3A_1178 : vector<16xf32>
      %mul3A_1180 = arith.mulf %sub3A_1179, %sub3A_1179 : vector<16xf32>
      %add3A_1181 = arith.addf %add3A_1165, %mul3A_1180 : vector<16xf32>
      %get3A_1182 = arith.index_cast %add3A_1147 : i32 to index
      %get3A_1183 = arith.constant 32 : index
      %get3A_1184 = tpu.vector_load %arg11[%get3A_1182, %get3A_1183] {strides = array<i32>} : memref<512x64xf32, #tpu.memory_space<vmem>>, vector<1x16xf32>,
      %get3A_1185 = vector.shape_cast %get3A_1184 : vector<1x16xf32> to vector<16xf32>
      %get3A_1186 = arith.index_cast %add3A_1147 : i32 to index
      %get3A_1187 = arith.constant 32 : index
      %get3A_1188 = tpu.vector_load %arg12[%get3A_1186, %get3A_1187] {strides = array<i32>} : memref<512x64xf32, #tpu.memory_space<vmem>>, vector<1x16xf32>,
      %get3A_1189 = vector.shape_cast %get3A_1188 : vector<1x16xf32> to vector<16xf32>
      %add3A_1190 = arith.addf %get3A_1185, %get3A_1189 : vector<16xf32>
      %get3A_1191 = arith.index_cast %add3A_1147 : i32 to index
      %get3A_1192 = arith.constant 32 : index
      %get3A_1193 = tpu.vector_load %arg13[%get3A_1191, %get3A_1192] {strides = array<i32>} : memref<512x64xf32, #tpu.memory_space<vmem>>, vector<1x16xf32>,
      %get3A_1194 = vector.shape_cast %get3A_1193 : vector<1x16xf32> to vector<16xf32>
      %sub3A_1195 = arith.subf %add3A_1190, %get3A_1194 : vector<16xf32>
      %mul3A_1196 = arith.mulf %sub3A_1195, %sub3A_1195 : vector<16xf32>
      %add3A_1197 = arith.addf %add3A_1181, %mul3A_1196 : vector<16xf32>
      %get3A_1198 = arith.index_cast %add3A_1147 : i32 to index
      %get3A_1199 = arith.constant 48 : index
      %get3A_1200 = tpu.vector_load %arg11[%get3A_1198, %get3A_1199] {strides = array<i32>} : memref<512x64xf32, #tpu.memory_space<vmem>>, vector<1x16xf32>,
      %get3A_1201 = vector.shape_cast %get3A_1200 : vector<1x16xf32> to vector<16xf32>
      %get3A_1202 = arith.index_cast %add3A_1147 : i32 to index
      %get3A_1203 = arith.constant 48 : index
      %get3A_1204 = tpu.vector_load %arg12[%get3A_1202, %get3A_1203] {strides = array<i32>} : memref<512x64xf32, #tpu.memory_space<vmem>>, vector<1x16xf32>,
      %get3A_1205 = vector.shape_cast %get3A_1204 : vector<1x16xf32> to vector<16xf32>
      %add3A_1206 = arith.addf %get3A_1201, %get3A_1205 : vector<16xf32>
      %get3A_1207 = arith.index_cast %add3A_1147 : i32 to index
      %get3A_1208 = arith.constant 48 : index
      %get3A_1209 = tpu.vector_load %arg13[%get3A_1207, %get3A_1208] {strides = array<i32>} : memref<512x64xf32, #tpu.memory_space<vmem>>, vector<1x16xf32>,
      %get3A_1210 = vector.shape_cast %get3A_1209 : vector<1x16xf32> to vector<16xf32>
      %sub3A_1211 = arith.subf %add3A_1206, %get3A_1210 : vector<16xf32>
      %mul3A_1212 = arith.mulf %sub3A_1211, %sub3A_1211 : vector<16xf32>
      %add3A_1213 = arith.addf %add3A_1197, %mul3A_1212 : vector<16xf32>
      %xor3A_1214 = arith.constant 8 : i32
      %xor3A_1215 = vector.broadcast %xor3A_1214 : i32 to vector<16xi32>
      %xor3A_1216 = arith.xori %iota3A, %xor3A_1215 : vector<16xi32>
      %broadcast_in_dim3A_1217 = vector.shape_cast %xor3A_1216 : vector<16xi32> to vector<16x1xi32>
      %gather3A_1218 = vector.shape_cast %broadcast_in_dim3A_1217 : vector<16x1xi32> to vector<16xi32>
      %gather3A_1219 = tpu.dynamic_gather %add3A_1213[%gather3A_1218] in [0] : vector<16xf32>, vector<16xi32> -> vector<16xf32>
      %add3A_1220 = arith.addf %add3A_1213, %gather3A_1219 : vector<16xf32>
      %xor3A_1221 = arith.constant 4 : i32
      %xor3A_1222 = vector.broadcast %xor3A_1221 : i32 to vector<16xi32>
      %xor3A_1223 = arith.xori %iota3A, %xor3A_1222 : vector<16xi32>
      %broadcast_in_dim3A_1224 = vector.shape_cast %xor3A_1223 : vector<16xi32> to vector<16x1xi32>
      %gather3A_1225 = vector.shape_cast %broadcast_in_dim3A_1224 : vector<16x1xi32> to vector<16xi32>
      %gather3A_1226 = tpu.dynamic_gather %add3A_1220[%gather3A_1225] in [0] : vector<16xf32>, vector<16xi32> -> vector<16xf32>
      %add3A_1227 = arith.addf %add3A_1220, %gather3A_1226 : vector<16xf32>
      %xor3A_1228 = arith.constant 2 : i32
      %xor3A_1229 = vector.broadcast %xor3A_1228 : i32 to vector<16xi32>
      %xor3A_1230 = arith.xori %iota3A, %xor3A_1229 : vector<16xi32>
      %broadcast_in_dim3A_1231 = vector.shape_cast %xor3A_1230 : vector<16xi32> to vector<16x1xi32>
      %gather3A_1232 = vector.shape_cast %broadcast_in_dim3A_1231 : vector<16x1xi32> to vector<16xi32>
      %gather3A_1233 = tpu.dynamic_gather %add3A_1227[%gather3A_1232] in [0] : vector<16xf32>, vector<16xi32> -> vector<16xf32>
      %add3A_1234 = arith.addf %add3A_1227, %gather3A_1233 : vector<16xf32>
      %xor3A_1235 = arith.constant 1 : i32
      %xor3A_1236 = vector.broadcast %xor3A_1235 : i32 to vector<16xi32>
      %xor3A_1237 = arith.xori %iota3A, %xor3A_1236 : vector<16xi32>
      %broadcast_in_dim3A_1238 = vector.shape_cast %xor3A_1237 : vector<16xi32> to vector<16x1xi32>
      %gather3A_1239 = vector.shape_cast %broadcast_in_dim3A_1238 : vector<16x1xi32> to vector<16xi32>
      %gather3A_1240 = tpu.dynamic_gather %add3A_1234[%gather3A_1239] in [0] : vector<16xf32>, vector<16xi32> -> vector<16xf32>
      %add3A_1241 = arith.addf %add3A_1234, %gather3A_1240 : vector<16xf32>
      %eq3A_1242 = arith.constant 11 : i32
      %eq3A_1243 = vector.broadcast %eq3A_1242 : i32 to vector<16xi32>
      %eq3A_1244 = arith.cmpi eq, %iota3A, %eq3A_1243 : vector<16xi32>
      %select_n3A_1245 = arith.select %eq3A_1244, %add3A_1241, %select_n3A_1143 : vector<16xi1>, vector<16xf32>
      %mul3A_1246 = arith.constant 16 : i32
      %mul3A_1247 = arith.muli %scan3A_25, %mul3A_1246 : i32
      %add3A_1248 = arith.constant 12 : i32
      %add3A_1249 = arith.addi %mul3A_1247, %add3A_1248 : i32
      %broadcast_in_dim3A_1250 = arith.constant 0.000000e+00 : f32
      %broadcast_in_dim3A_1251 = vector.broadcast %broadcast_in_dim3A_1250 : f32 to vector<16xf32>
      %get3A_1252 = arith.index_cast %add3A_1249 : i32 to index
      %get3A_1253 = arith.constant 0 : index
      %get3A_1254 = tpu.vector_load %arg11[%get3A_1252, %get3A_1253] {strides = array<i32>} : memref<512x64xf32, #tpu.memory_space<vmem>>, vector<1x16xf32>,
      %get3A_1255 = vector.shape_cast %get3A_1254 : vector<1x16xf32> to vector<16xf32>
      %get3A_1256 = arith.index_cast %add3A_1249 : i32 to index
      %get3A_1257 = arith.constant 0 : index
      %get3A_1258 = tpu.vector_load %arg12[%get3A_1256, %get3A_1257] {strides = array<i32>} : memref<512x64xf32, #tpu.memory_space<vmem>>, vector<1x16xf32>,
      %get3A_1259 = vector.shape_cast %get3A_1258 : vector<1x16xf32> to vector<16xf32>
      %add3A_1260 = arith.addf %get3A_1255, %get3A_1259 : vector<16xf32>
      %get3A_1261 = arith.index_cast %add3A_1249 : i32 to index
      %get3A_1262 = arith.constant 0 : index
      %get3A_1263 = tpu.vector_load %arg13[%get3A_1261, %get3A_1262] {strides = array<i32>} : memref<512x64xf32, #tpu.memory_space<vmem>>, vector<1x16xf32>,
      %get3A_1264 = vector.shape_cast %get3A_1263 : vector<1x16xf32> to vector<16xf32>
      %sub3A_1265 = arith.subf %add3A_1260, %get3A_1264 : vector<16xf32>
      %mul3A_1266 = arith.mulf %sub3A_1265, %sub3A_1265 : vector<16xf32>
      %add3A_1267 = arith.addf %broadcast_in_dim3A_1251, %mul3A_1266 : vector<16xf32>
      %get3A_1268 = arith.index_cast %add3A_1249 : i32 to index
      %get3A_1269 = arith.constant 16 : index
      %get3A_1270 = tpu.vector_load %arg11[%get3A_1268, %get3A_1269] {strides = array<i32>} : memref<512x64xf32, #tpu.memory_space<vmem>>, vector<1x16xf32>,
      %get3A_1271 = vector.shape_cast %get3A_1270 : vector<1x16xf32> to vector<16xf32>
      %get3A_1272 = arith.index_cast %add3A_1249 : i32 to index
      %get3A_1273 = arith.constant 16 : index
      %get3A_1274 = tpu.vector_load %arg12[%get3A_1272, %get3A_1273] {strides = array<i32>} : memref<512x64xf32, #tpu.memory_space<vmem>>, vector<1x16xf32>,
      %get3A_1275 = vector.shape_cast %get3A_1274 : vector<1x16xf32> to vector<16xf32>
      %add3A_1276 = arith.addf %get3A_1271, %get3A_1275 : vector<16xf32>
      %get3A_1277 = arith.index_cast %add3A_1249 : i32 to index
      %get3A_1278 = arith.constant 16 : index
      %get3A_1279 = tpu.vector_load %arg13[%get3A_1277, %get3A_1278] {strides = array<i32>} : memref<512x64xf32, #tpu.memory_space<vmem>>, vector<1x16xf32>,
      %get3A_1280 = vector.shape_cast %get3A_1279 : vector<1x16xf32> to vector<16xf32>
      %sub3A_1281 = arith.subf %add3A_1276, %get3A_1280 : vector<16xf32>
      %mul3A_1282 = arith.mulf %sub3A_1281, %sub3A_1281 : vector<16xf32>
      %add3A_1283 = arith.addf %add3A_1267, %mul3A_1282 : vector<16xf32>
      %get3A_1284 = arith.index_cast %add3A_1249 : i32 to index
      %get3A_1285 = arith.constant 32 : index
      %get3A_1286 = tpu.vector_load %arg11[%get3A_1284, %get3A_1285] {strides = array<i32>} : memref<512x64xf32, #tpu.memory_space<vmem>>, vector<1x16xf32>,
      %get3A_1287 = vector.shape_cast %get3A_1286 : vector<1x16xf32> to vector<16xf32>
      %get3A_1288 = arith.index_cast %add3A_1249 : i32 to index
      %get3A_1289 = arith.constant 32 : index
      %get3A_1290 = tpu.vector_load %arg12[%get3A_1288, %get3A_1289] {strides = array<i32>} : memref<512x64xf32, #tpu.memory_space<vmem>>, vector<1x16xf32>,
      %get3A_1291 = vector.shape_cast %get3A_1290 : vector<1x16xf32> to vector<16xf32>
      %add3A_1292 = arith.addf %get3A_1287, %get3A_1291 : vector<16xf32>
      %get3A_1293 = arith.index_cast %add3A_1249 : i32 to index
      %get3A_1294 = arith.constant 32 : index
      %get3A_1295 = tpu.vector_load %arg13[%get3A_1293, %get3A_1294] {strides = array<i32>} : memref<512x64xf32, #tpu.memory_space<vmem>>, vector<1x16xf32>,
      %get3A_1296 = vector.shape_cast %get3A_1295 : vector<1x16xf32> to vector<16xf32>
      %sub3A_1297 = arith.subf %add3A_1292, %get3A_1296 : vector<16xf32>
      %mul3A_1298 = arith.mulf %sub3A_1297, %sub3A_1297 : vector<16xf32>
      %add3A_1299 = arith.addf %add3A_1283, %mul3A_1298 : vector<16xf32>
      %get3A_1300 = arith.index_cast %add3A_1249 : i32 to index
      %get3A_1301 = arith.constant 48 : index
      %get3A_1302 = tpu.vector_load %arg11[%get3A_1300, %get3A_1301] {strides = array<i32>} : memref<512x64xf32, #tpu.memory_space<vmem>>, vector<1x16xf32>,
      %get3A_1303 = vector.shape_cast %get3A_1302 : vector<1x16xf32> to vector<16xf32>
      %get3A_1304 = arith.index_cast %add3A_1249 : i32 to index
      %get3A_1305 = arith.constant 48 : index
      %get3A_1306 = tpu.vector_load %arg12[%get3A_1304, %get3A_1305] {strides = array<i32>} : memref<512x64xf32, #tpu.memory_space<vmem>>, vector<1x16xf32>,
      %get3A_1307 = vector.shape_cast %get3A_1306 : vector<1x16xf32> to vector<16xf32>
      %add3A_1308 = arith.addf %get3A_1303, %get3A_1307 : vector<16xf32>
      %get3A_1309 = arith.index_cast %add3A_1249 : i32 to index
      %get3A_1310 = arith.constant 48 : index
      %get3A_1311 = tpu.vector_load %arg13[%get3A_1309, %get3A_1310] {strides = array<i32>} : memref<512x64xf32, #tpu.memory_space<vmem>>, vector<1x16xf32>,
      %get3A_1312 = vector.shape_cast %get3A_1311 : vector<1x16xf32> to vector<16xf32>
      %sub3A_1313 = arith.subf %add3A_1308, %get3A_1312 : vector<16xf32>
      %mul3A_1314 = arith.mulf %sub3A_1313, %sub3A_1313 : vector<16xf32>
      %add3A_1315 = arith.addf %add3A_1299, %mul3A_1314 : vector<16xf32>
      %xor3A_1316 = arith.constant 8 : i32
      %xor3A_1317 = vector.broadcast %xor3A_1316 : i32 to vector<16xi32>
      %xor3A_1318 = arith.xori %iota3A, %xor3A_1317 : vector<16xi32>
      %broadcast_in_dim3A_1319 = vector.shape_cast %xor3A_1318 : vector<16xi32> to vector<16x1xi32>
      %gather3A_1320 = vector.shape_cast %broadcast_in_dim3A_1319 : vector<16x1xi32> to vector<16xi32>
      %gather3A_1321 = tpu.dynamic_gather %add3A_1315[%gather3A_1320] in [0] : vector<16xf32>, vector<16xi32> -> vector<16xf32>
      %add3A_1322 = arith.addf %add3A_1315, %gather3A_1321 : vector<16xf32>
      %xor3A_1323 = arith.constant 4 : i32
      %xor3A_1324 = vector.broadcast %xor3A_1323 : i32 to vector<16xi32>
      %xor3A_1325 = arith.xori %iota3A, %xor3A_1324 : vector<16xi32>
      %broadcast_in_dim3A_1326 = vector.shape_cast %xor3A_1325 : vector<16xi32> to vector<16x1xi32>
      %gather3A_1327 = vector.shape_cast %broadcast_in_dim3A_1326 : vector<16x1xi32> to vector<16xi32>
      %gather3A_1328 = tpu.dynamic_gather %add3A_1322[%gather3A_1327] in [0] : vector<16xf32>, vector<16xi32> -> vector<16xf32>
      %add3A_1329 = arith.addf %add3A_1322, %gather3A_1328 : vector<16xf32>
      %xor3A_1330 = arith.constant 2 : i32
      %xor3A_1331 = vector.broadcast %xor3A_1330 : i32 to vector<16xi32>
      %xor3A_1332 = arith.xori %iota3A, %xor3A_1331 : vector<16xi32>
      %broadcast_in_dim3A_1333 = vector.shape_cast %xor3A_1332 : vector<16xi32> to vector<16x1xi32>
      %gather3A_1334 = vector.shape_cast %broadcast_in_dim3A_1333 : vector<16x1xi32> to vector<16xi32>
      %gather3A_1335 = tpu.dynamic_gather %add3A_1329[%gather3A_1334] in [0] : vector<16xf32>, vector<16xi32> -> vector<16xf32>
      %add3A_1336 = arith.addf %add3A_1329, %gather3A_1335 : vector<16xf32>
      %xor3A_1337 = arith.constant 1 : i32
      %xor3A_1338 = vector.broadcast %xor3A_1337 : i32 to vector<16xi32>
      %xor3A_1339 = arith.xori %iota3A, %xor3A_1338 : vector<16xi32>
      %broadcast_in_dim3A_1340 = vector.shape_cast %xor3A_1339 : vector<16xi32> to vector<16x1xi32>
      %gather3A_1341 = vector.shape_cast %broadcast_in_dim3A_1340 : vector<16x1xi32> to vector<16xi32>
      %gather3A_1342 = tpu.dynamic_gather %add3A_1336[%gather3A_1341] in [0] : vector<16xf32>, vector<16xi32> -> vector<16xf32>
      %add3A_1343 = arith.addf %add3A_1336, %gather3A_1342 : vector<16xf32>
      %eq3A_1344 = arith.constant 12 : i32
      %eq3A_1345 = vector.broadcast %eq3A_1344 : i32 to vector<16xi32>
      %eq3A_1346 = arith.cmpi eq, %iota3A, %eq3A_1345 : vector<16xi32>
      %select_n3A_1347 = arith.select %eq3A_1346, %add3A_1343, %select_n3A_1245 : vector<16xi1>, vector<16xf32>
      %mul3A_1348 = arith.constant 16 : i32
      %mul3A_1349 = arith.muli %scan3A_25, %mul3A_1348 : i32
      %add3A_1350 = arith.constant 13 : i32
      %add3A_1351 = arith.addi %mul3A_1349, %add3A_1350 : i32
      %broadcast_in_dim3A_1352 = arith.constant 0.000000e+00 : f32
      %broadcast_in_dim3A_1353 = vector.broadcast %broadcast_in_dim3A_1352 : f32 to vector<16xf32>
      %get3A_1354 = arith.index_cast %add3A_1351 : i32 to index
      %get3A_1355 = arith.constant 0 : index
      %get3A_1356 = tpu.vector_load %arg11[%get3A_1354, %get3A_1355] {strides = array<i32>} : memref<512x64xf32, #tpu.memory_space<vmem>>, vector<1x16xf32>,
      %get3A_1357 = vector.shape_cast %get3A_1356 : vector<1x16xf32> to vector<16xf32>
      %get3A_1358 = arith.index_cast %add3A_1351 : i32 to index
      %get3A_1359 = arith.constant 0 : index
      %get3A_1360 = tpu.vector_load %arg12[%get3A_1358, %get3A_1359] {strides = array<i32>} : memref<512x64xf32, #tpu.memory_space<vmem>>, vector<1x16xf32>,
      %get3A_1361 = vector.shape_cast %get3A_1360 : vector<1x16xf32> to vector<16xf32>
      %add3A_1362 = arith.addf %get3A_1357, %get3A_1361 : vector<16xf32>
      %get3A_1363 = arith.index_cast %add3A_1351 : i32 to index
      %get3A_1364 = arith.constant 0 : index
      %get3A_1365 = tpu.vector_load %arg13[%get3A_1363, %get3A_1364] {strides = array<i32>} : memref<512x64xf32, #tpu.memory_space<vmem>>, vector<1x16xf32>,
      %get3A_1366 = vector.shape_cast %get3A_1365 : vector<1x16xf32> to vector<16xf32>
      %sub3A_1367 = arith.subf %add3A_1362, %get3A_1366 : vector<16xf32>
      %mul3A_1368 = arith.mulf %sub3A_1367, %sub3A_1367 : vector<16xf32>
      %add3A_1369 = arith.addf %broadcast_in_dim3A_1353, %mul3A_1368 : vector<16xf32>
      %get3A_1370 = arith.index_cast %add3A_1351 : i32 to index
      %get3A_1371 = arith.constant 16 : index
      %get3A_1372 = tpu.vector_load %arg11[%get3A_1370, %get3A_1371] {strides = array<i32>} : memref<512x64xf32, #tpu.memory_space<vmem>>, vector<1x16xf32>,
      %get3A_1373 = vector.shape_cast %get3A_1372 : vector<1x16xf32> to vector<16xf32>
      %get3A_1374 = arith.index_cast %add3A_1351 : i32 to index
      %get3A_1375 = arith.constant 16 : index
      %get3A_1376 = tpu.vector_load %arg12[%get3A_1374, %get3A_1375] {strides = array<i32>} : memref<512x64xf32, #tpu.memory_space<vmem>>, vector<1x16xf32>,
      %get3A_1377 = vector.shape_cast %get3A_1376 : vector<1x16xf32> to vector<16xf32>
      %add3A_1378 = arith.addf %get3A_1373, %get3A_1377 : vector<16xf32>
      %get3A_1379 = arith.index_cast %add3A_1351 : i32 to index
      %get3A_1380 = arith.constant 16 : index
      %get3A_1381 = tpu.vector_load %arg13[%get3A_1379, %get3A_1380] {strides = array<i32>} : memref<512x64xf32, #tpu.memory_space<vmem>>, vector<1x16xf32>,
      %get3A_1382 = vector.shape_cast %get3A_1381 : vector<1x16xf32> to vector<16xf32>
      %sub3A_1383 = arith.subf %add3A_1378, %get3A_1382 : vector<16xf32>
      %mul3A_1384 = arith.mulf %sub3A_1383, %sub3A_1383 : vector<16xf32>
      %add3A_1385 = arith.addf %add3A_1369, %mul3A_1384 : vector<16xf32>
      %get3A_1386 = arith.index_cast %add3A_1351 : i32 to index
      %get3A_1387 = arith.constant 32 : index
      %get3A_1388 = tpu.vector_load %arg11[%get3A_1386, %get3A_1387] {strides = array<i32>} : memref<512x64xf32, #tpu.memory_space<vmem>>, vector<1x16xf32>,
      %get3A_1389 = vector.shape_cast %get3A_1388 : vector<1x16xf32> to vector<16xf32>
      %get3A_1390 = arith.index_cast %add3A_1351 : i32 to index
      %get3A_1391 = arith.constant 32 : index
      %get3A_1392 = tpu.vector_load %arg12[%get3A_1390, %get3A_1391] {strides = array<i32>} : memref<512x64xf32, #tpu.memory_space<vmem>>, vector<1x16xf32>,
      %get3A_1393 = vector.shape_cast %get3A_1392 : vector<1x16xf32> to vector<16xf32>
      %add3A_1394 = arith.addf %get3A_1389, %get3A_1393 : vector<16xf32>
      %get3A_1395 = arith.index_cast %add3A_1351 : i32 to index
      %get3A_1396 = arith.constant 32 : index
      %get3A_1397 = tpu.vector_load %arg13[%get3A_1395, %get3A_1396] {strides = array<i32>} : memref<512x64xf32, #tpu.memory_space<vmem>>, vector<1x16xf32>,
      %get3A_1398 = vector.shape_cast %get3A_1397 : vector<1x16xf32> to vector<16xf32>
      %sub3A_1399 = arith.subf %add3A_1394, %get3A_1398 : vector<16xf32>
      %mul3A_1400 = arith.mulf %sub3A_1399, %sub3A_1399 : vector<16xf32>
      %add3A_1401 = arith.addf %add3A_1385, %mul3A_1400 : vector<16xf32>
      %get3A_1402 = arith.index_cast %add3A_1351 : i32 to index
      %get3A_1403 = arith.constant 48 : index
      %get3A_1404 = tpu.vector_load %arg11[%get3A_1402, %get3A_1403] {strides = array<i32>} : memref<512x64xf32, #tpu.memory_space<vmem>>, vector<1x16xf32>,
      %get3A_1405 = vector.shape_cast %get3A_1404 : vector<1x16xf32> to vector<16xf32>
      %get3A_1406 = arith.index_cast %add3A_1351 : i32 to index
      %get3A_1407 = arith.constant 48 : index
      %get3A_1408 = tpu.vector_load %arg12[%get3A_1406, %get3A_1407] {strides = array<i32>} : memref<512x64xf32, #tpu.memory_space<vmem>>, vector<1x16xf32>,
      %get3A_1409 = vector.shape_cast %get3A_1408 : vector<1x16xf32> to vector<16xf32>
      %add3A_1410 = arith.addf %get3A_1405, %get3A_1409 : vector<16xf32>
      %get3A_1411 = arith.index_cast %add3A_1351 : i32 to index
      %get3A_1412 = arith.constant 48 : index
      %get3A_1413 = tpu.vector_load %arg13[%get3A_1411, %get3A_1412] {strides = array<i32>} : memref<512x64xf32, #tpu.memory_space<vmem>>, vector<1x16xf32>,
      %get3A_1414 = vector.shape_cast %get3A_1413 : vector<1x16xf32> to vector<16xf32>
      %sub3A_1415 = arith.subf %add3A_1410, %get3A_1414 : vector<16xf32>
      %mul3A_1416 = arith.mulf %sub3A_1415, %sub3A_1415 : vector<16xf32>
      %add3A_1417 = arith.addf %add3A_1401, %mul3A_1416 : vector<16xf32>
      %xor3A_1418 = arith.constant 8 : i32
      %xor3A_1419 = vector.broadcast %xor3A_1418 : i32 to vector<16xi32>
      %xor3A_1420 = arith.xori %iota3A, %xor3A_1419 : vector<16xi32>
      %broadcast_in_dim3A_1421 = vector.shape_cast %xor3A_1420 : vector<16xi32> to vector<16x1xi32>
      %gather3A_1422 = vector.shape_cast %broadcast_in_dim3A_1421 : vector<16x1xi32> to vector<16xi32>
      %gather3A_1423 = tpu.dynamic_gather %add3A_1417[%gather3A_1422] in [0] : vector<16xf32>, vector<16xi32> -> vector<16xf32>
      %add3A_1424 = arith.addf %add3A_1417, %gather3A_1423 : vector<16xf32>
      %xor3A_1425 = arith.constant 4 : i32
      %xor3A_1426 = vector.broadcast %xor3A_1425 : i32 to vector<16xi32>
      %xor3A_1427 = arith.xori %iota3A, %xor3A_1426 : vector<16xi32>
      %broadcast_in_dim3A_1428 = vector.shape_cast %xor3A_1427 : vector<16xi32> to vector<16x1xi32>
      %gather3A_1429 = vector.shape_cast %broadcast_in_dim3A_1428 : vector<16x1xi32> to vector<16xi32>
      %gather3A_1430 = tpu.dynamic_gather %add3A_1424[%gather3A_1429] in [0] : vector<16xf32>, vector<16xi32> -> vector<16xf32>
      %add3A_1431 = arith.addf %add3A_1424, %gather3A_1430 : vector<16xf32>
      %xor3A_1432 = arith.constant 2 : i32
      %xor3A_1433 = vector.broadcast %xor3A_1432 : i32 to vector<16xi32>
      %xor3A_1434 = arith.xori %iota3A, %xor3A_1433 : vector<16xi32>
      %broadcast_in_dim3A_1435 = vector.shape_cast %xor3A_1434 : vector<16xi32> to vector<16x1xi32>
      %gather3A_1436 = vector.shape_cast %broadcast_in_dim3A_1435 : vector<16x1xi32> to vector<16xi32>
      %gather3A_1437 = tpu.dynamic_gather %add3A_1431[%gather3A_1436] in [0] : vector<16xf32>, vector<16xi32> -> vector<16xf32>
      %add3A_1438 = arith.addf %add3A_1431, %gather3A_1437 : vector<16xf32>
      %xor3A_1439 = arith.constant 1 : i32
      %xor3A_1440 = vector.broadcast %xor3A_1439 : i32 to vector<16xi32>
      %xor3A_1441 = arith.xori %iota3A, %xor3A_1440 : vector<16xi32>
      %broadcast_in_dim3A_1442 = vector.shape_cast %xor3A_1441 : vector<16xi32> to vector<16x1xi32>
      %gather3A_1443 = vector.shape_cast %broadcast_in_dim3A_1442 : vector<16x1xi32> to vector<16xi32>
      %gather3A_1444 = tpu.dynamic_gather %add3A_1438[%gather3A_1443] in [0] : vector<16xf32>, vector<16xi32> -> vector<16xf32>
      %add3A_1445 = arith.addf %add3A_1438, %gather3A_1444 : vector<16xf32>
      %eq3A_1446 = arith.constant 13 : i32
      %eq3A_1447 = vector.broadcast %eq3A_1446 : i32 to vector<16xi32>
      %eq3A_1448 = arith.cmpi eq, %iota3A, %eq3A_1447 : vector<16xi32>
      %select_n3A_1449 = arith.select %eq3A_1448, %add3A_1445, %select_n3A_1347 : vector<16xi1>, vector<16xf32>
      %mul3A_1450 = arith.constant 16 : i32
      %mul3A_1451 = arith.muli %scan3A_25, %mul3A_1450 : i32
      %add3A_1452 = arith.constant 14 : i32
      %add3A_1453 = arith.addi %mul3A_1451, %add3A_1452 : i32
      %broadcast_in_dim3A_1454 = arith.constant 0.000000e+00 : f32
      %broadcast_in_dim3A_1455 = vector.broadcast %broadcast_in_dim3A_1454 : f32 to vector<16xf32>
      %get3A_1456 = arith.index_cast %add3A_1453 : i32 to index
      %get3A_1457 = arith.constant 0 : index
      %get3A_1458 = tpu.vector_load %arg11[%get3A_1456, %get3A_1457] {strides = array<i32>} : memref<512x64xf32, #tpu.memory_space<vmem>>, vector<1x16xf32>,
      %get3A_1459 = vector.shape_cast %get3A_1458 : vector<1x16xf32> to vector<16xf32>
      %get3A_1460 = arith.index_cast %add3A_1453 : i32 to index
      %get3A_1461 = arith.constant 0 : index
      %get3A_1462 = tpu.vector_load %arg12[%get3A_1460, %get3A_1461] {strides = array<i32>} : memref<512x64xf32, #tpu.memory_space<vmem>>, vector<1x16xf32>,
      %get3A_1463 = vector.shape_cast %get3A_1462 : vector<1x16xf32> to vector<16xf32>
      %add3A_1464 = arith.addf %get3A_1459, %get3A_1463 : vector<16xf32>
      %get3A_1465 = arith.index_cast %add3A_1453 : i32 to index
      %get3A_1466 = arith.constant 0 : index
      %get3A_1467 = tpu.vector_load %arg13[%get3A_1465, %get3A_1466] {strides = array<i32>} : memref<512x64xf32, #tpu.memory_space<vmem>>, vector<1x16xf32>,
      %get3A_1468 = vector.shape_cast %get3A_1467 : vector<1x16xf32> to vector<16xf32>
      %sub3A_1469 = arith.subf %add3A_1464, %get3A_1468 : vector<16xf32>
      %mul3A_1470 = arith.mulf %sub3A_1469, %sub3A_1469 : vector<16xf32>
      %add3A_1471 = arith.addf %broadcast_in_dim3A_1455, %mul3A_1470 : vector<16xf32>
      %get3A_1472 = arith.index_cast %add3A_1453 : i32 to index
      %get3A_1473 = arith.constant 16 : index
      %get3A_1474 = tpu.vector_load %arg11[%get3A_1472, %get3A_1473] {strides = array<i32>} : memref<512x64xf32, #tpu.memory_space<vmem>>, vector<1x16xf32>,
      %get3A_1475 = vector.shape_cast %get3A_1474 : vector<1x16xf32> to vector<16xf32>
      %get3A_1476 = arith.index_cast %add3A_1453 : i32 to index
      %get3A_1477 = arith.constant 16 : index
      %get3A_1478 = tpu.vector_load %arg12[%get3A_1476, %get3A_1477] {strides = array<i32>} : memref<512x64xf32, #tpu.memory_space<vmem>>, vector<1x16xf32>,
      %get3A_1479 = vector.shape_cast %get3A_1478 : vector<1x16xf32> to vector<16xf32>
      %add3A_1480 = arith.addf %get3A_1475, %get3A_1479 : vector<16xf32>
      %get3A_1481 = arith.index_cast %add3A_1453 : i32 to index
      %get3A_1482 = arith.constant 16 : index
      %get3A_1483 = tpu.vector_load %arg13[%get3A_1481, %get3A_1482] {strides = array<i32>} : memref<512x64xf32, #tpu.memory_space<vmem>>, vector<1x16xf32>,
      %get3A_1484 = vector.shape_cast %get3A_1483 : vector<1x16xf32> to vector<16xf32>
      %sub3A_1485 = arith.subf %add3A_1480, %get3A_1484 : vector<16xf32>
      %mul3A_1486 = arith.mulf %sub3A_1485, %sub3A_1485 : vector<16xf32>
      %add3A_1487 = arith.addf %add3A_1471, %mul3A_1486 : vector<16xf32>
      %get3A_1488 = arith.index_cast %add3A_1453 : i32 to index
      %get3A_1489 = arith.constant 32 : index
      %get3A_1490 = tpu.vector_load %arg11[%get3A_1488, %get3A_1489] {strides = array<i32>} : memref<512x64xf32, #tpu.memory_space<vmem>>, vector<1x16xf32>,
      %get3A_1491 = vector.shape_cast %get3A_1490 : vector<1x16xf32> to vector<16xf32>
      %get3A_1492 = arith.index_cast %add3A_1453 : i32 to index
      %get3A_1493 = arith.constant 32 : index
      %get3A_1494 = tpu.vector_load %arg12[%get3A_1492, %get3A_1493] {strides = array<i32>} : memref<512x64xf32, #tpu.memory_space<vmem>>, vector<1x16xf32>,
      %get3A_1495 = vector.shape_cast %get3A_1494 : vector<1x16xf32> to vector<16xf32>
      %add3A_1496 = arith.addf %get3A_1491, %get3A_1495 : vector<16xf32>
      %get3A_1497 = arith.index_cast %add3A_1453 : i32 to index
      %get3A_1498 = arith.constant 32 : index
      %get3A_1499 = tpu.vector_load %arg13[%get3A_1497, %get3A_1498] {strides = array<i32>} : memref<512x64xf32, #tpu.memory_space<vmem>>, vector<1x16xf32>,
      %get3A_1500 = vector.shape_cast %get3A_1499 : vector<1x16xf32> to vector<16xf32>
      %sub3A_1501 = arith.subf %add3A_1496, %get3A_1500 : vector<16xf32>
      %mul3A_1502 = arith.mulf %sub3A_1501, %sub3A_1501 : vector<16xf32>
      %add3A_1503 = arith.addf %add3A_1487, %mul3A_1502 : vector<16xf32>
      %get3A_1504 = arith.index_cast %add3A_1453 : i32 to index
      %get3A_1505 = arith.constant 48 : index
      %get3A_1506 = tpu.vector_load %arg11[%get3A_1504, %get3A_1505] {strides = array<i32>} : memref<512x64xf32, #tpu.memory_space<vmem>>, vector<1x16xf32>,
      %get3A_1507 = vector.shape_cast %get3A_1506 : vector<1x16xf32> to vector<16xf32>
      %get3A_1508 = arith.index_cast %add3A_1453 : i32 to index
      %get3A_1509 = arith.constant 48 : index
      %get3A_1510 = tpu.vector_load %arg12[%get3A_1508, %get3A_1509] {strides = array<i32>} : memref<512x64xf32, #tpu.memory_space<vmem>>, vector<1x16xf32>,
      %get3A_1511 = vector.shape_cast %get3A_1510 : vector<1x16xf32> to vector<16xf32>
      %add3A_1512 = arith.addf %get3A_1507, %get3A_1511 : vector<16xf32>
      %get3A_1513 = arith.index_cast %add3A_1453 : i32 to index
      %get3A_1514 = arith.constant 48 : index
      %get3A_1515 = tpu.vector_load %arg13[%get3A_1513, %get3A_1514] {strides = array<i32>} : memref<512x64xf32, #tpu.memory_space<vmem>>, vector<1x16xf32>,
      %get3A_1516 = vector.shape_cast %get3A_1515 : vector<1x16xf32> to vector<16xf32>
      %sub3A_1517 = arith.subf %add3A_1512, %get3A_1516 : vector<16xf32>
      %mul3A_1518 = arith.mulf %sub3A_1517, %sub3A_1517 : vector<16xf32>
      %add3A_1519 = arith.addf %add3A_1503, %mul3A_1518 : vector<16xf32>
      %xor3A_1520 = arith.constant 8 : i32
      %xor3A_1521 = vector.broadcast %xor3A_1520 : i32 to vector<16xi32>
      %xor3A_1522 = arith.xori %iota3A, %xor3A_1521 : vector<16xi32>
      %broadcast_in_dim3A_1523 = vector.shape_cast %xor3A_1522 : vector<16xi32> to vector<16x1xi32>
      %gather3A_1524 = vector.shape_cast %broadcast_in_dim3A_1523 : vector<16x1xi32> to vector<16xi32>
      %gather3A_1525 = tpu.dynamic_gather %add3A_1519[%gather3A_1524] in [0] : vector<16xf32>, vector<16xi32> -> vector<16xf32>
      %add3A_1526 = arith.addf %add3A_1519, %gather3A_1525 : vector<16xf32>
      %xor3A_1527 = arith.constant 4 : i32
      %xor3A_1528 = vector.broadcast %xor3A_1527 : i32 to vector<16xi32>
      %xor3A_1529 = arith.xori %iota3A, %xor3A_1528 : vector<16xi32>
      %broadcast_in_dim3A_1530 = vector.shape_cast %xor3A_1529 : vector<16xi32> to vector<16x1xi32>
      %gather3A_1531 = vector.shape_cast %broadcast_in_dim3A_1530 : vector<16x1xi32> to vector<16xi32>
      %gather3A_1532 = tpu.dynamic_gather %add3A_1526[%gather3A_1531] in [0] : vector<16xf32>, vector<16xi32> -> vector<16xf32>
      %add3A_1533 = arith.addf %add3A_1526, %gather3A_1532 : vector<16xf32>
      %xor3A_1534 = arith.constant 2 : i32
      %xor3A_1535 = vector.broadcast %xor3A_1534 : i32 to vector<16xi32>
      %xor3A_1536 = arith.xori %iota3A, %xor3A_1535 : vector<16xi32>
      %broadcast_in_dim3A_1537 = vector.shape_cast %xor3A_1536 : vector<16xi32> to vector<16x1xi32>
      %gather3A_1538 = vector.shape_cast %broadcast_in_dim3A_1537 : vector<16x1xi32> to vector<16xi32>
      %gather3A_1539 = tpu.dynamic_gather %add3A_1533[%gather3A_1538] in [0] : vector<16xf32>, vector<16xi32> -> vector<16xf32>
      %add3A_1540 = arith.addf %add3A_1533, %gather3A_1539 : vector<16xf32>
      %xor3A_1541 = arith.constant 1 : i32
      %xor3A_1542 = vector.broadcast %xor3A_1541 : i32 to vector<16xi32>
      %xor3A_1543 = arith.xori %iota3A, %xor3A_1542 : vector<16xi32>
      %broadcast_in_dim3A_1544 = vector.shape_cast %xor3A_1543 : vector<16xi32> to vector<16x1xi32>
      %gather3A_1545 = vector.shape_cast %broadcast_in_dim3A_1544 : vector<16x1xi32> to vector<16xi32>
      %gather3A_1546 = tpu.dynamic_gather %add3A_1540[%gather3A_1545] in [0] : vector<16xf32>, vector<16xi32> -> vector<16xf32>
      %add3A_1547 = arith.addf %add3A_1540, %gather3A_1546 : vector<16xf32>
      %eq3A_1548 = arith.constant 14 : i32
      %eq3A_1549 = vector.broadcast %eq3A_1548 : i32 to vector<16xi32>
      %eq3A_1550 = arith.cmpi eq, %iota3A, %eq3A_1549 : vector<16xi32>
      %select_n3A_1551 = arith.select %eq3A_1550, %add3A_1547, %select_n3A_1449 : vector<16xi1>, vector<16xf32>
      %mul3A_1552 = arith.constant 16 : i32
      %mul3A_1553 = arith.muli %scan3A_25, %mul3A_1552 : i32
      %add3A_1554 = arith.constant 15 : i32
      %add3A_1555 = arith.addi %mul3A_1553, %add3A_1554 : i32
      %broadcast_in_dim3A_1556 = arith.constant 0.000000e+00 : f32
      %broadcast_in_dim3A_1557 = vector.broadcast %broadcast_in_dim3A_1556 : f32 to vector<16xf32>
      %get3A_1558 = arith.index_cast %add3A_1555 : i32 to index
      %get3A_1559 = arith.constant 0 : index
      %get3A_1560 = tpu.vector_load %arg11[%get3A_1558, %get3A_1559] {strides = array<i32>} : memref<512x64xf32, #tpu.memory_space<vmem>>, vector<1x16xf32>,
      %get3A_1561 = vector.shape_cast %get3A_1560 : vector<1x16xf32> to vector<16xf32>
      %get3A_1562 = arith.index_cast %add3A_1555 : i32 to index
      %get3A_1563 = arith.constant 0 : index
      %get3A_1564 = tpu.vector_load %arg12[%get3A_1562, %get3A_1563] {strides = array<i32>} : memref<512x64xf32, #tpu.memory_space<vmem>>, vector<1x16xf32>,
      %get3A_1565 = vector.shape_cast %get3A_1564 : vector<1x16xf32> to vector<16xf32>
      %add3A_1566 = arith.addf %get3A_1561, %get3A_1565 : vector<16xf32>
      %get3A_1567 = arith.index_cast %add3A_1555 : i32 to index
      %get3A_1568 = arith.constant 0 : index
      %get3A_1569 = tpu.vector_load %arg13[%get3A_1567, %get3A_1568] {strides = array<i32>} : memref<512x64xf32, #tpu.memory_space<vmem>>, vector<1x16xf32>,
      %get3A_1570 = vector.shape_cast %get3A_1569 : vector<1x16xf32> to vector<16xf32>
      %sub3A_1571 = arith.subf %add3A_1566, %get3A_1570 : vector<16xf32>
      %mul3A_1572 = arith.mulf %sub3A_1571, %sub3A_1571 : vector<16xf32>
      %add3A_1573 = arith.addf %broadcast_in_dim3A_1557, %mul3A_1572 : vector<16xf32>
      %get3A_1574 = arith.index_cast %add3A_1555 : i32 to index
      %get3A_1575 = arith.constant 16 : index
      %get3A_1576 = tpu.vector_load %arg11[%get3A_1574, %get3A_1575] {strides = array<i32>} : memref<512x64xf32, #tpu.memory_space<vmem>>, vector<1x16xf32>,
      %get3A_1577 = vector.shape_cast %get3A_1576 : vector<1x16xf32> to vector<16xf32>
      %get3A_1578 = arith.index_cast %add3A_1555 : i32 to index
      %get3A_1579 = arith.constant 16 : index
      %get3A_1580 = tpu.vector_load %arg12[%get3A_1578, %get3A_1579] {strides = array<i32>} : memref<512x64xf32, #tpu.memory_space<vmem>>, vector<1x16xf32>,
      %get3A_1581 = vector.shape_cast %get3A_1580 : vector<1x16xf32> to vector<16xf32>
      %add3A_1582 = arith.addf %get3A_1577, %get3A_1581 : vector<16xf32>
      %get3A_1583 = arith.index_cast %add3A_1555 : i32 to index
      %get3A_1584 = arith.constant 16 : index
      %get3A_1585 = tpu.vector_load %arg13[%get3A_1583, %get3A_1584] {strides = array<i32>} : memref<512x64xf32, #tpu.memory_space<vmem>>, vector<1x16xf32>,
      %get3A_1586 = vector.shape_cast %get3A_1585 : vector<1x16xf32> to vector<16xf32>
      %sub3A_1587 = arith.subf %add3A_1582, %get3A_1586 : vector<16xf32>
      %mul3A_1588 = arith.mulf %sub3A_1587, %sub3A_1587 : vector<16xf32>
      %add3A_1589 = arith.addf %add3A_1573, %mul3A_1588 : vector<16xf32>
      %get3A_1590 = arith.index_cast %add3A_1555 : i32 to index
      %get3A_1591 = arith.constant 32 : index
      %get3A_1592 = tpu.vector_load %arg11[%get3A_1590, %get3A_1591] {strides = array<i32>} : memref<512x64xf32, #tpu.memory_space<vmem>>, vector<1x16xf32>,
      %get3A_1593 = vector.shape_cast %get3A_1592 : vector<1x16xf32> to vector<16xf32>
      %get3A_1594 = arith.index_cast %add3A_1555 : i32 to index
      %get3A_1595 = arith.constant 32 : index
      %get3A_1596 = tpu.vector_load %arg12[%get3A_1594, %get3A_1595] {strides = array<i32>} : memref<512x64xf32, #tpu.memory_space<vmem>>, vector<1x16xf32>,
      %get3A_1597 = vector.shape_cast %get3A_1596 : vector<1x16xf32> to vector<16xf32>
      %add3A_1598 = arith.addf %get3A_1593, %get3A_1597 : vector<16xf32>
      %get3A_1599 = arith.index_cast %add3A_1555 : i32 to index
      %get3A_1600 = arith.constant 32 : index
      %get3A_1601 = tpu.vector_load %arg13[%get3A_1599, %get3A_1600] {strides = array<i32>} : memref<512x64xf32, #tpu.memory_space<vmem>>, vector<1x16xf32>,
      %get3A_1602 = vector.shape_cast %get3A_1601 : vector<1x16xf32> to vector<16xf32>
      %sub3A_1603 = arith.subf %add3A_1598, %get3A_1602 : vector<16xf32>
      %mul3A_1604 = arith.mulf %sub3A_1603, %sub3A_1603 : vector<16xf32>
      %add3A_1605 = arith.addf %add3A_1589, %mul3A_1604 : vector<16xf32>
      %get3A_1606 = arith.index_cast %add3A_1555 : i32 to index
      %get3A_1607 = arith.constant 48 : index
      %get3A_1608 = tpu.vector_load %arg11[%get3A_1606, %get3A_1607] {strides = array<i32>} : memref<512x64xf32, #tpu.memory_space<vmem>>, vector<1x16xf32>,
      %get3A_1609 = vector.shape_cast %get3A_1608 : vector<1x16xf32> to vector<16xf32>
      %get3A_1610 = arith.index_cast %add3A_1555 : i32 to index
      %get3A_1611 = arith.constant 48 : index
      %get3A_1612 = tpu.vector_load %arg12[%get3A_1610, %get3A_1611] {strides = array<i32>} : memref<512x64xf32, #tpu.memory_space<vmem>>, vector<1x16xf32>,
      %get3A_1613 = vector.shape_cast %get3A_1612 : vector<1x16xf32> to vector<16xf32>
      %add3A_1614 = arith.addf %get3A_1609, %get3A_1613 : vector<16xf32>
      %get3A_1615 = arith.index_cast %add3A_1555 : i32 to index
      %get3A_1616 = arith.constant 48 : index
      %get3A_1617 = tpu.vector_load %arg13[%get3A_1615, %get3A_1616] {strides = array<i32>} : memref<512x64xf32, #tpu.memory_space<vmem>>, vector<1x16xf32>,
      %get3A_1618 = vector.shape_cast %get3A_1617 : vector<1x16xf32> to vector<16xf32>
      %sub3A_1619 = arith.subf %add3A_1614, %get3A_1618 : vector<16xf32>
      %mul3A_1620 = arith.mulf %sub3A_1619, %sub3A_1619 : vector<16xf32>
      %add3A_1621 = arith.addf %add3A_1605, %mul3A_1620 : vector<16xf32>
      %xor3A_1622 = arith.constant 8 : i32
      %xor3A_1623 = vector.broadcast %xor3A_1622 : i32 to vector<16xi32>
      %xor3A_1624 = arith.xori %iota3A, %xor3A_1623 : vector<16xi32>
      %broadcast_in_dim3A_1625 = vector.shape_cast %xor3A_1624 : vector<16xi32> to vector<16x1xi32>
      %gather3A_1626 = vector.shape_cast %broadcast_in_dim3A_1625 : vector<16x1xi32> to vector<16xi32>
      %gather3A_1627 = tpu.dynamic_gather %add3A_1621[%gather3A_1626] in [0] : vector<16xf32>, vector<16xi32> -> vector<16xf32>
      %add3A_1628 = arith.addf %add3A_1621, %gather3A_1627 : vector<16xf32>
      %xor3A_1629 = arith.constant 4 : i32
      %xor3A_1630 = vector.broadcast %xor3A_1629 : i32 to vector<16xi32>
      %xor3A_1631 = arith.xori %iota3A, %xor3A_1630 : vector<16xi32>
      %broadcast_in_dim3A_1632 = vector.shape_cast %xor3A_1631 : vector<16xi32> to vector<16x1xi32>
      %gather3A_1633 = vector.shape_cast %broadcast_in_dim3A_1632 : vector<16x1xi32> to vector<16xi32>
      %gather3A_1634 = tpu.dynamic_gather %add3A_1628[%gather3A_1633] in [0] : vector<16xf32>, vector<16xi32> -> vector<16xf32>
      %add3A_1635 = arith.addf %add3A_1628, %gather3A_1634 : vector<16xf32>
      %xor3A_1636 = arith.constant 2 : i32
      %xor3A_1637 = vector.broadcast %xor3A_1636 : i32 to vector<16xi32>
      %xor3A_1638 = arith.xori %iota3A, %xor3A_1637 : vector<16xi32>
      %broadcast_in_dim3A_1639 = vector.shape_cast %xor3A_1638 : vector<16xi32> to vector<16x1xi32>
      %gather3A_1640 = vector.shape_cast %broadcast_in_dim3A_1639 : vector<16x1xi32> to vector<16xi32>
      %gather3A_1641 = tpu.dynamic_gather %add3A_1635[%gather3A_1640] in [0] : vector<16xf32>, vector<16xi32> -> vector<16xf32>
      %add3A_1642 = arith.addf %add3A_1635, %gather3A_1641 : vector<16xf32>
      %xor3A_1643 = arith.constant 1 : i32
      %xor3A_1644 = vector.broadcast %xor3A_1643 : i32 to vector<16xi32>
      %xor3A_1645 = arith.xori %iota3A, %xor3A_1644 : vector<16xi32>
      %broadcast_in_dim3A_1646 = vector.shape_cast %xor3A_1645 : vector<16xi32> to vector<16x1xi32>
      %gather3A_1647 = vector.shape_cast %broadcast_in_dim3A_1646 : vector<16x1xi32> to vector<16xi32>
      %gather3A_1648 = tpu.dynamic_gather %add3A_1642[%gather3A_1647] in [0] : vector<16xf32>, vector<16xi32> -> vector<16xf32>
      %add3A_1649 = arith.addf %add3A_1642, %gather3A_1648 : vector<16xf32>
      %eq3A_1650 = arith.constant 15 : i32
      %eq3A_1651 = vector.broadcast %eq3A_1650 : i32 to vector<16xi32>
      %eq3A_1652 = arith.cmpi eq, %iota3A, %eq3A_1651 : vector<16xi32>
      %select_n3A_1653 = arith.select %eq3A_1652, %add3A_1649, %select_n3A_1551 : vector<16xi1>, vector<16xf32>
      %bitcast_convert_type3A = tpu.bitcast %select_n3A_1653 : vector<16xf32> -> vector<16xi32>
      %shift_right_logical3A = arith.constant 1 : i32
      %shift_right_logical3A_1654 = vector.broadcast %shift_right_logical3A : i32 to vector<16xi32>
      %shift_right_logical3A_1655 = arith.shrui %bitcast_convert_type3A, %shift_right_logical3A_1654 : vector<16xi32>
      %sub3A_1656 = arith.constant 1597463007 : i32
      %sub3A_1657 = vector.broadcast %sub3A_1656 : i32 to vector<16xi32>
      %sub3A_1658 = arith.subi %sub3A_1657, %shift_right_logical3A_1655 : vector<16xi32>
      %bitcast_convert_type3A_1659 = tpu.bitcast %sub3A_1658 : vector<16xi32> -> vector<16xf32>
      %mul3A_1660 = arith.constant 5.000000e-01 : f32
      %mul3A_1661 = vector.broadcast %mul3A_1660 : f32 to vector<16xf32>
      %mul3A_1662 = arith.mulf %mul3A_1661, %select_n3A_1653 : vector<16xf32>
      %mul3A_1663 = arith.mulf %mul3A_1662, %bitcast_convert_type3A_1659 : vector<16xf32>
      %mul3A_1664 = arith.mulf %mul3A_1663, %bitcast_convert_type3A_1659 : vector<16xf32>
      %sub3A_1665 = arith.constant 1.500000e+00 : f32
      %sub3A_1666 = vector.broadcast %sub3A_1665 : f32 to vector<16xf32>
      %sub3A_1667 = arith.subf %sub3A_1666, %mul3A_1664 : vector<16xf32>
      %mul3A_1668 = arith.mulf %bitcast_convert_type3A_1659, %sub3A_1667 : vector<16xf32>
      %mul3A_1669 = arith.constant 5.000000e-01 : f32
      %mul3A_1670 = vector.broadcast %mul3A_1669 : f32 to vector<16xf32>
      %mul3A_1671 = arith.mulf %mul3A_1670, %select_n3A_1653 : vector<16xf32>
      %mul3A_1672 = arith.mulf %mul3A_1671, %mul3A_1668 : vector<16xf32>
      %mul3A_1673 = arith.mulf %mul3A_1672, %mul3A_1668 : vector<16xf32>
      %sub3A_1674 = arith.constant 1.500000e+00 : f32
      %sub3A_1675 = vector.broadcast %sub3A_1674 : f32 to vector<16xf32>
      %sub3A_1676 = arith.subf %sub3A_1675, %mul3A_1673 : vector<16xf32>
      %mul3A_1677 = arith.mulf %mul3A_1668, %sub3A_1676 : vector<16xf32>
      %mul3A_1678 = arith.constant 5.000000e-01 : f32
      %mul3A_1679 = vector.broadcast %mul3A_1678 : f32 to vector<16xf32>
      %mul3A_1680 = arith.mulf %mul3A_1679, %select_n3A_1653 : vector<16xf32>
      %mul3A_1681 = arith.mulf %mul3A_1680, %mul3A_1677 : vector<16xf32>
      %mul3A_1682 = arith.mulf %mul3A_1681, %mul3A_1677 : vector<16xf32>
      %sub3A_1683 = arith.constant 1.500000e+00 : f32
      %sub3A_1684 = vector.broadcast %sub3A_1683 : f32 to vector<16xf32>
      %sub3A_1685 = arith.subf %sub3A_1684, %mul3A_1682 : vector<16xf32>
      %mul3A_1686 = arith.mulf %mul3A_1677, %sub3A_1685 : vector<16xf32>
      %mul3A_1687 = arith.mulf %select_n3A_1653, %mul3A_1686 : vector<16xf32>
      %mul3A_1688 = arith.constant 16 : i32
      %mul3A_1689 = arith.muli %scan3A_25, %mul3A_1688 : i32
      %swap3A = arith.index_cast %mul3A_1689 : i32 to index
      %swap3A_1690 = tpu.vector_load %arg14[%swap3A] {strides = array<i32>} : memref<512xf32, #tpu.memory_space<vmem>>, vector<16xf32>,
      %swap3A_1691 = vector.shape_cast %swap3A_1690 : vector<16xf32> to vector<16xf32>
      %swap3A_1692 = vector.shape_cast %mul3A_1687 : vector<16xf32> to vector<16xf32>
      tpu.vector_store %arg14[%swap3A], %swap3A_1692 {strides = array<i32>} : memref<512xf32, #tpu.memory_space<vmem>>, vector<16xf32>,
      %scan3A_1693 = arith.constant 0 : i32
      scf.yield %scan3A_1693 : i32
    }
    %scan3A_24 = arith.constant 32 : i32
    "tpu.region"() ({
      %run_scoped3A = tpu.sem_alloc : memref<!tpu.dma_semaphore, #tpu.memory_space<semaphore_mem>>
      %dma_start3A_25 = tpu.memref_slice %arg7[%mul3A_2] : memref<16384xf32, #tpu.memory_space<hbm>> -> memref<512xf32, #tpu.memory_space<hbm>>
      %dma_start3A_26 = tpu.memref_slice %arg7[%mul3A_2] : memref<16384xf32, #tpu.memory_space<hbm>> -> memref<512xf32, #tpu.memory_space<hbm>>
      tpu.enqueue_dma source(%arg14 : memref<512xf32, #tpu.memory_space<vmem>>) target(%dma_start3A_26 : memref<512xf32, #tpu.memory_space<hbm>>) target_semaphore(%run_scoped3A : memref<!tpu.dma_semaphore, #tpu.memory_space<semaphore_mem>>)
      %dma_wait3A_27 = tpu.memref_slice %arg7[%mul3A_2] : memref<16384xf32, #tpu.memory_space<hbm>> -> memref<512xf32, #tpu.memory_space<hbm>>
      %dma_wait3A_28 = tpu.memref_slice %arg7[%mul3A_2] : memref<16384xf32, #tpu.memory_space<hbm>> -> memref<512xf32, #tpu.memory_space<hbm>>
      tpu.wait_dma2 semaphore(%run_scoped3A : memref<!tpu.dma_semaphore, #tpu.memory_space<semaphore_mem>>) src(%arg14 : memref<512xf32, #tpu.memory_space<vmem>>) dst(%dma_wait3A_28 : memref<512xf32, #tpu.memory_space<hbm>>)
      tpu.yield
    }) : () -> ()
    return
  }
}

</mosaic_0001>

<sc_bundles>
// kernel: kernel.3.cloned.1.call-start
scs
__scs_entry_jumppad:
0x0: {  	(pc) =	sbr.rel $0x88, $3  }
0x1: {  	(tag) =	ssettag $0x0;
	lr =	simm.s32 $0x1  }
0x2: {  	[smem:$0x3F9C] =	sst lr;
	_ =	strace $0xD0000000  }
0x3: {  	_ = 	snop  }
0x4: {  	_ = 	snop  }
0x5: {  	_ = 	snop  }
0x6: {  	_ = 	snop  }
0x7: {  	_ = 	snop  }
__scs_overlays_trampoline_lowered:
0x8: {  	[smem:$0x3FAB] =	sst s0  }
0x9: {  	[smem:$0x3FAC] =	sst s1  }
0xa: {  	[smem:$0x3FAD] =	sst s2  }
0xb: {  	[smem:$0x3FAE] =	sst s3  }
0xc: {  	[smem:$0x3FAF] =	sst s4  }
0xd: {  	[smem:$0x3FB0] =	sst s5  }
0xe: {  	[smem:$0x3FB1] =	sst s6  }
0xf: {  	[smem:$0x3FB2] =	sst s7  }
0x10: {  	[smem:$0x3FB3] =	sst s8  }
0x11: {  	[smem:$0x3FB4] =	sst s9;
	s0 =	simm.s32 @!p0 $0x0  }
0x12: {  	s1 =	sld [smem:$0x3F9A];
	s0 =	simm.s32 @p0 $0x1  }
0x13: {  	[smem:$0x3FB5] =	sst s0;
	s0 =	simm.s32 @!p1 $0x0  }
0x14: {  	s2 =	sld [smem:$0x3F99];
	s0 =	simm.s32 @p1 $0x1  }
0x15: {  	[smem:$0x3FB6] =	sst s0;
	s0 =	simm.s32 @!p2 $0x0  }
0x16: {  	s3 =	sld [smem:$0x3FDB];
	s0 =	simm.s32 @p2 $0x1  }
0x17: {  	s4 =	simm.s32 $0x1BF5;
	[smem:$0x3FB8] =	sst s0  }
0x18: {  	s0 =	sld [smem:$0x3F9B];
	_ =	swait.ge [sflag:s4], $0x0  }
0x19: {  	s7 =	sld [smem:$0x3F9C]  }
0x1a: {  	s8 =	sadd.s32 $0xFFFFE003, lr  }
0x1b: {  	s9 =	sadd.s32 $0xFFFFFEF7, lr;
	s5 =	simm.s32 $0xFFFFFFFF;
	p2 =	slt.u32 s8, $0xFFFFF086  }
0x1c: {  	p1 =	slt.u32 s9, $0xF7A;
	s5 =	simm.s32 @!p2 $0x0  }
0x1d: {  	s5 =	simm.s32 @p1 $0x1;
	p0 =	seq.s32 s7, s2  }
0x1e: {  	s7 =	smul.u32 @!p0 $0xF7A, s2;
	p2 =	seq.s32 @!p0 s5, $0x0  }
0x1f: {  	s9 =	smul.u32 $0xF7A, s1;
	s8 =	simm.s32 @!p0 $0x1BF5;
	p2 =	por !p2, p0  }
0x20: {  	[sflag:s8] =	ssyncset.s32 @!p0 $0xFFFFF086;
	s6 =	sadd.s32 @!p0 s3, s7;
	s7 =	simm.s32 @!p0 $0x108  }
0x21: {  	s3 =	sadd.s32 s3, s9;
	s6 =	sadd.s32 @!p0 $0x88, s6;
	s7 =	simm.s32 @p2 $0x1082  }
0x22: {  	[simem:s7], [sflag:s8] =	dma.local @!p0 [hbm:s6], $0xF7A  }
0x23: {  	s9 =	sor.u32 $0xD0000000, s2;
	s6 =	simm.s32 $0x108;
	_ =	swait.ge @!p0 [sflag:s8], $0x0  }
0x24: {  	s3 =	sadd.s32 $0x88, s3;
	s6 =	simm.s32 @!p1 $0x1082;
	[sflag:s4] =	ssyncset.s32 $0xFFFFF086  }
0x25: {  	[simem:s6], [sflag:s4] =	dma.local [hbm:s3], $0xF7A  }
0x26: {  	[smem:$0x3F9C] =	sst s1;
	(tag) =	ssettag s2;
	_ =	strace s9  }
0x27: {  	s1 =	sld [smem:$0x3FAC]  }
0x28: {  	s2 =	sld [smem:$0x3FAD]  }
0x29: {  	s4 =	sld [smem:$0x3FAF]  }
0x2a: {  	p0 =	seq.s32 s5, $0x0;
	s5 =	sld [smem:$0x3FB0]  }
0x2b: {  	s6 =	sld [smem:$0x3FB1]  }
0x2c: {  	s7 =	sld [smem:$0x3FB2]  }
0x2d: {  	s3 =	simm.s32 $0x108;
	s8 =	sld [smem:$0x3FB3]  }
0x2e: {  	s3 =	simm.s32 @!p0 $0x1082;
	s9 =	sld [smem:$0x3FB4]  }
0x2f: {  	lr =	sadd.s32 s0, s3;
	s0 =	sld [smem:$0x3FAB]  }
0x30: {  	s3 =	sld [smem:$0x3FAE]  }
0x31: {  	[smem:$0x3FB7] =	sst s10  }
0x32: {  	s10 =	sld [smem:$0x3FB5];
	_ =	sdelay $0x3  }
0x33: {  	p0 =	seq.s32 s10, $0x1;
	s10 =	sld [smem:$0x3FB7];
	_ =	sdelay $0x3  }
0x34: {  	[smem:$0x3FB7] =	sst s10  }
0x35: {  	s10 =	sld [smem:$0x3FB6];
	_ =	sdelay $0x3  }
0x36: {  	p1 =	seq.s32 s10, $0x1;
	s10 =	sld [smem:$0x3FB7];
	_ =	sdelay $0x3  }
0x37: {  	[smem:$0x3FB7] =	sst s10  }
0x38: {  	s10 =	sld [smem:$0x3FB8]  }
0x39: {  	_ = 	snop;
	(pc) =	sbr.ind lr, $3  }
0x3a: {  	_ = 	snop  }
0x3b: {  	_ = 	snop  }
0x3c: {  	p2 =	seq.s32 s10, $0x1;
	s10 =	sld [smem:$0x3FB7]  }
0x3d: {  	_ =	shalt  }
0x3e: {  	_ =	shalt  }
0x3f: {  	_ =	shalt  }
0x40: {  	_ =	shalt  }
0x41: {  	_ =	shalt  }
0x42: {  	_ =	shalt  }
0x43: {  	_ =	shalt  }
0x44: {  	_ =	shalt  }
0x45: {  	_ =	shalt  }
0x46: {  	_ =	shalt  }
0x47: {  	_ =	shalt  }
0x48: {  	_ =	shalt  }
0x49: {  	_ =	shalt  }
0x4a: {  	_ =	shalt  }
0x4b: {  	_ =	shalt  }
0x4c: {  	_ =	shalt  }
0x4d: {  	_ =	shalt  }
0x4e: {  	_ =	shalt  }
0x4f: {  	_ =	shalt  }
0x50: {  	_ =	shalt  }
0x51: {  	_ =	shalt  }
0x52: {  	_ =	shalt  }
0x53: {  	_ =	shalt  }
0x54: {  	_ =	shalt  }
0x55: {  	_ =	shalt  }
0x56: {  	_ =	shalt  }
0x57: {  	_ =	shalt  }
0x58: {  	_ =	shalt  }
0x59: {  	_ =	shalt  }
0x5a: {  	_ =	shalt  }
0x5b: {  	_ =	shalt  }
0x5c: {  	_ =	shalt  }
0x5d: {  	_ =	shalt  }
0x5e: {  	_ =	shalt  }
0x5f: {  	_ =	shalt  }
0x60: {  	_ =	shalt  }
0x61: {  	_ =	shalt  }
0x62: {  	_ =	shalt  }
0x63: {  	_ =	shalt  }
0x64: {  	_ =	shalt  }
0x65: {  	_ =	shalt  }
0x66: {  	_ =	shalt  }
0x67: {  	_ =	shalt  }
0x68: {  	_ =	shalt  }
0x69: {  	_ =	shalt  }
0x6a: {  	_ =	shalt  }
0x6b: {  	_ =	shalt  }
0x6c: {  	_ =	shalt  }
0x6d: {  	_ =	shalt  }
0x6e: {  	_ =	shalt  }
0x6f: {  	_ =	shalt  }
0x70: {  	_ =	shalt  }
0x71: {  	_ =	shalt  }
0x72: {  	_ =	shalt  }
0x73: {  	_ =	shalt  }
0x74: {  	_ =	shalt  }
0x75: {  	_ =	shalt  }
0x76: {  	_ =	shalt  }
0x77: {  	_ =	shalt  }
0x78: {  	_ =	shalt  }
0x79: {  	_ =	shalt  }
0x7a: {  	_ =	shalt  }
0x7b: {  	_ =	shalt  }
0x7c: {  	_ =	shalt  }
0x7d: {  	_ =	shalt  }
0x7e: {  	_ =	shalt  }
0x7f: {  	_ =	shalt  }
0x80: {  	_ =	shalt  }
0x81: {  	_ =	shalt  }
0x82: {  	_ =	shalt  }
0x83: {  	_ =	shalt  }
0x84: {  	_ =	shalt  }
0x85: {  	_ =	shalt  }
0x86: {  	_ =	shalt  }
0x87: {  	_ =	shalt  }
.Lfunc_end0:
.L_simem_size_0:
called_computation_lowered:
.L_overlay_start_0:
0x88: {  	s2 =	sld [smem:$0x3FD9]  }
0x89: {  	s3 =	sld [smem:$0x3FFE];
	_ =	sdelay $0x1  }
0x8a: {  	s1 =	srdreg.scid  }
0x8b: {  	s0 =	sand.u32 $0x1, s1  }
0x8c: {  	s17 =	sshll.u32 s0, $0xA;
	s2 =	sadd.s32 s3, s2  }
0x8d: {  	s2 =	sadd.s32 s2, s17  }
0x8e: {  	[smem:$0x3FC3] =	sst s2  }
0x8f: {  	_ = 	snop  }
0x90: {  	s2 =	sld [smem:$0x3FC9]  }
0x91: {  	s18 =	sld [smem:$0x3FC8]  }
0x92: {  	s4 =	sld [smem:$0x3FC7]  }
0x93: {  	s5 =	sld [smem:$0x3FD0];
	(tm) =	ssettm $0x1  }
0x94: {  	s6 =	sld [smem:$0x3FFB];
	_ =	sdelay $0x3  }
0x95: {  	_ =	strace s6  }
0x96: {  	s6 =	sld [smem:$0x3FFC];
	_ =	sdelay $0x3  }
0x97: {  	_ =	strace s6  }
0x98: {  	s6 =	sld [smem:$0x3FFD];
	_ =	sdelay $0x3  }
0x99: {  	_ =	strace s6  }
0x9a: {  	_ =	strace $0x8FFFFFFF  }
0x9b: {  	s19 =	sld [smem:$0x3FDB];
	_ =	sdelay $0x1  }
0x9c: {  	s7 =	simm.s32 $_scs_section_size  }
0x9d: {  	s8 =	simm.s32 $_size__tile_overlayer_lowered;
	s9 =	simm.s32 $_tile_overlayer_lowered  }
0x9e: {  	s22 =	simm.s32 $0x1BFF;
	s21 =	sshll.u32 s9, $0x1;
	s6 =	sadd.s32 s7, s19  }
0x9f: {  	s10 =	simm.s32 $0x0;
	s20 =	sshll.u32 s8, $0x1;
	s8 =	sadd.s32 s21, s6  }
0xa0: {  	[timem:s10], [sflag:s22] =	dma.local [hbm:s8], s20  }
0xa1: {  	_ =	swait.ge [sflag:s22], s20  }
0xa2: {  	s7 =	ssub.s32 $0x0, s20;
	[sflag:s22] =	ssyncset.done $0x0  }
0xa3: {  	[sflag:s22] =	ssyncadd.s32 s7;
	_ =	sdelay $0x1  }
0xa4: {  	s23 =	simm.s32 $0x1B8B  }
0xa5: {  	_ =	swait.ge [sflag:s23], $0x1  }
0xa6: {  	[sflag:s23] =	ssyncset.done $0x0  }
0xa7: {  	s25 =	simm.s32 $0x1B8E;
	s24 =	sld [smem:$0x3FFE];
	[sflag:s23] =	ssyncadd.s32 $0xFFFFFFFF  }
0xa8: {  	s26 =	simm.s32 $execute0_lowered;
	[smem:$0x3FD2] =	sst s25  }
0xa9: {  	s8 =	sshll.u32 s26, $0x1;
	_ =	strace $0x80000046;
	[dreg:$0x1] =	wrdreg $0xFFFFFFFF  }
0xaa: {  	s28 =	simm.s32 $_size_execute0_lowered;
	s6 =	sadd.s32 s6, s8;
	[dreg:$0x0] =	wrdreg $0x0  }
0xab: {  	s8 =	sshll.u32 s28, $0x1;
	[dreg:$0x2] =	wrdreg s6  }
0xac: {  	[dreg:$0x3] =	wrdreg s8  }
0xad: {  	[dreg:$0x4] =	wrdreg $0xC0  }
0xae: {  	_ =	task [dreg:s10], $0x5FFFF  }
0xaf: {  	[dreg:$0x1] =	wrdreg $0xFFFFFFFF  }
0xb0: {  	[dreg:$0x0] =	wrdreg $0x60  }
0xb1: {  	[dreg:$0x2] =	wrdreg s2  }
0xb2: {  	[dreg:$0x3] =	wrdreg s18  }
0xb3: {  	[dreg:$0x4] =	wrdreg s4  }
0xb4: {  	[dreg:$0x5] =	wrdreg s24  }
0xb5: {  	[dreg:$0x6] =	wrdreg s5  }
0xb6: {  	[dreg:$0x7] =	wrdreg $0x9  }
0xb7: {  	_ =	task.clear_ibuf [dreg:s10], $0x8FFFF;
	_ =	strace $0x90000046  }
0xb8: {  	s29 =	simm.s32 $0x9;
	_ =	strace $0x80000048  }
0xb9: {  	_ =	swait.ge [sflag:s29], $0x1  }
0xba: {  	[sflag:s29] =	ssyncadd.s32 $0xFFFFFFFF  }
0xbb: {  	_ =	strace $0x90000048  }
0xbc: {  	_ =	sfence  }
0xbd: {  	s30 =	sld [smem:$0x0];
	_ =	sdelay $0x2  }
0xbe: {  	s31 =	sshll.u32 s1, $0xD;
	s1 =	sshrl.u32 s1, $0x2  }
0xbf: {  	s3 =	sand.u32 $0x4000, s31;
	s1 =	sadd.s32 s1, s30  }
0xc0: {  	s0 =	sor.u32 s3, s0;
	s1 =	sshll.u32 s1, $0x11  }
0xc1: {  	s0 =	sor.u32 s1, s0  }
0xc2: {  	s0 =	sadd.s32 $0x8F2B, s0  }
0xc3: {  	[sflag:s0] =	ssyncadd.remote.s32 $0x1  }
0xc4: {  	_ =	sfence.sel $0xFFFF  }
0xc5: {  	[dreg:$0x0] =	wrdreg $0xFFFFFFFF;
	(pc) =	sbr.abs _section_cstart, $3  }
0xc6: {  	[dreg:$0x1] =	wrdreg $0xFFFFFFFF  }
0xc7: {  	_ =	task.clear_ibuf [dreg:s10], $0x2FFFF;
	_ =	strace $0x9FFFFFFF  }
0xc8: {  	(tm) =	ssettm $0x7FFFFFFF  }
0xc9: {  	_ =	shalt  }
tec
execute0_lowered:
.L_overlay_start_1:
0x0: {  	(tag) =	ssettag $0x1  }
0x1: {  	v0 =	vimm.s32 $0xFEDCBA98;
	v1 =	vimm.s32 $0x76543210  }
0x2: {  	s5 =	rddreg [dreg:$0x0];
	v2 =	vimm.s32 $0xBA98FEDC;
	v3 =	vimm.s32 $0x32107654;
	v4 =	vimm.s32 $0xDCFE98BA  }
0x3: {  	s6 =	rddreg [dreg:$0x1];
	v5 =	vimm.s32 $0x54761032;
	v6 =	vimm.s32 $0xEFCDAB89;
	v7 =	vimm.s32 $0x67452301  }
0x4: {  	s7 =	rddreg [dreg:$0x2];
	vm0 =	vmmov $0x1;
	vm1 =	vmmov $0x3;
	vm2 =	vmmov $0x7  }
0x5: {  	s4 =	rddreg [dreg:$0x3];
	vm3 =	vmmov $0xf;
	vm4 =	vmmov $0x1f;
	v0 =	vunpack.c.l.s4.s8 v0  }
0x6: {  	s8 =	rddreg [dreg:$0x4];
	v1 =	vunpack.c.l.s4.s8 v1;
	v2 =	vunpack.c.l.s4.s8 v2;
	v3 =	vunpack.c.l.s4.s8 v3  }
0x7: {  	s0 =	rddreg [dreg:$0x5];
	s1 =	simm.s32 $0x0;
	v4 =	vunpack.c.l.s4.s8 v4;
	v5 =	vunpack.c.l.s4.s8 v5;
	v6 =	vunpack.c.l.s4.s8 v6  }
0x8: {  	s9 =	srdreg.scid;
	s2 =	stileid.u32;
	s13 =	simm.s32 $0x600;
	v7 =	vunpack.c.l.s4.s8 v7;
	v0 =	vunpack.c.0.s8.s32 v0;
	v2 =	vunpack.c.0.s8.s32 v2  }
0x9: {  	s14 =	simm.s32 $0x8600;
	s15 =	simm.s32 $0x10600;
	s16 =	simm.s32 $0x1;
	v3 =	vunpack.c.0.s8.s32 v3;
	v4 =	vunpack.c.0.s8.s32 v4;
	v1 =	vunpack.c.0.s8.s32 v1  }
0xa: {  	s17 =	simm.s32 $0x18600;
	s18 =	simm.s32 $0x0;
	[smem:$0x7FF] =	sst s1;
	v5 =	vunpack.c.0.s8.s32 v5;
	v6 =	vunpack.c.0.s8.s32 v6;
	v0 =	vand.u32 $0xF, v0  }
0xb: {  	s3 =	sadd.s32 $0x187000, s4;
	s9 =	sand.u32 $0x1, s9;
	s11 =	sshll.u32 s2, $0x7;
	v7 =	vunpack.c.0.s8.s32 v7;
	v2 =	vcombine.low v3, v2;
	v0 =	vcombine.low v0, v1  }
0xc: {  	vm5 =	vmmov $0x3f;
	vm6 =	vmmov $0x7f;
	s4 =	sadd.s32 $0x600, s4;
	s10 =	ssub.s32 $0x2, s9;
	s9 =	sshll.u32 s9, $0x6;
	v59 =	vcombine.low v5, v4  }
0xd: {  	vm7 =	vmmov $0xff;
	_ =	strace $0x80000047;
	s12 =	sshrl.u32 s10, $0x1;
	s9 =	sor.u32 s9, s11;
	v60 =	vcombine.low v7, v6;
	v61 =	vand.u32 $0xF, v2;
	[tilespmem:$0x1FFC0] =	vst v0  }
0xe: {  	vm8 =	vmmov $0x1ff;
	vm9 =	vmmov $0x3ff;
	s11 =	simm.s32 $0x200;
	s10 =	ssub.s32 s10, s12;
	s5 =	sadd.s32 s5, s9;
	v62 =	vand.u32 $0xF, v59;
	[tilespmem:$0x1FFD0] =	vst v61  }
0xf: {  	vm10 =	vmmov $0x7ff;
	vm11 =	vmmov $0xfff;
	s6 =	sadd.s32 s6, s9;
	s7 =	sadd.s32 s7, s9;
	s8 =	sadd.s32 s8, s9;
	v63 =	vand.u32 $0xF, v60;
	[tilespmem:$0x1FFE0] =	vst v62  }
0x10: {  	vm12 =	vmmov $0x1fff;
	vm13 =	vmmov $0x3fff;
	vm14 =	vmmov $0x7fff;
	s12 =	simm.s32 $0x400;
	s9 =	smax.u32 s10, $0x1;
	s10 =	simm.s32 $0x2;
	[tilespmem:$0x1FFF0] =	vst v63  }
.LBB2_1:
0x11: {  	[tilespmem:s1], [sflag:$0x2] =	stream.linear.gather [hbm4b:s5+s1], $0x200, $0x38;
	[tilespmem:$0x18800] =	vst v63  }
0x12: {  	_ =	swait.ge [sflag:s10], $0x200  }
0x13: {  	[sflag:s10] =	ssyncset.done $0x0  }
0x14: {  	[sflag:s10] =	ssyncadd.s32 $0xFFFFFE00  }
0x15: {  	[tilespmem:s11], [sflag:$0x2] =	stream.linear.gather [hbm4b:s6+s1], $0x200, $0x38;
	[tilespmem:$0x18800] =	vst v63  }
0x16: {  	_ =	swait.ge [sflag:s10], $0x200  }
0x17: {  	[sflag:s10] =	ssyncset.done $0x0  }
0x18: {  	[sflag:s10] =	ssyncadd.s32 $0xFFFFFE00  }
0x19: {  	[tilespmem:s12], [sflag:$0x2] =	stream.linear.gather [hbm4b:s7+s1], $0x200, $0x38;
	[tilespmem:$0x18800] =	vst v63  }
0x1a: {  	_ =	swait.ge [sflag:s10], $0x200  }
0x1b: {  	[sflag:s10] =	ssyncset.done $0x0  }
0x1c: {  	[sflag:s10] =	ssyncadd.s32 $0xFFFFFE00  }
0x1d: {  	[tilespmem:s13], [sflag:$0x1] =	stream.indirect.gather [hbm4b:s3+s11], $0x40, s1, s11, $0xb8;
	[tilespmem:$0x18800] =	vst v63  }
0x1e: {  	_ = 	snop  }
0x1f: {  	[tilespmem:s14], [sflag:$0x1] =	stream.indirect.gather [hbm4b:s4+s11], $0x40, s11, s11, $0xb8;
	[tilespmem:$0x18800] =	vst v63  }
0x20: {  	_ = 	snop  }
0x21: {  	[tilespmem:s15], [sflag:$0x1] =	stream.indirect.gather [hbm4b:s3+s11], $0x40, s12, s11, $0xb8;
	[tilespmem:$0x18800] =	vst v63  }
0x22: {  	_ =	swait.ge [sflag:s16], $0x8000  }
0x23: {  	[sflag:s16] =	ssyncset.done $0x0  }
0x24: {  	[sflag:s16] =	ssyncadd.s32 $0xFFFF8000  }
0x25: {  	_ =	swait.ge [sflag:s16], $0x8000  }
0x26: {  	[sflag:s16] =	ssyncset.done $0x0  }
0x27: {  	[sflag:s16] =	ssyncadd.s32 $0xFFFF8000  }
0x28: {  	_ =	swait.ge [sflag:s16], $0x8000  }
0x29: {  	[sflag:s16] =	ssyncset.done $0x0  }
0x2a: {  	s19 =	simm.s32 $0x0;
	[sflag:s16] =	ssyncadd.s32 $0xFFFF8000  }
0x2b: {  	v13 =	vld [tilespmem:s19+$0x109F0]  }
0x2c: {  	v47 =	vld [tilespmem:s19+$0x89F0]  }
0x2d: {  	v4 =	vld [tilespmem:s19+$0x9F0]  }
0x2e: {  	v51 =	vld [tilespmem:s19+$0x109E0]  }
0x2f: {  	v34 =	vld [tilespmem:s19+$0x109B0]  }
0x30: {  	v9 =	vld [tilespmem:s19+$0x89E0]  }
0x31: {  	v15 =	vld [tilespmem:s19+$0x9E0]  }
0x32: {  	v17 =	vld [tilespmem:s19+$0x109D0]  }
0x33: {  	v18 =	vld [tilespmem:s19+$0x109C0]  }
0x34: {  	v22 =	vld [tilespmem:s19+$0x89B0]  }
0x35: {  	v26 =	vld [tilespmem:s19+$0x9B0]  }
0x36: {  	v27 =	vld [tilespmem:s19+$0x109A0]  }
0x37: {  	v33 =	vld [tilespmem:s19+$0x10970]  }
0x38: {  	v29 =	vld [tilespmem:s19+$0x89D0]  }
0x39: {  	v32 =	vld [tilespmem:s19+$0x9D0]  }
0x3a: {  	v35 =	vld [tilespmem:s19+$0x89C0]  }
0x3b: {  	v37 =	vld [tilespmem:s19+$0x9C0]  }
0x3c: {  	v38 =	vld [tilespmem:s19+$0x89A0]  }
0x3d: {  	v49 =	vld [tilespmem:s19+$0x9A0]  }
0x3e: {  	v50 =	vld [tilespmem:s19+$0x10990]  }
0x3f: {  	v52 =	vld [tilespmem:s19+$0x10980]  }
0x40: {  	v53 =	vld [tilespmem:s19+$0x8970]  }
0x41: {  	v55 =	vld [tilespmem:s19+$0x970]  }
0x42: {  	v28 =	vld [tilespmem:s19+$0x10960]  }
0x43: {  	v41 =	vld [tilespmem:s19+$0x10930]  }
0x44: {  	v57 =	vld [tilespmem:s19+$0x8990]  }
0x45: {  	v0 =	vld [tilespmem:s19+$0x990]  }
0x46: {  	v3 =	vld [tilespmem:s19+$0x8980]  }
0x47: {  	v8 =	vld [tilespmem:s19+$0x980]  }
0x48: {  	v16 =	vld [tilespmem:s19+$0x8960]  }
0x49: {  	v14 =	vld [tilespmem:s19+$0x960]  }
0x4a: {  	v25 =	vld [tilespmem:s19+$0x10950]  }
0x4b: {  	v24 =	vld [tilespmem:s19+$0x10940]  }
0x4c: {  	v31 =	vld [tilespmem:s19+$0x8930]  }
0x4d: {  	v30 =	vld [tilespmem:s19+$0x930]  }
0x4e: {  	v36 =	vld [tilespmem:s19+$0x10920]  }
0x4f: {  	v1 =	vld [tilespmem:s19+$0x108F0]  }
0x50: {  	v12 =	vld [tilespmem:s19+$0x8950]  }
0x51: {  	v11 =	vld [tilespmem:s19+$0x950]  }
0x52: {  	v10 =	vld [tilespmem:s19+$0x8940]  }
0x53: {  	v5 =	vld [tilespmem:s19+$0x940]  }
0x54: {  	v20 =	vld [tilespmem:s19+$0x8920]  }
0x55: {  	v19 =	vld [tilespmem:s19+$0x920]  }
0x56: {  	v23 =	vld [tilespmem:s19+$0x10910]  }
0x57: {  	v21 =	vld [tilespmem:s19+$0x10900]  }
0x58: {  	v45 =	vld [tilespmem:s19+$0x88F0]  }
0x59: {  	v44 =	vld [tilespmem:s19+$0x8F0]  }
0x5a: {  	v7 =	vld [tilespmem:s19+$0x8910]  }
0x5b: {  	v6 =	vld [tilespmem:s19+$0x910]  }
0x5c: {  	v2 =	vld [tilespmem:s19+$0x8900]  }
0x5d: {  	v42 =	vld [tilespmem:s19+$0x88E0]  }
0x5e: {  	v54 =	vld [tilespmem:s19+$0x8E0]  }
0x5f: {  	v39 =	vld [tilespmem:s19+$0x108D0]  }
0x60: {  	v56 =	vld [tilespmem:s19+$0x108C0]  }
0x61: {  	v58 =	vld [tilespmem:s19+$0x88B0]  }
0x62: {  	v59 =	vld [tilespmem:s19+$0x8B0]  }
0x63: {  	v60 =	vld [tilespmem:s19+$0x108A0]  }
0x64: {  	v61 =	vld [tilespmem:s19+$0x10870]  }
0x65: {  	v46 =	vld [tilespmem:s19+$0x88A0]  }
0x66: {  	v48 =	vld [tilespmem:s19+$0x8A0]  }
0x67: {  	v62 =	vld [tilespmem:s19+$0x10890]  }
0x68: {  	v63 =	vld [tilespmem:s19+$0x10880]  }
0x69: {  	v43 =	vld [tilespmem:s19+$0x8870]  }
0x6a: {  	v40 =	vld [tilespmem:s19+$0x8860]  }
0x6b: {  	[tilespmem:$0x1FBC0] =	vst v1;
	v1 =	vld [tilespmem:s19+$0x108E0]  }
0x6c: {  	[tilespmem:$0x1FBE0] =	vst v56;
	v56 =	vld [tilespmem:s19+$0x88D0]  }
0x6d: {  	[tilespmem:$0x1FC20] =	vst v58;
	v58 =	vld [tilespmem:s19+$0x8D0]  }
0x6e: {  	[tilespmem:$0x1FC30] =	vst v59;
	v59 =	vld [tilespmem:s19+$0x88C0]  }
0x6f: {  	[tilespmem:$0x1FCD0] =	vst v61;
	v61 =	vld [tilespmem:s19+$0x8C0]  }
0x70: {  	[tilespmem:$0x1FC40] =	vst v60;
	v60 =	vld [tilespmem:s19+$0x870]  }
0x71: {  	[tilespmem:$0x1FC10] =	vst v62;
	v62 =	vld [tilespmem:s19+$0x10860]  }
0x72: {  	[tilespmem:$0x1FC00] =	vst v63;
	v63 =	vld [tilespmem:s19+$0x10830]  }
0x73: {  	[tilespmem:$0x1FBF0] =	vst v39;
	v39 =	vld [tilespmem:s19+$0x880]  }
0x74: {  	[tilespmem:$0x1FC60] =	vst v40;
	v40 =	vld [tilespmem:s19+$0x860]  }
0x75: {  	[tilespmem:$0x1FCA0] =	vst v43;
	v43 =	vld [tilespmem:s19+$0x107F0]  }
0x76: {  	v15 =	vadd.f32 v9, v15;
	v9 =	vld [tilespmem:s19+$0x8850]  }
0x77: {  	v4 =	vadd.f32 v47, v4;
	v47 =	vld [tilespmem:s19+$0x8840]  }
0x78: {  	v3 =	vadd.f32 v3, v8;
	v8 =	vld [tilespmem:s19+$0x10810]  }
0x79: {  	[tilespmem:$0x1FC70] =	vst v40;
	v40 =	vld [tilespmem:s19+$0x10850]  }
0x7a: {  	v35 =	vadd.f32 v35, v37;
	v29 =	vadd.f32 v29, v32;
	v32 =	vld [tilespmem:s19+$0x10800]  }
0x7b: {  	v0 =	vadd.f32 v57, v0;
	v5 =	vadd.f32 v10, v5;
	v10 =	vld [tilespmem:s19+$0x800]  }
0x7c: {  	v37 =	vld [tilespmem:s19+$0x7E0];
	v18 =	vsub.f32 v35, v18;
	v17 =	vsub.f32 v29, v17  }
0x7d: {  	v57 =	vadd.f32 v38, v49;
	v22 =	vadd.f32 v22, v26;
	v38 =	vld [tilespmem:$0x1FFD0]  }
0x7e: {  	v29 =	vsub.f32 v15, v51;
	v18 =	vmul.f32 v18, v18;
	v17 =	vmul.f32 v17, v17;
	[tilespmem:$0x1FC90] =	vst v40;
	v40 =	vld [tilespmem:s19+$0x10840]  }
0x7f: {  	v26 =	vadd.f32 v53, v55;
	v14 =	vadd.f32 v16, v14;
	v16 =	vld [tilespmem:s19+$0x7C0]  }
0x80: {  	v49 =	vld [tilespmem:s19+$0x87A0];
	v4 =	vsub.f32 v4, v13;
	v13 =	vmul.f32 v29, v29;
	v17 =	vadd.f32 v17, v18  }
0x81: {  	v6 =	vadd.f32 v7, v6;
	v53 =	vld [tilespmem:s19+$0x7A0];
	v3 =	vsub.f32 v3, v52  }
0x82: {  	v55 =	vld [tilespmem:s19+$0x10780];
	v0 =	vsub.f32 v0, v50;
	v4 =	vmul.f32 v4, v4;
	v13 =	vadd.f32 v13, v17  }
0x83: {  	v7 =	vadd.f32 v20, v19;
	v20 =	vadd.f32 v45, v44;
	v3 =	vmul.f32 v3, v3;
	[tilespmem:$0x1FC80] =	vst v40;
	v40 =	vld [tilespmem:s19+$0x8830]  }
0x84: {  	v44 =	vld [tilespmem:s19+$0x760];
	v0 =	vmul.f32 v0, v0;
	v4 =	vadd.f32 v4, v13;
	v13 =	vsub.f32 v57, v27  }
0x85: {  	[tilespmem:$0x1FBD0] =	vst v1;
	v1 =	vld [tilespmem:s19+$0x108B0]  }
0x86: {  	v45 =	vld [tilespmem:$0x1FC00];
	v0 =	vadd.f32 v0, v3;
	v3 =	vsub.f32 v22, v34;
	v13 =	vmul.f32 v13, v13  }
0x87: {  	v35 =	vld [tilespmem:s19+$0x850]  }
0x88: {  	v3 =	vmul.f32 v3, v3;
	v0 =	vadd.f32 v13, v0;
	[tilespmem:$0x1FCE0] =	vst v40;
	v40 =	vld [tilespmem:s19+$0x830]  }
0x89: {  	v11 =	vadd.f32 v12, v11;
	v51 =	vld [tilespmem:s19+$0x840]  }
0x8a: {  	[tilespmem:$0x1FC50] =	vst v1;
	v1 =	vld [tilespmem:s19+$0x900];
	v0 =	vadd.f32 v3, v0  }
0x8b: {  	[tilespmem:$0x1FD30] =	vst v43;
	v43 =	vld [tilespmem:$0x1FFC0];
	v3 =	vsub.f32 v5, v24;
	v5 =	vsub.f32 v11, v25  }
0x8c: {  	v27 =	vld [tilespmem:s19+$0x107B0]  }
0x8d: {  	v12 =	vsub.f32 v14, v28;
	v3 =	vmul.f32 v3, v3;
	v5 =	vmul.f32 v5, v5;
	[tilespmem:$0x1FCF0] =	vst v40;
	v40 =	vld [tilespmem:s19+$0x10820]  }
0x8e: {  	v15 =	vld [tilespmem:s19+$0x8820]  }
0x8f: {  	v2 =	vadd.f32 v2, v1;
	v3 =	vadd.f32 v5, v3;
	v5 =	vmul.f32 v12, v12;
	v12 =	vld [tilespmem:s19+$0x107A0]  }
0x90: {  	v52 =	vld [tilespmem:s19+$0x8810];
	v6 =	vsub.f32 v6, v23  }
0x91: {  	v50 =	vld [tilespmem:s19+$0x10790];
	[tilespmem:$0x1FD50] =	vst v27;
	v27 =	vperm.xlane v4, v43;
	v2 =	vsub.f32 v2, v21  }
0x92: {  	v7 =	vsub.f32 v7, v36;
	v36 =	vld [tilespmem:s19+$0x10720];
	v6 =	vmul.f32 v6, v6;
	[tilespmem:$0x1FD00] =	vst v40;
	v40 =	vsub.f32 v26, v33  }
0x93: {  	v29 =	vld [tilespmem:s19+$0x820];
	[tilespmem:$0x1FCB0] =	vst v60;
	v13 =	vadd.f32 v31, v30;
	v27 =	vadd.f32 v4, v27;
	v2 =	vmul.f32 v2, v2  }
0x94: {  	v60 =	vld [tilespmem:s19+$0x8890];
	v14 =	vperm.xlane v0, v43;
	v5 =	vadd.f32 v5, v3;
	[tilespmem:$0x1FD40] =	vst v12;
	v12 =	vmul.f32 v40, v40  }
0x95: {  	v7 =	vmul.f32 v7, v7;
	v2 =	vadd.f32 v6, v2;
	v6 =	vsub.f32 v13, v41;
	v40 =	vld [tilespmem:$0x1FFE0]  }
0x96: {  	[tilespmem:$0x1FCC0] =	vst v62;
	v62 =	vld [tilespmem:s19+$0x890];
	v13 =	vperm.xlane v27, v38;
	v5 =	vadd.f32 v12, v5;
	v12 =	vadd.f32 v0, v14  }
0x97: {  	[tilespmem:$0x1FD10] =	vst v63;
	v63 =	vld [tilespmem:s19+$0x8880];
	v2 =	vadd.f32 v7, v2;
	v6 =	vmul.f32 v6, v6  }
0x98: {  	v18 =	vld [tilespmem:s19+$0x7F0];
	v7 =	vadd.f32 v27, v13;
	v13 =	vperm.xlane v5, v43;
	v19 =	vperm.xlane v12, v38  }
0x99: {  	v22 =	vld [tilespmem:s19+$0x87B0];
	v2 =	vadd.f32 v6, v2  }
0x9a: {  	v17 =	vld [tilespmem:s19+$0x87F0];
	v6 =	vperm.xlane v7, v40;
	v5 =	vadd.f32 v5, v13;
	v12 =	vadd.f32 v12, v19  }
0x9b: {  	v9 =	vadd.f32 v9, v35;
	v35 =	vld [tilespmem:s19+$0x8740];
	v15 =	vadd.f32 v15, v29  }
0x9c: {  	v29 =	vld [tilespmem:s19+$0x86F0];
	v6 =	vadd.f32 v7, v6;
	v7 =	vperm.xlane v5, v38;
	v19 =	vperm.xlane v12, v40  }
0x9d: {  	v57 =	vld [tilespmem:s19+$0x810];
	v28 =	vadd.f32 v60, v62  }
0x9e: {  	v60 =	vld [tilespmem:s19+$0x10750];
	v7 =	vadd.f32 v5, v7;
	v5 =	vadd.f32 v12, v19  }
0x9f: {  	[tilespmem:$0x1FD20] =	vst v17;
	v17 =	vld [tilespmem:s19+$0x107E0]  }
0xa0: {  	[tilespmem:$0x1FD70] =	vst v5;
	v5 =	vld [tilespmem:$0x1FBC0]  }
0xa1: {  	v30 =	vld [tilespmem:s19+$0x8780];
	v13 =	vperm.xlane v2, v43  }
0xa2: {  	v31 =	vadd.f32 v46, v48;
	v46 =	vld [tilespmem:$0x1FC10]  }
0xa3: {  	v48 =	vld [tilespmem:$0x1FC20];
	v2 =	vadd.f32 v2, v13  }
0xa4: {  	v1 =	vld [tilespmem:s19+$0x107C0]  }
0xa5: {  	v11 =	vld [tilespmem:s19+$0x107D0];
	v19 =	vsub.f32 v20, v5;
	v20 =	vperm.xlane v2, v38  }
0xa6: {  	v24 =	vld [tilespmem:$0x1FBD0]  }
0xa7: {  	v2 =	vadd.f32 v2, v20;
	v20 =	vld [tilespmem:$0x1FBE0]  }
0xa8: {  	v25 =	vld [tilespmem:s19+$0x790]  }
0xa9: {  	v4 =	vld [tilespmem:s19+$0x8800]  }
0xaa: {  	v21 =	vadd.f32 v59, v61;
	v59 =	vld [tilespmem:s19+$0x780]  }
0xab: {  	v61 =	vld [tilespmem:$0x1FCC0]  }
0xac: {  	v20 =	vsub.f32 v21, v20;
	v21 =	vld [tilespmem:$0x1FBF0]  }
0xad: {  	v28 =	vsub.f32 v28, v46;
	v46 =	vld [tilespmem:s19+$0x10740]  }
0xae: {  	v41 =	vld [tilespmem:s19+$0x8730]  }
0xaf: {  	v23 =	vadd.f32 v56, v58;
	v3 =	vld [tilespmem:s19+$0x10770]  }
0xb0: {  	v4 =	vadd.f32 v4, v10;
	v10 =	vadd.f32 v52, v57;
	v57 =	vld [tilespmem:s19+$0x710]  }
0xb1: {  	v52 =	vld [tilespmem:s19+$0x8700];
	v21 =	vsub.f32 v23, v21  }
0xb2: {  	v27 =	vld [tilespmem:s19+$0x770]  }
0xb3: {  	v4 =	vsub.f32 v4, v32;
	v32 =	vld [tilespmem:s19+$0x6F0];
	v20 =	vmul.f32 v20, v20;
	v21 =	vmul.f32 v21, v21  }
0xb4: {  	v8 =	vsub.f32 v10, v8;
	v10 =	vld [tilespmem:$0x1FCE0]  }
0xb5: {  	v20 =	vadd.f32 v21, v20;
	v21 =	vld [tilespmem:$0x1FC40]  }
0xb6: {  	v26 =	vld [tilespmem:s19+$0x7B0];
	v23 =	vadd.f32 v63, v39  }
0xb7: {  	[tilespmem:$0x1FD60] =	vst v3;
	v3 =	vld [tilespmem:s19+$0x87D0]  }
0xb8: {  	v12 =	vadd.f32 v42, v54;
	v54 =	vld [tilespmem:$0x1FC30];
	v23 =	vsub.f32 v23, v45  }
0xb9: {  	v28 =	vmul.f32 v28, v28;
	v0 =	vld [tilespmem:s19+$0x7D0]  }
0xba: {  	v12 =	vsub.f32 v12, v24;
	v23 =	vmul.f32 v23, v23;
	v21 =	vsub.f32 v31, v21;
	v31 =	vld [tilespmem:$0x1FC50]  }
0xbb: {  	v14 =	vld [tilespmem:s19+$0x87C0];
	v22 =	vadd.f32 v22, v26;
	v56 =	vperm.xlane v7, v40  }
0xbc: {  	v33 =	vld [tilespmem:s19+$0x87E0];
	v12 =	vmul.f32 v12, v12;
	v23 =	vadd.f32 v28, v23;
	v21 =	vmul.f32 v21, v21  }
0xbd: {  	v26 =	vld [tilespmem:s19+$0x86C0];
	v34 =	vadd.f32 v48, v54;
	v48 =	vadd.f32 v7, v56;
	v58 =	vperm.xlane v2, v40  }
0xbe: {  	v12 =	vadd.f32 v12, v20;
	v7 =	vadd.f32 v21, v23;
	v21 =	vld [tilespmem:$0x1FC60]  }
0xbf: {  	v20 =	vadd.f32 v2, v58;
	v2 =	vmul.f32 v19, v19;
	v23 =	vld [tilespmem:$0x1FC70];
	v31 =	vsub.f32 v34, v31  }
0xc0: {  	v14 =	vadd.f32 v14, v16;
	v0 =	vadd.f32 v3, v0;
	v3 =	vld [tilespmem:s19+$0x86E0]  }
0xc1: {  	v16 =	vadd.f32 v33, v37;
	v33 =	vld [tilespmem:s19+$0x6E0];
	v2 =	vadd.f32 v2, v12;
	v12 =	vmul.f32 v31, v31  }
0xc2: {  	v37 =	vld [tilespmem:s19+$0x6B0]  }
0xc3: {  	v12 =	vadd.f32 v12, v7;
	v7 =	vld [tilespmem:$0x1FC90]  }
0xc4: {  	v21 =	vadd.f32 v21, v23;
	v23 =	vld [tilespmem:$0x1FC80]  }
0xc5: {  	v13 =	vld [tilespmem:s19+$0x10760]  }
0xc6: {  	[tilespmem:$0x1FD80] =	vst v6;
	v6 =	vld [tilespmem:s19+$0x8770]  }
0xc7: {  	v24 =	vld [tilespmem:s19+$0x8790];
	v19 =	vadd.f32 v47, v51  }
0xc8: {  	v7 =	vsub.f32 v9, v7;
	v9 =	vld [tilespmem:$0x1FCA0]  }
0xc9: {  	v19 =	vsub.f32 v19, v23;
	v23 =	vld [tilespmem:$0x1FCB0]  }
0xca: {  	v16 =	vsub.f32 v16, v17;
	v17 =	vld [tilespmem:s19+$0x86B0]  }
0xcb: {  	v62 =	vmul.f32 v7, v7;
	v7 =	vld [tilespmem:$0x1FCD0]  }
0xcc: {  	v0 =	vsub.f32 v0, v11;
	v11 =	vld [tilespmem:$0x1FD30]  }
0xcd: {  	v5 =	vld [tilespmem:s19+$0x10730]  }
0xce: {  	v24 =	vadd.f32 v24, v25;
	v25 =	vld [tilespmem:s19+$0x10670];
	v9 =	vadd.f32 v9, v23  }
0xcf: {  	v39 =	vld [tilespmem:s19+$0x8760];
	v21 =	vsub.f32 v21, v61;
	v19 =	vmul.f32 v19, v19;
	v23 =	vperm.xlane v2, v43  }
0xd0: {  	v45 =	vld [tilespmem:s19+$0x730];
	v9 =	vsub.f32 v9, v7  }
0xd1: {  	v58 =	vld [tilespmem:$0x1FCF0];
	v56 =	vmul.f32 v21, v21;
	v54 =	vadd.f32 v2, v23;
	v2 =	vadd.f32 v62, v19  }
0xd2: {  	v28 =	vld [tilespmem:s19+$0x8750]  }
0xd3: {  	v51 =	vld [tilespmem:s19+$0x740];
	v2 =	vadd.f32 v56, v2;
	v9 =	vmul.f32 v9, v9  }
0xd4: {  	v31 =	vld [tilespmem:s19+$0x750]  }
0xd5: {  	v42 =	vadd.f32 v9, v2;
	v9 =	vld [tilespmem:$0x1FD00]  }
0xd6: {  	v10 =	vadd.f32 v10, v58;
	v58 =	vld [tilespmem:s19+$0x106C0]  }
0xd7: {  	v61 =	vld [tilespmem:$0x1FD10]  }
0xd8: {  	v34 =	vld [tilespmem:s19+$0x106F0]  }
0xd9: {  	v4 =	vmul.f32 v4, v4;
	v8 =	vmul.f32 v8, v8;
	v28 =	vadd.f32 v28, v31;
	v31 =	vld [tilespmem:s19+$0x8630]  }
0xda: {  	v21 =	vld [tilespmem:s19+$0x10700];
	v15 =	vsub.f32 v15, v9  }
0xdb: {  	v4 =	vadd.f32 v8, v4;
	v28 =	vsub.f32 v28, v60;
	v60 =	vld [tilespmem:s19+$0x8690]  }
0xdc: {  	v63 =	vperm.xlane v12, v43;
	v10 =	vsub.f32 v10, v61;
	v7 =	vld [tilespmem:s19+$0x8720];
	v8 =	vmul.f32 v15, v15  }
0xdd: {  	v23 =	vld [tilespmem:s19+$0x720]  }
0xde: {  	v12 =	vadd.f32 v12, v63;
	v2 =	vld [tilespmem:s19+$0x106E0];
	v4 =	vadd.f32 v8, v4;
	v8 =	vmul.f32 v10, v10  }
0xdf: {  	v9 =	vld [tilespmem:s19+$0x106B0];
	v15 =	vperm.xlane v42, v43  }
0xe0: {  	v62 =	vperm.xlane v12, v38;
	v4 =	vadd.f32 v8, v4;
	v8 =	vsub.f32 v14, v1;
	v1 =	vld [tilespmem:$0x1FD20]  }
0xe1: {  	v3 =	vadd.f32 v3, v33;
	v63 =	vperm.xlane v54, v38;
	v10 =	vadd.f32 v42, v15;
	v15 =	vld [tilespmem:s19+$0x700]  }
0xe2: {  	v17 =	vadd.f32 v17, v37;
	v19 =	vld [tilespmem:s19+$0x10710];
	v12 =	vadd.f32 v12, v62  }
0xe3: {  	v56 =	vld [tilespmem:s19+$0x8710];
	v47 =	vadd.f32 v54, v63;
	v7 =	vadd.f32 v7, v23;
	v54 =	vperm.xlane v10, v38  }
0xe4: {  	v0 =	vmul.f32 v0, v0;
	v23 =	vld [tilespmem:s19+$0x10650];
	v2 =	vsub.f32 v3, v2;
	v9 =	vsub.f32 v17, v9  }
0xe5: {  	v3 =	vld [tilespmem:s19+$0x610];
	v8 =	vmul.f32 v8, v8;
	v10 =	vadd.f32 v10, v54;
	v1 =	vadd.f32 v1, v18  }
0xe6: {  	v42 =	vld [tilespmem:s19+$0x6D0];
	v54 =	vadd.f32 v39, v44;
	v15 =	vadd.f32 v52, v15;
	v18 =	vperm.xlane v4, v43  }
0xe7: {  	v17 =	vld [tilespmem:s19+$0x8600];
	v0 =	vadd.f32 v0, v8;
	v1 =	vsub.f32 v1, v11  }
0xe8: {  	v8 =	vmul.f32 v16, v16;
	v4 =	vadd.f32 v4, v18;
	v18 =	vadd.f32 v30, v59;
	v11 =	vld [tilespmem:$0x1FD40]  }
0xe9: {  	v14 =	vld [tilespmem:s19+$0x106D0];
	v13 =	vsub.f32 v54, v13;
	v15 =	vsub.f32 v15, v21  }
0xea: {  	v0 =	vadd.f32 v8, v0;
	v1 =	vmul.f32 v1, v1;
	v8 =	vsub.f32 v18, v55;
	v55 =	vld [tilespmem:$0x1FD50]  }
0xeb: {  	v16 =	vld [tilespmem:s19+$0x106A0];
	v63 =	vperm.xlane v10, v40;
	v30 =	vadd.f32 v49, v53;
	v18 =	vsub.f32 v24, v50  }
0xec: {  	v54 =	vld [tilespmem:s19+$0x8660];
	v24 =	vperm.xlane v47, v40;
	v0 =	vadd.f32 v1, v0;
	v1 =	vperm.xlane v4, v38  }
0xed: {  	v21 =	vld [tilespmem:s19+$0x620];
	v8 =	vmul.f32 v8, v8;
	v18 =	vmul.f32 v18, v18;
	v11 =	vsub.f32 v30, v11  }
0xee: {  	v59 =	vld [tilespmem:s19+$0x86D0];
	v1 =	vadd.f32 v4, v1;
	v4 =	vperm.xlane v12, v40;
	v61 =	vperm.xlane v0, v43  }
0xef: {  	v49 =	vld [tilespmem:s19+$0x86A0];
	v18 =	vadd.f32 v18, v8;
	v22 =	vsub.f32 v22, v55;
	v11 =	vmul.f32 v11, v11  }
0xf0: {  	v53 =	vld [tilespmem:s19+$0x6A0];
	v8 =	vadd.f32 v47, v24;
	v62 =	vperm.xlane v1, v40;
	v0 =	vadd.f32 v0, v61  }
0xf1: {  	v30 =	vld [tilespmem:s19+$0x6C0];
	v18 =	vadd.f32 v11, v18;
	v22 =	vmul.f32 v22, v22;
	v11 =	vadd.f32 v10, v63  }
0xf2: {  	v50 =	vld [tilespmem:s19+$0x670];
	v10 =	vadd.f32 v12, v4;
	v12 =	vadd.f32 v1, v62  }
0xf3: {  	v24 =	vld [tilespmem:s19+$0x10690];
	v1 =	vadd.f32 v35, v51;
	v18 =	vadd.f32 v22, v18;
	v22 =	vperm.xlane v0, v38  }
0xf4: {  	v47 =	vld [tilespmem:s19+$0x10680]  }
0xf5: {  	v61 =	vld [tilespmem:s19+$0x690];
	v1 =	vsub.f32 v1, v46;
	v0 =	vadd.f32 v0, v22  }
0xf6: {  	v28 =	vmul.f32 v28, v28;
	v4 =	vld [tilespmem:s19+$0x8670];
	v26 =	vadd.f32 v26, v30  }
0xf7: {  	v6 =	vadd.f32 v6, v27;
	v63 =	vld [tilespmem:s19+$0x8680];
	v62 =	vmul.f32 v1, v1;
	v27 =	vperm.xlane v0, v40  }
0xf8: {  	v30 =	vld [tilespmem:s19+$0x8650];
	v26 =	vsub.f32 v26, v58  }
0xf9: {  	v13 =	vmul.f32 v13, v13;
	v58 =	vld [tilespmem:s19+$0x8610];
	v1 =	vadd.f32 v0, v27;
	v27 =	vadd.f32 v28, v62  }
0xfa: {  	v29 =	vadd.f32 v29, v32;
	v41 =	vadd.f32 v41, v45;
	v55 =	vperm.xlane v18, v43;
	v22 =	vld [tilespmem:s19+$0x630]  }
0xfb: {  	v28 =	vld [tilespmem:$0x1FD60];
	v13 =	vadd.f32 v13, v27;
	v27 =	vadd.f32 v56, v57  }
0xfc: {  	v60 =	vadd.f32 v60, v61;
	v61 =	vld [tilespmem:s19+$0x10610];
	v18 =	vadd.f32 v18, v55  }
0xfd: {  	v55 =	vld [tilespmem:s19+$0x10640];
	v19 =	vsub.f32 v27, v19;
	v27 =	vadd.f32 v59, v42  }
0xfe: {  	v5 =	vsub.f32 v41, v5;
	v29 =	vsub.f32 v29, v34;
	v51 =	vperm.xlane v18, v38;
	v0 =	vld [tilespmem:s19+$0x680]  }
0xff: {  	v7 =	vsub.f32 v7, v36;
	v15 =	vmul.f32 v15, v15;
	v57 =	vld [tilespmem:s19+$0x650];
	v14 =	vsub.f32 v27, v14  }
0x100: {  	v28 =	vsub.f32 v6, v28;
	v6 =	vadd.f32 v18, v51;
	v18 =	vld [tilespmem:s19+$0x660];
	v19 =	vmul.f32 v19, v19  }
0x101: {  	v26 =	vmul.f32 v26, v26;
	v4 =	vadd.f32 v4, v50;
	v27 =	vld [tilespmem:s19+$0x8640];
	v14 =	vmul.f32 v14, v14  }
0x102: {  	v24 =	vsub.f32 v60, v24;
	v15 =	vadd.f32 v19, v15;
	v19 =	vld [tilespmem:s19+$0x640]  }
0x103: {  	v3 =	vadd.f32 v58, v3;
	v14 =	vadd.f32 v14, v26;
	v26 =	vld [tilespmem:s19+$0x600]  }
0x104: {  	v4 =	vsub.f32 v4, v25;
	v25 =	vld [tilespmem:s19+$0x10600];
	v0 =	vadd.f32 v63, v0  }
0x105: {  	v5 =	vmul.f32 v5, v5;
	v22 =	vadd.f32 v31, v22;
	v56 =	vld [tilespmem:s19+$0x8620];
	v3 =	vsub.f32 v3, v61  }
0x106: {  	v7 =	vmul.f32 v7, v7;
	v31 =	vld [tilespmem:s19+$0x10660];
	v59 =	vadd.f32 v49, v53;
	v0 =	vsub.f32 v0, v47  }
0x107: {  	v2 =	vmul.f32 v2, v2;
	v62 =	vld [tilespmem:s19+$0x10620];
	v19 =	vadd.f32 v27, v19;
	v27 =	vadd.f32 v30, v57  }
0x108: {  	v24 =	vmul.f32 v24, v24;
	v18 =	vadd.f32 v54, v18;
	v17 =	vadd.f32 v17, v26  }
0x109: {  	v4 =	vmul.f32 v4, v4;
	v26 =	vld [tilespmem:s19+$0x10630];
	v19 =	vsub.f32 v19, v55;
	v23 =	vsub.f32 v27, v23  }
0x10a: {  	v3 =	vmul.f32 v3, v3;
	v21 =	vadd.f32 v56, v21;
	v17 =	vsub.f32 v17, v25  }
0x10b: {  	v18 =	vsub.f32 v18, v31;
	v19 =	vmul.f32 v19, v19;
	v23 =	vmul.f32 v23, v23  }
0x10c: {  	v16 =	vsub.f32 v59, v16;
	v21 =	vsub.f32 v21, v62;
	v17 =	vmul.f32 v17, v17  }
0x10d: {  	v0 =	vmul.f32 v0, v0;
	v18 =	vmul.f32 v18, v18;
	v19 =	vadd.f32 v23, v19  }
0x10e: {  	v22 =	vsub.f32 v22, v26;
	v3 =	vadd.f32 v3, v17;
	v17 =	vmul.f32 v21, v21  }
0x10f: {  	v16 =	vmul.f32 v16, v16;
	v7 =	vadd.f32 v7, v15;
	v0 =	vadd.f32 v24, v0  }
0x110: {  	v18 =	vadd.f32 v18, v19;
	v3 =	vadd.f32 v17, v3;
	v17 =	vmul.f32 v22, v22  }
0x111: {  	v9 =	vmul.f32 v9, v9;
	v2 =	vadd.f32 v2, v14;
	v0 =	vadd.f32 v16, v0  }
0x112: {  	v14 =	vmul.f32 v29, v29;
	v4 =	vadd.f32 v4, v18;
	v3 =	vadd.f32 v17, v3  }
0x113: {  	v28 =	vmul.f32 v28, v28;
	v5 =	vadd.f32 v5, v7;
	v0 =	vadd.f32 v9, v0  }
0x114: {  	v2 =	vadd.f32 v14, v2;
	v15 =	vperm.xlane v4, v43;
	v9 =	vperm.xlane v3, v43  }
0x115: {  	v7 =	vadd.f32 v28, v13;
	v30 =	vperm.xlane v6, v40;
	v14 =	vperm.xlane v0, v43  }
0x116: {  	v4 =	vadd.f32 v4, v15;
	v3 =	vadd.f32 v3, v9;
	v9 =	vperm.xlane v2, v43  }
0x117: {  	v13 =	vperm.xlane v5, v43;
	v0 =	vadd.f32 v0, v14;
	v14 =	vperm.xlane v7, v43  }
0x118: {  	v16 =	vperm.xlane v4, v38;
	v15 =	vperm.xlane v3, v38;
	v2 =	vadd.f32 v2, v9  }
0x119: {  	v5 =	vadd.f32 v5, v13;
	v7 =	vadd.f32 v7, v14;
	v9 =	vperm.xlane v0, v38  }
0x11a: {  	v4 =	vadd.f32 v4, v16;
	v3 =	vadd.f32 v3, v15;
	v13 =	vperm.xlane v2, v38  }
0x11b: {  	v14 =	vperm.xlane v7, v38;
	v17 =	vld [tilespmem:$0x1FFF0];
	v0 =	vadd.f32 v0, v9;
	v9 =	vperm.xlane v5, v38  }
0x11c: {  	v16 =	vperm.xlane v4, v40;
	v15 =	vperm.xlane v3, v40;
	v2 =	vadd.f32 v2, v13  }
0x11d: {  	v7 =	vadd.f32 v7, v14;
	v13 =	vperm.xlane v0, v40;
	v5 =	vadd.f32 v5, v9  }
0x11e: {  	v4 =	vadd.f32 v4, v16;
	v3 =	vadd.f32 v3, v15;
	v9 =	vperm.xlane v2, v40  }
0x11f: {  	v14 =	vperm.xlane v7, v40;
	v0 =	vadd.f32 v0, v13;
	v13 =	vperm.xlane v5, v40  }
0x120: {  	v16 =	vperm.xlane v4, v17;
	v15 =	vperm.xlane v3, v17;
	v2 =	vadd.f32 v2, v9  }
0x121: {  	v7 =	vadd.f32 v7, v14;
	v9 =	vperm.xlane v0, v17;
	v5 =	vadd.f32 v5, v13  }
0x122: {  	v4 =	vadd.f32 v4, v16;
	v3 =	vadd.f32 v3, v15;
	v13 =	vperm.xlane v2, v17  }
0x123: {  	v6 =	vadd.f32 v6, v30;
	v0 =	vadd.f32 v0, v9;
	v9 =	vperm.xlane v5, v17  }
0x124: {  	v3 =	vsel vm0, v3, v4;
	v2 =	vadd.f32 v2, v13;
	v4 =	vperm.xlane v7, v17  }
0x125: {  	v0 =	vsel vm1, v3, v0;
	v3 =	vadd.f32 v5, v9;
	v5 =	vperm.xlane v6, v17  }
0x126: {  	v0 =	vsel vm2, v0, v2;
	v2 =	vadd.f32 v7, v4;
	v4 =	vperm.xlane v1, v17  }
0x127: {  	v0 =	vsel vm3, v0, v3;
	v3 =	vadd.f32 v6, v5;
	v5 =	vperm.xlane v12, v17  }
0x128: {  	v6 =	vld [tilespmem:$0x1FD70];
	v0 =	vsel vm4, v0, v2;
	v1 =	vadd.f32 v1, v4;
	v2 =	vperm.xlane v11, v17  }
0x129: {  	v4 =	vperm.xlane v10, v17;
	v0 =	vsel vm5, v0, v3;
	v3 =	vadd.f32 v12, v5;
	v5 =	vld [tilespmem:$0x1FD80]  }
0x12a: {  	v0 =	vsel vm6, v0, v1;
	v1 =	vadd.f32 v11, v2;
	v2 =	vperm.xlane v8, v17  }
0x12b: {  	v0 =	vsel vm7, v0, v3;
	v3 =	vadd.f32 v10, v4;
	v4 =	vperm.xlane v20, v17  }
0x12c: {  	v0 =	vsel vm8, v0, v1;
	v1 =	vadd.f32 v8, v2;
	v2 =	vperm.xlane v48, v17  }
0x12d: {  	v0 =	vsel vm9, v0, v3;
	v3 =	vadd.f32 v20, v4;
	v4 =	vperm.xlane v6, v17  }
0x12e: {  	v0 =	vsel vm10, v0, v1;
	v1 =	vadd.f32 v48, v2;
	v2 =	vperm.xlane v5, v17  }
0x12f: {  	v0 =	vsel vm11, v0, v3;
	v3 =	vadd.f32 v6, v4  }
0x130: {  	v0 =	vsel vm12, v0, v1;
	v1 =	vadd.f32 v5, v2  }
0x131: {  	v0 =	vsel vm13, v0, v3  }
0x132: {  	v0 =	vsel vm14, v0, v1  }
0x133: {  	v1 =	vshrl.u32 v0, $0x1;
	v2 =	vmul.f32 $5.000000000e-01, v0  }
0x134: {  	v1 =	vsub.s32 $0x5F3759DF, v1  }
0x135: {  	v3 =	vmul.f32 v1, v2;
	_ =	sdelay $0x1  }
0x136: {  	v3 =	vmul.f32 v1, v3;
	_ =	sdelay $0x1  }
0x137: {  	v3 =	vsub.f32 $1.500000000e+00, v3;
	_ =	sdelay $0x1  }
0x138: {  	v1 =	vmul.f32 v1, v3;
	_ =	sdelay $0x1  }
0x139: {  	v3 =	vmul.f32 v1, v2;
	_ =	sdelay $0x1  }
0x13a: {  	v3 =	vmul.f32 v3, v1;
	_ =	sdelay $0x1  }
0x13b: {  	v3 =	vsub.f32 $1.500000000e+00, v3;
	_ =	sdelay $0x1  }
0x13c: {  	v1 =	vmul.f32 v3, v1;
	_ =	sdelay $0x1  }
0x13d: {  	v2 =	vmul.f32 v1, v2;
	_ =	sdelay $0x1  }
0x13e: {  	v2 =	vmul.f32 v2, v1;
	_ =	sdelay $0x1  }
0x13f: {  	v2 =	vsub.f32 $1.500000000e+00, v2;
	_ =	sdelay $0x1  }
0x140: {  	v1 =	vmul.f32 v2, v1;
	_ =	sdelay $0x1  }
0x141: {  	v0 =	vmul.f32 v1, v0;
	_ =	sdelay $0x1  }
0x142: {  	s19 =	simm.s32 $0x400;
	[tilespmem:s17+$0x0] =	vst v0  }
0x143: {  	v22 =	vld [tilespmem:s19+$0x109F0]  }
0x144: {  	v10 =	vld [tilespmem:s19+$0x89F0]  }
0x145: {  	v7 =	vld [tilespmem:s19+$0x9F0]  }
0x146: {  	v11 =	vld [tilespmem:s19+$0x109E0]  }
0x147: {  	v33 =	vld [tilespmem:s19+$0x109B0]  }
0x148: {  	v8 =	vld [tilespmem:s19+$0x89E0]  }
0x149: {  	v9 =	vld [tilespmem:s19+$0x9E0]  }
0x14a: {  	v13 =	vld [tilespmem:s19+$0x109D0]  }
0x14b: {  	v15 =	vld [tilespmem:s19+$0x109C0]  }
0x14c: {  	v23 =	vld [tilespmem:s19+$0x89B0]  }
0x14d: {  	v24 =	vld [tilespmem:s19+$0x9B0]  }
0x14e: {  	v29 =	vld [tilespmem:s19+$0x109A0]  }
0x14f: {  	v32 =	vld [tilespmem:s19+$0x10970]  }
0x150: {  	v47 =	vld [tilespmem:s19+$0x89D0]  }
0x151: {  	v27 =	vld [tilespmem:s19+$0x9D0]  }
0x152: {  	v36 =	vld [tilespmem:s19+$0x89C0]  }
0x153: {  	v37 =	vld [tilespmem:s19+$0x9C0]  }
0x154: {  	v46 =	vld [tilespmem:s19+$0x89A0]  }
0x155: {  	v50 =	vld [tilespmem:s19+$0x9A0]  }
0x156: {  	v51 =	vld [tilespmem:s19+$0x10990]  }
0x157: {  	v52 =	vld [tilespmem:s19+$0x10980]  }
0x158: {  	v55 =	vld [tilespmem:s19+$0x8970]  }
0x159: {  	v57 =	vld [tilespmem:s19+$0x970]  }
0x15a: {  	v31 =	vld [tilespmem:s19+$0x10960]  }
0x15b: {  	v44 =	vld [tilespmem:s19+$0x10930]  }
0x15c: {  	v61 =	vld [tilespmem:s19+$0x8990]  }
0x15d: {  	v1 =	vld [tilespmem:s19+$0x990]  }
0x15e: {  	v0 =	vld [tilespmem:s19+$0x8980]  }
0x15f: {  	v17 =	vld [tilespmem:s19+$0x980]  }
0x160: {  	v19 =	vld [tilespmem:s19+$0x8960]  }
0x161: {  	v18 =	vld [tilespmem:s19+$0x960]  }
0x162: {  	v30 =	vld [tilespmem:s19+$0x10950]  }
0x163: {  	v2 =	vld [tilespmem:s19+$0x108F0]  }
0x164: {  	v21 =	vld [tilespmem:s19+$0x10940]  }
0x165: {  	v35 =	vld [tilespmem:s19+$0x8930]  }
0x166: {  	v34 =	vld [tilespmem:s19+$0x930]  }
0x167: {  	v39 =	vld [tilespmem:s19+$0x10920]  }
0x168: {  	[tilespmem:$0x1FDC0] =	vst v2;
	v2 =	vld [tilespmem:s19+$0x88F0]  }
0x169: {  	v16 =	vld [tilespmem:s19+$0x8950]  }
0x16a: {  	v5 =	vld [tilespmem:s19+$0x8940]  }
0x16b: {  	v4 =	vld [tilespmem:s19+$0x940]  }
0x16c: {  	v14 =	vld [tilespmem:s19+$0x950];
	v36 =	vadd.f32 v36, v37  }
0x16d: {  	v27 =	vadd.f32 v47, v27;
	v37 =	vadd.f32 v8, v9;
	[tilespmem:$0x1FDA0] =	vst v2;
	v2 =	vld [tilespmem:s19+$0x108E0]  }
0x16e: {  	v28 =	vld [tilespmem:s19+$0x8920];
	v7 =	vadd.f32 v10, v7;
	v0 =	vadd.f32 v0, v17  }
0x16f: {  	v26 =	vld [tilespmem:s19+$0x920];
	v1 =	vadd.f32 v61, v1;
	v23 =	vadd.f32 v23, v24  }
0x170: {  	v25 =	vld [tilespmem:s19+$0x10910];
	v18 =	vadd.f32 v19, v18;
	v4 =	vadd.f32 v5, v4  }
0x171: {  	v20 =	vld [tilespmem:s19+$0x10900];
	v15 =	vsub.f32 v36, v15;
	v13 =	vsub.f32 v27, v13  }
0x172: {  	v5 =	vadd.f32 v16, v14;
	v11 =	vsub.f32 v37, v11;
	[tilespmem:$0x1FDD0] =	vst v2;
	v2 =	vld [tilespmem:s19+$0x108B0]  }
0x173: {  	v45 =	vld [tilespmem:s19+$0x8F0];
	v7 =	vsub.f32 v7, v22;
	v15 =	vmul.f32 v15, v15;
	v13 =	vmul.f32 v13, v13  }
0x174: {  	v12 =	vld [tilespmem:s19+$0x8910];
	v0 =	vsub.f32 v0, v52;
	v1 =	vsub.f32 v1, v51  }
0x175: {  	v3 =	vld [tilespmem:s19+$0x8900];
	v22 =	vadd.f32 v46, v50;
	v11 =	vmul.f32 v11, v11;
	v15 =	vadd.f32 v13, v15  }
0x176: {  	v24 =	vld [tilespmem:s19+$0x107B0];
	v4 =	vsub.f32 v4, v21;
	v0 =	vmul.f32 v0, v0;
	v1 =	vmul.f32 v1, v1  }
0x177: {  	v7 =	vmul.f32 v7, v7;
	v22 =	vsub.f32 v22, v29;
	v11 =	vadd.f32 v11, v15;
	[tilespmem:$0x1FE60] =	vst v2;
	v2 =	vld [tilespmem:s19+$0x900]  }
0x178: {  	v6 =	vld [tilespmem:s19+$0x910];
	v5 =	vsub.f32 v5, v30;
	v0 =	vadd.f32 v1, v0  }
0x179: {  	v53 =	vld [tilespmem:s19+$0x88E0];
	v22 =	vmul.f32 v22, v22;
	v7 =	vadd.f32 v7, v11;
	v11 =	vsub.f32 v23, v33  }
0x17a: {  	v54 =	vld [tilespmem:s19+$0x8E0];
	v14 =	vsub.f32 v18, v31;
	v4 =	vmul.f32 v4, v4;
	v5 =	vmul.f32 v5, v5  }
0x17b: {  	v63 =	vld [tilespmem:s19+$0x108D0];
	[tilespmem:$0x1FF70] =	vst v24;
	v24 =	vadd.f32 v55, v57;
	v0 =	vadd.f32 v22, v0;
	v11 =	vmul.f32 v11, v11  }
0x17c: {  	v48 =	vld [tilespmem:s19+$0x108C0];
	v4 =	vadd.f32 v5, v4;
	v2 =	vadd.f32 v3, v2  }
0x17d: {  	v49 =	vld [tilespmem:s19+$0x88B0];
	v3 =	vadd.f32 v11, v0;
	v0 =	vadd.f32 v12, v6  }
0x17e: {  	v56 =	vld [tilespmem:s19+$0x8B0];
	v5 =	vmul.f32 v14, v14;
	v32 =	vsub.f32 v24, v32;
	v11 =	vadd.f32 v28, v26  }
0x17f: {  	v58 =	vld [tilespmem:s19+$0x108A0];
	v6 =	vsub.f32 v2, v20;
	v0 =	vsub.f32 v0, v25  }
0x180: {  	v59 =	vld [tilespmem:s19+$0x10870];
	v14 =	vadd.f32 v35, v34;
	v4 =	vadd.f32 v5, v4;
	v5 =	vmul.f32 v32, v32  }
0x181: {  	v62 =	vld [tilespmem:s19+$0x8C0];
	v11 =	vsub.f32 v11, v39;
	v12 =	vmul.f32 v6, v6;
	v0 =	vmul.f32 v0, v0  }
0x182: {  	v60 =	vld [tilespmem:s19+$0x88A0];
	v14 =	vsub.f32 v14, v44  }
0x183: {  	v42 =	vld [tilespmem:s19+$0x8880];
	v4 =	vadd.f32 v5, v4;
	v5 =	vmul.f32 v11, v11;
	v12 =	vadd.f32 v0, v12  }
0x184: {  	[tilespmem:$0x1FE30] =	vst v49;
	v49 =	vld [tilespmem:s19+$0x8870]  }
0x185: {  	v41 =	vld [tilespmem:s19+$0x880];
	v5 =	vadd.f32 v5, v12;
	v12 =	vmul.f32 v14, v14  }
0x186: {  	[tilespmem:$0x1FE40] =	vst v56;
	v56 =	vld [tilespmem:s19+$0x88D0]  }
0x187: {  	v5 =	vadd.f32 v12, v5;
	v12 =	vld [tilespmem:s19+$0x8770]  }
0x188: {  	[tilespmem:$0x1FE50] =	vst v58;
	v58 =	vld [tilespmem:s19+$0x8D0];
	v16 =	vperm.xlane v7, v43  }
0x189: {  	[tilespmem:$0x1FED0] =	vst v49;
	v49 =	vld [tilespmem:s19+$0x10830]  }
0x18a: {  	[tilespmem:$0x1FF00] =	vst v59;
	v59 =	vld [tilespmem:s19+$0x88C0];
	v7 =	vadd.f32 v7, v16;
	v16 =	vperm.xlane v3, v43  }
0x18b: {  	[tilespmem:$0x1FDF0] =	vst v63;
	v63 =	vld [tilespmem:s19+$0x8A0]  }
0x18c: {  	v3 =	vadd.f32 v3, v16;
	v16 =	vperm.xlane v7, v38;
	[tilespmem:$0x1FF80] =	vst v12;
	v12 =	vld [tilespmem:s19+$0x770]  }
0x18d: {  	[tilespmem:$0x1FDE0] =	vst v48;
	v48 =	vld [tilespmem:s19+$0x10890]  }
0x18e: {  	[tilespmem:$0x1FF40] =	vst v49;
	v49 =	vld [tilespmem:s19+$0x8860];
	v7 =	vadd.f32 v7, v16;
	v14 =	vperm.xlane v4, v43  }
0x18f: {  	[tilespmem:$0x1FE10] =	vst v60;
	v60 =	vld [tilespmem:s19+$0x870]  }
0x190: {  	v47 =	vld [tilespmem:s19+$0x8840];
	v4 =	vadd.f32 v4, v14;
	v14 =	vperm.xlane v7, v40  }
0x191: {  	[tilespmem:$0x1FF90] =	vst v12;
	v12 =	vld [tilespmem:s19+$0x10760]  }
0x192: {  	v9 =	vld [tilespmem:s19+$0x8820];
	v7 =	vadd.f32 v7, v14  }
0x193: {  	[tilespmem:$0x1FEB0] =	vst v49;
	v49 =	vld [tilespmem:s19+$0x860]  }
0x194: {  	[tilespmem:$0x1FD90] =	vst v7;
	v7 =	vld [tilespmem:$0x1FDA0]  }
0x195: {  	v8 =	vld [tilespmem:s19+$0x820]  }
0x196: {  	v16 =	vperm.xlane v3, v38;
	[tilespmem:$0x1FFA0] =	vst v12;
	v12 =	vld [tilespmem:$0x1FDC0]  }
0x197: {  	v10 =	vld [tilespmem:s19+$0x10800]  }
0x198: {  	[tilespmem:$0x1FEC0] =	vst v49;
	v49 =	vld [tilespmem:s19+$0x10850];
	v3 =	vadd.f32 v3, v16  }
0x199: {  	v17 =	vld [tilespmem:s19+$0x7F0];
	v7 =	vadd.f32 v7, v45  }
0x19a: {  	v61 =	vld [tilespmem:s19+$0x8800];
	v14 =	vperm.xlane v3, v40  }
0x19b: {  	v7 =	vsub.f32 v7, v12;
	v12 =	vld [tilespmem:$0x1FDD0]  }
0x19c: {  	v27 =	vld [tilespmem:s19+$0x10810];
	v3 =	vadd.f32 v3, v14  }
0x19d: {  	[tilespmem:$0x1FEA0] =	vst v49;
	v49 =	vld [tilespmem:s19+$0x10840]  }
0x19e: {  	v50 =	vld [tilespmem:s19+$0x8810];
	[tilespmem:$0x1FDB0] =	vst v3;
	v3 =	vadd.f32 v53, v54  }
0x19f: {  	v31 =	vld [tilespmem:s19+$0x7E0]  }
0x1a0: {  	v3 =	vsub.f32 v3, v12;
	v12 =	vld [tilespmem:$0x1FDE0]  }
0x1a1: {  	v36 =	vld [tilespmem:s19+$0x107D0]  }
0x1a2: {  	[tilespmem:$0x1FE90] =	vst v49;
	v49 =	vld [tilespmem:s19+$0x8830]  }
0x1a3: {  	[tilespmem:$0x1FE20] =	vst v63;
	v63 =	vld [tilespmem:s19+$0x10860];
	v14 =	vadd.f32 v59, v62  }
0x1a4: {  	v37 =	vld [tilespmem:s19+$0x107C0]  }
0x1a5: {  	v14 =	vsub.f32 v14, v12;
	v12 =	vld [tilespmem:$0x1FDF0]  }
0x1a6: {  	[tilespmem:$0x1FEE0] =	vst v60;
	v60 =	vld [tilespmem:s19+$0x8890]  }
0x1a7: {  	[tilespmem:$0x1FF10] =	vst v49;
	v49 =	vld [tilespmem:s19+$0x830]  }
0x1a8: {  	v21 =	vadd.f32 v56, v58;
	[tilespmem:$0x1FEF0] =	vst v63;
	v63 =	vld [tilespmem:s19+$0x890]  }
0x1a9: {  	v18 =	vld [tilespmem:s19+$0x7C0];
	[tilespmem:$0x1FE00] =	vst v48;
	v16 =	vperm.xlane v5, v43  }
0x1aa: {  	v21 =	vsub.f32 v21, v12;
	v12 =	vld [tilespmem:$0x1FE00]  }
0x1ab: {  	v46 =	vld [tilespmem:s19+$0x87A0];
	v5 =	vadd.f32 v5, v16  }
0x1ac: {  	[tilespmem:$0x1FF20] =	vst v49;
	v49 =	vld [tilespmem:s19+$0x10820]  }
0x1ad: {  	v51 =	vld [tilespmem:s19+$0x7A0];
	v28 =	vadd.f32 v60, v63;
	v26 =	vperm.xlane v5, v38  }
0x1ae: {  	v20 =	vld [tilespmem:$0x1FE20]  }
0x1af: {  	v5 =	vadd.f32 v5, v26;
	v26 =	vsub.f32 v28, v12;
	v12 =	vld [tilespmem:$0x1FE10]  }
0x1b0: {  	v52 =	vld [tilespmem:s19+$0x10790]  }
0x1b1: {  	[tilespmem:$0x1FF30] =	vst v49;
	v49 =	vld [tilespmem:s19+$0x107F0]  }
0x1b2: {  	v30 =	vld [tilespmem:s19+$0x8780]  }
0x1b3: {  	v29 =	vld [tilespmem:s19+$0x87E0]  }
0x1b4: {  	v28 =	vadd.f32 v12, v20;
	v12 =	vld [tilespmem:$0x1FE30]  }
0x1b5: {  	v20 =	vld [tilespmem:$0x1FE40]  }
0x1b6: {  	[tilespmem:$0x1FF50] =	vst v49;
	v49 =	vld [tilespmem:s19+$0x8850]  }
0x1b7: {  	v48 =	vld [tilespmem:s19+$0x10880]  }
0x1b8: {  	v55 =	vld [tilespmem:s19+$0x810]  }
0x1b9: {  	v57 =	vld [tilespmem:s19+$0x10780]  }
0x1ba: {  	v53 =	vadd.f32 v12, v20;
	v20 =	vld [tilespmem:$0x1FE50]  }
0x1bb: {  	v25 =	vadd.f32 v42, v41;
	[tilespmem:$0x1FE70] =	vst v49;
	v49 =	vld [tilespmem:s19+$0x850]  }
0x1bc: {  	v13 =	vld [tilespmem:s19+$0x87F0];
	v14 =	vmul.f32 v14, v14;
	v21 =	vmul.f32 v21, v21  }
0x1bd: {  	v1 =	vld [tilespmem:s19+$0x800];
	v25 =	vsub.f32 v25, v48  }
0x1be: {  	v35 =	vld [tilespmem:s19+$0x10750];
	v19 =	vperm.xlane v4, v38;
	v14 =	vadd.f32 v21, v14  }
0x1bf: {  	v21 =	vmul.f32 v25, v25;
	v25 =	vmul.f32 v26, v26;
	v26 =	vsub.f32 v28, v20;
	v20 =	vld [tilespmem:$0x1FE60]  }
0x1c0: {  	[tilespmem:$0x1FE80] =	vst v49;
	v49 =	vld [tilespmem:s19+$0x840]  }
0x1c1: {  	v34 =	vld [tilespmem:s19+$0x8730];
	v4 =	vadd.f32 v4, v19;
	v3 =	vmul.f32 v3, v3  }
0x1c2: {  	v24 =	vld [tilespmem:s19+$0x107A0];
	v56 =	vperm.xlane v5, v40  }
0x1c3: {  	v15 =	vld [tilespmem:s19+$0x107E0];
	v3 =	vadd.f32 v3, v14;
	v14 =	vperm.xlane v4, v40  }
0x1c4: {  	v22 =	vld [tilespmem:s19+$0x790];
	v28 =	vsub.f32 v53, v20;
	v53 =	vadd.f32 v5, v56  }
0x1c5: {  	v5 =	vadd.f32 v47, v49;
	v49 =	vadd.f32 v4, v14;
	v4 =	vld [tilespmem:$0x1FE70]  }
0x1c6: {  	v20 =	vld [tilespmem:$0x1FE90]  }
0x1c7: {  	v14 =	vld [tilespmem:$0x1FE80]  }
0x1c8: {  	v44 =	vld [tilespmem:s19+$0x740];
	v7 =	vmul.f32 v7, v7  }
0x1c9: {  	v32 =	vld [tilespmem:s19+$0x780]  }
0x1ca: {  	v3 =	vadd.f32 v7, v3;
	v7 =	vld [tilespmem:$0x1FEA0];
	v21 =	vadd.f32 v25, v21;
	v25 =	vmul.f32 v26, v26  }
0x1cb: {  	v5 =	vsub.f32 v5, v20;
	v20 =	vld [tilespmem:$0x1FEB0]  }
0x1cc: {  	v4 =	vadd.f32 v4, v14;
	v14 =	vadd.f32 v25, v21;
	v21 =	vld [tilespmem:$0x1FEC0]  }
0x1cd: {  	v23 =	vld [tilespmem:s19+$0x8760]  }
0x1ce: {  	v33 =	vld [tilespmem:s19+$0x10720]  }
0x1cf: {  	v50 =	vadd.f32 v50, v55;
	v55 =	vld [tilespmem:s19+$0x710]  }
0x1d0: {  	v4 =	vsub.f32 v4, v7;
	v7 =	vmul.f32 v28, v28;
	v28 =	vld [tilespmem:$0x1FEE0]  }
0x1d1: {  	v21 =	vadd.f32 v20, v21;
	v20 =	vld [tilespmem:$0x1FED0]  }
0x1d2: {  	v8 =	vadd.f32 v9, v8;
	v9 =	vsub.f32 v50, v27;
	v27 =	vld [tilespmem:s19+$0x6F0]  }
0x1d3: {  	v50 =	vld [tilespmem:s19+$0x8710]  }
0x1d4: {  	v2 =	vld [tilespmem:s19+$0x87B0]  }
0x1d5: {  	v41 =	vld [tilespmem:s19+$0x730]  }
0x1d6: {  	v28 =	vadd.f32 v20, v28;
	v20 =	vld [tilespmem:$0x1FEF0]  }
0x1d7: {  	v39 =	vld [tilespmem:s19+$0x106F0]  }
0x1d8: {  	v42 =	vld [tilespmem:s19+$0x8740];
	v14 =	vadd.f32 v7, v14;
	v7 =	vperm.xlane v3, v43  }
0x1d9: {  	v6 =	vld [tilespmem:s19+$0x10770];
	v5 =	vmul.f32 v5, v5;
	v4 =	vmul.f32 v4, v4  }
0x1da: {  	v11 =	vld [tilespmem:s19+$0x87C0];
	v60 =	vadd.f32 v3, v7  }
0x1db: {  	v3 =	vadd.f32 v4, v5;
	v4 =	vperm.xlane v14, v43;
	v58 =	vsub.f32 v21, v20;
	v20 =	vld [tilespmem:$0x1FF00]  }
0x1dc: {  	v0 =	vld [tilespmem:s19+$0x7D0]  }
0x1dd: {  	[tilespmem:$0x1FF60] =	vst v2;
	v2 =	vld [tilespmem:s19+$0x7B0];
	v5 =	vadd.f32 v61, v1;
	v4 =	vadd.f32 v14, v4;
	v14 =	vmul.f32 v58, v58  }
0x1de: {  	[tilespmem:$0x1FFB0] =	vst v6;
	v6 =	vld [tilespmem:s19+$0x87D0]  }
0x1df: {  	v5 =	vsub.f32 v5, v10;
	v10 =	vadd.f32 v14, v3;
	v3 =	vld [tilespmem:$0x1FF10]  }
0x1e0: {  	v59 =	vsub.f32 v28, v20;
	v20 =	vld [tilespmem:$0x1FF20]  }
0x1e1: {  	v19 =	vld [tilespmem:s19+$0x8790]  }
0x1e2: {  	v16 =	vld [tilespmem:s19+$0x760]  }
0x1e3: {  	v0 =	vadd.f32 v6, v0;
	v6 =	vld [tilespmem:s19+$0x8700]  }
0x1e4: {  	v54 =	vld [tilespmem:s19+$0x10730]  }
0x1e5: {  	v61 =	vadd.f32 v3, v20;
	v3 =	vld [tilespmem:$0x1FF30]  }
0x1e6: {  	v0 =	vsub.f32 v0, v36;
	v36 =	vld [tilespmem:s19+$0x86E0]  }
0x1e7: {  	v45 =	vld [tilespmem:s19+$0x86F0]  }
0x1e8: {  	v12 =	vld [tilespmem:s19+$0x10740];
	v14 =	vmul.f32 v59, v59  }
0x1e9: {  	v9 =	vmul.f32 v9, v9;
	v26 =	vld [tilespmem:s19+$0x750];
	v62 =	vmul.f32 v5, v5  }
0x1ea: {  	v56 =	vld [tilespmem:s19+$0x700];
	v10 =	vadd.f32 v14, v10;
	v14 =	vperm.xlane v4, v38;
	v8 =	vsub.f32 v8, v3  }
0x1eb: {  	v9 =	vadd.f32 v9, v62;
	v3 =	vld [tilespmem:$0x1FF40]  }
0x1ec: {  	v25 =	vld [tilespmem:s19+$0x8750];
	v4 =	vadd.f32 v4, v14;
	v14 =	vperm.xlane v10, v43;
	v8 =	vmul.f32 v8, v8  }
0x1ed: {  	v11 =	vadd.f32 v11, v18;
	v7 =	vld [tilespmem:s19+$0x10710]  }
0x1ee: {  	v1 =	vld [tilespmem:s19+$0x10700];
	v63 =	vperm.xlane v60, v38;
	v8 =	vadd.f32 v8, v9;
	v9 =	vadd.f32 v10, v14  }
0x1ef: {  	v13 =	vadd.f32 v13, v17;
	v5 =	vld [tilespmem:s19+$0x106B0];
	v10 =	vsub.f32 v11, v37  }
0x1f0: {  	v48 =	vadd.f32 v60, v63;
	v60 =	vld [tilespmem:s19+$0x86B0];
	v47 =	vsub.f32 v61, v3;
	v17 =	vperm.xlane v9, v38  }
0x1f1: {  	v0 =	vmul.f32 v0, v0;
	v3 =	vld [tilespmem:$0x1FF50];
	v10 =	vmul.f32 v10, v10  }
0x1f2: {  	v63 =	vld [tilespmem:s19+$0x86A0];
	v14 =	vadd.f32 v29, v31;
	v11 =	vmul.f32 v47, v47;
	v9 =	vadd.f32 v9, v17  }
0x1f3: {  	v62 =	vld [tilespmem:s19+$0x106A0];
	v0 =	vadd.f32 v0, v10;
	v10 =	vadd.f32 v30, v32  }
0x1f4: {  	v21 =	vld [tilespmem:s19+$0x8720];
	v8 =	vadd.f32 v11, v8;
	v11 =	vsub.f32 v14, v15  }
0x1f5: {  	v58 =	vld [tilespmem:s19+$0x106D0];
	v17 =	vadd.f32 v46, v51;
	v15 =	vadd.f32 v19, v22  }
0x1f6: {  	v28 =	vld [tilespmem:s19+$0x720];
	v13 =	vsub.f32 v13, v3;
	v14 =	vperm.xlane v8, v43;
	v11 =	vmul.f32 v11, v11  }
0x1f7: {  	v59 =	vld [tilespmem:s19+$0x106C0];
	v10 =	vsub.f32 v10, v57;
	v15 =	vsub.f32 v15, v52  }
0x1f8: {  	v20 =	vld [tilespmem:s19+$0x106E0];
	v8 =	vadd.f32 v8, v14;
	v0 =	vadd.f32 v11, v0;
	v11 =	vmul.f32 v13, v13  }
0x1f9: {  	v37 =	vld [tilespmem:s19+$0x680];
	v10 =	vmul.f32 v10, v10;
	v13 =	vmul.f32 v15, v15;
	v15 =	vsub.f32 v17, v24  }
0x1fa: {  	v31 =	vld [tilespmem:s19+$0x660];
	v0 =	vadd.f32 v11, v0;
	v11 =	vperm.xlane v8, v38  }
0x1fb: {  	v29 =	vld [tilespmem:s19+$0x8620];
	v19 =	vperm.xlane v9, v40;
	v10 =	vadd.f32 v13, v10;
	v13 =	vmul.f32 v15, v15  }
0x1fc: {  	v61 =	vld [tilespmem:s19+$0x6B0];
	v15 =	vperm.xlane v4, v40;
	v11 =	vadd.f32 v8, v11  }
0x1fd: {  	v3 =	vld [tilespmem:$0x1FF60];
	v13 =	vadd.f32 v13, v10;
	v10 =	vadd.f32 v9, v19  }
0x1fe: {  	v47 =	vld [tilespmem:s19+$0x6E0];
	v9 =	vadd.f32 v4, v15;
	v15 =	vadd.f32 v42, v44  }
0x1ff: {  	v46 =	vld [tilespmem:s19+$0x86D0];
	v22 =	vperm.xlane v11, v40  }
0x200: {  	v15 =	vsub.f32 v15, v12;
	v12 =	vld [tilespmem:$0x1FF80]  }
0x201: {  	v11 =	vadd.f32 v11, v22;
	v22 =	vadd.f32 v23, v16;
	v16 =	vld [tilespmem:$0x1FF90]  }
0x202: {  	v2 =	vadd.f32 v3, v2;
	v3 =	vld [tilespmem:$0x1FF70]  }
0x203: {  	v51 =	vld [tilespmem:s19+$0x6D0]  }
0x204: {  	v32 =	vld [tilespmem:s19+$0x8680]  }
0x205: {  	v30 =	vld [tilespmem:s19+$0x8660]  }
0x206: {  	v18 =	vperm.xlane v0, v43;
	v19 =	vadd.f32 v25, v26;
	v26 =	vadd.f32 v12, v16;
	v16 =	vld [tilespmem:$0x1FFA0]  }
0x207: {  	v57 =	vld [tilespmem:s19+$0x6C0];
	v2 =	vsub.f32 v2, v3  }
0x208: {  	v52 =	vld [tilespmem:s19+$0x86C0];
	v17 =	vperm.xlane v48, v40;
	v0 =	vadd.f32 v0, v18  }
0x209: {  	v14 =	vld [tilespmem:s19+$0x10670];
	v24 =	vsub.f32 v19, v35;
	v2 =	vmul.f32 v2, v2  }
0x20a: {  	v8 =	vadd.f32 v48, v17;
	v17 =	vld [tilespmem:s19+$0x10690];
	v4 =	vperm.xlane v0, v38;
	v15 =	vmul.f32 v15, v15  }
0x20b: {  	v48 =	vld [tilespmem:s19+$0x8670];
	v13 =	vadd.f32 v2, v13;
	v16 =	vsub.f32 v22, v16;
	v22 =	vmul.f32 v24, v24  }
0x20c: {  	v3 =	vld [tilespmem:s19+$0x6A0]  }
0x20d: {  	v0 =	vadd.f32 v0, v4;
	v23 =	vperm.xlane v13, v43;
	v15 =	vadd.f32 v22, v15;
	v22 =	vld [tilespmem:$0x1FFB0]  }
0x20e: {  	v25 =	vld [tilespmem:s19+$0x670]  }
0x20f: {  	v27 =	vadd.f32 v45, v27;
	v18 =	vld [tilespmem:s19+$0x10680];
	v12 =	vperm.xlane v0, v40;
	v13 =	vadd.f32 v13, v23  }
0x210: {  	v6 =	vadd.f32 v6, v56;
	v36 =	vadd.f32 v36, v47;
	v19 =	vld [tilespmem:s19+$0x8690]  }
0x211: {  	v35 =	vld [tilespmem:s19+$0x640];
	v63 =	vadd.f32 v63, v3;
	v12 =	vadd.f32 v0, v12;
	v0 =	vperm.xlane v13, v38  }
0x212: {  	v4 =	vld [tilespmem:s19+$0x630];
	v24 =	vadd.f32 v34, v41;
	v22 =	vsub.f32 v26, v22;
	v26 =	vmul.f32 v16, v16  }
0x213: {  	v2 =	vld [tilespmem:s19+$0x8630];
	v13 =	vadd.f32 v13, v0;
	v0 =	vadd.f32 v21, v28  }
0x214: {  	v23 =	vld [tilespmem:s19+$0x690];
	v15 =	vadd.f32 v26, v15;
	v26 =	vadd.f32 v50, v55  }
0x215: {  	v38 =	vld [tilespmem:s19+$0x8610];
	v28 =	vsub.f32 v0, v33;
	v0 =	vsub.f32 v6, v1  }
0x216: {  	v34 =	vld [tilespmem:s19+$0x8640];
	v1 =	vsub.f32 v27, v39;
	v6 =	vsub.f32 v26, v7  }
0x217: {  	v21 =	vld [tilespmem:s19+$0x10650];
	v26 =	vadd.f32 v52, v57;
	v57 =	vadd.f32 v46, v51  }
0x218: {  	v33 =	vld [tilespmem:s19+$0x620];
	v0 =	vmul.f32 v0, v0;
	v16 =	vsub.f32 v24, v54;
	v6 =	vmul.f32 v6, v6  }
0x219: {  	v24 =	vld [tilespmem:s19+$0x10640];
	v27 =	vsub.f32 v26, v59;
	v59 =	vsub.f32 v57, v58  }
0x21a: {  	v7 =	vld [tilespmem:s19+$0x8650];
	v0 =	vadd.f32 v6, v0;
	v6 =	vadd.f32 v60, v61  }
0x21b: {  	v39 =	vadd.f32 v48, v25;
	v26 =	vld [tilespmem:s19+$0x650];
	v60 =	vmul.f32 v27, v27;
	v61 =	vmul.f32 v59, v59  }
0x21c: {  	v27 =	vsub.f32 v36, v20;
	v36 =	vld [tilespmem:s19+$0x610];
	v3 =	vsub.f32 v6, v5  }
0x21d: {  	s21 =	simm.s32 $0x2000;
	s20 =	simm.s32 $0x18600;
	v20 =	vld [tilespmem:s19+$0x8600];
	v5 =	vadd.f32 v61, v60;
	v6 =	vsub.f32 v63, v62  }
.LBB2_2:
0x21e: {  	v28 =	vmul.f32 v28, v28;
	_ =	sdelay $0x1  }
0x21f: {  	v25 =	vld [tilespmem:s19+$0x600];
	v0 =	vadd.f32 v28, v0;
	v32 =	vadd.f32 v32, v37  }
0x220: {  	v52 =	vld [tilespmem:s19+$0x10630];
	v19 =	vadd.f32 v19, v23;
	v2 =	vadd.f32 v2, v4  }
0x221: {  	v23 =	vld [tilespmem:s19+$0x10610];
	v4 =	vsub.f32 v39, v14;
	v51 =	vadd.f32 v34, v35  }
0x222: {  	v14 =	vld [tilespmem:s19+$0x10600];
	v7 =	vadd.f32 v7, v26;
	v17 =	vsub.f32 v19, v17  }
0x223: {  	v19 =	vadd.f32 v29, v33;
	v29 =	vadd.f32 v30, v31;
	v30 =	vld [tilespmem:s19+$0x10660]  }
0x224: {  	v20 =	vadd.f32 v20, v25;
	v25 =	vadd.f32 v38, v36;
	v31 =	vld [tilespmem:s19+$0x10620]  }
0x225: {  	v18 =	vsub.f32 v32, v18;
	v24 =	vsub.f32 v51, v24  }
0x226: {  	v1 =	vmul.f32 v1, v1;
	v7 =	vsub.f32 v7, v21;
	v2 =	vsub.f32 v2, v52  }
0x227: {  	v6 =	vmul.f32 v6, v6;
	v14 =	vsub.f32 v20, v14;
	v20 =	vsub.f32 v25, v23  }
0x228: {  	v7 =	vmul.f32 v7, v7;
	v23 =	vmul.f32 v24, v24;
	v24 =	vsub.f32 v29, v30  }
0x229: {  	v14 =	vmul.f32 v14, v14;
	v20 =	vmul.f32 v20, v20;
	v19 =	vsub.f32 v19, v31  }
0x22a: {  	v17 =	vmul.f32 v17, v17;
	v18 =	vmul.f32 v18, v18;
	v7 =	vadd.f32 v7, v23  }
0x22b: {  	v35 =	vld [tilespmem:$0x1FFE0];
	v24 =	vmul.f32 v24, v24;
	v14 =	vadd.f32 v20, v14;
	v19 =	vmul.f32 v19, v19  }
0x22c: {  	v21 =	vmul.f32 v27, v27;
	v4 =	vmul.f32 v4, v4;
	v17 =	vadd.f32 v17, v18;
	v23 =	vld [tilespmem:$0x1FFC0]  }
0x22d: {  	v2 =	vmul.f32 v2, v2;
	v14 =	vadd.f32 v19, v14;
	v7 =	vadd.f32 v24, v7  }
0x22e: {  	v3 =	vmul.f32 v3, v3;
	v5 =	vadd.f32 v21, v5;
	v6 =	vadd.f32 v6, v17  }
0x22f: {  	v22 =	vmul.f32 v22, v22;
	v2 =	vadd.f32 v2, v14;
	v4 =	vadd.f32 v4, v7  }
0x230: {  	v26 =	vperm.xlane v13, v35;
	v29 =	vld [tilespmem:$0x1FFD0];
	v3 =	vadd.f32 v3, v6;
	v6 =	vmul.f32 v16, v16  }
0x231: {  	v1 =	vadd.f32 v1, v5;
	v7 =	vperm.xlane v2, v23;
	v14 =	vperm.xlane v4, v23  }
0x232: {  	v5 =	vperm.xlane v3, v23;
	v0 =	vadd.f32 v6, v0;
	v6 =	vadd.f32 v22, v15  }
0x233: {  	v2 =	vadd.f32 v2, v7;
	v4 =	vadd.f32 v4, v14;
	v7 =	vperm.xlane v1, v23  }
0x234: {  	v3 =	vadd.f32 v3, v5;
	v5 =	vperm.xlane v0, v23;
	v14 =	vperm.xlane v6, v23  }
0x235: {  	v15 =	vperm.xlane v2, v29;
	v16 =	vperm.xlane v4, v29;
	v1 =	vadd.f32 v1, v7  }
0x236: {  	v0 =	vadd.f32 v0, v5;
	v7 =	vperm.xlane v3, v29;
	v5 =	vadd.f32 v6, v14  }
0x237: {  	v2 =	vadd.f32 v2, v15;
	v4 =	vadd.f32 v4, v16;
	v6 =	vperm.xlane v1, v29  }
0x238: {  	v17 =	vld [tilespmem:$0x1FFF0];
	v3 =	vadd.f32 v3, v7;
	v7 =	vperm.xlane v0, v29;
	v14 =	vperm.xlane v5, v29  }
0x239: {  	v15 =	vperm.xlane v2, v35;
	v16 =	vperm.xlane v4, v35;
	v1 =	vadd.f32 v1, v6  }
0x23a: {  	v6 =	vperm.xlane v3, v35;
	v0 =	vadd.f32 v0, v7;
	v5 =	vadd.f32 v5, v14  }
0x23b: {  	v2 =	vadd.f32 v2, v15;
	v4 =	vadd.f32 v4, v16;
	v7 =	vperm.xlane v1, v35  }
0x23c: {  	v3 =	vadd.f32 v3, v6;
	v6 =	vperm.xlane v0, v35;
	v14 =	vperm.xlane v5, v35  }
0x23d: {  	v15 =	vperm.xlane v2, v17;
	v16 =	vperm.xlane v4, v17;
	v1 =	vadd.f32 v1, v7  }
0x23e: {  	v7 =	vperm.xlane v3, v17;
	v0 =	vadd.f32 v0, v6;
	v5 =	vadd.f32 v5, v14  }
0x23f: {  	v2 =	vadd.f32 v2, v15;
	v4 =	vadd.f32 v4, v16;
	v6 =	vperm.xlane v1, v17  }
0x240: {  	v13 =	vadd.f32 v13, v26;
	v3 =	vadd.f32 v3, v7;
	v7 =	vperm.xlane v0, v17  }
0x241: {  	v2 =	vsel vm0, v2, v4;
	v1 =	vadd.f32 v1, v6;
	v4 =	vperm.xlane v5, v17  }
0x242: {  	v0 =	vadd.f32 v0, v7;
	v2 =	vsel vm1, v2, v3;
	v3 =	vperm.xlane v13, v17  }
0x243: {  	v1 =	vsel vm2, v2, v1;
	v2 =	vadd.f32 v5, v4;
	v4 =	vperm.xlane v12, v17  }
0x244: {  	v0 =	vsel vm3, v1, v0;
	v1 =	vadd.f32 v13, v3;
	v3 =	vperm.xlane v11, v17  }
0x245: {  	v6 =	vld [tilespmem:$0x1FDB0];
	v0 =	vsel vm4, v0, v2;
	v2 =	vadd.f32 v12, v4;
	v4 =	vperm.xlane v10, v17  }
0x246: {  	v5 =	vld [tilespmem:$0x1FD90];
	v0 =	vsel vm5, v0, v1;
	v1 =	vadd.f32 v11, v3;
	v3 =	vperm.xlane v9, v17  }
0x247: {  	v0 =	vsel vm6, v0, v2;
	v2 =	vadd.f32 v10, v4;
	v4 =	vperm.xlane v8, v17  }
0x248: {  	v0 =	vsel vm7, v0, v1;
	v1 =	vadd.f32 v9, v3;
	v3 =	vperm.xlane v53, v17  }
0x249: {  	v0 =	vsel vm8, v0, v2;
	v2 =	vadd.f32 v8, v4;
	v4 =	vperm.xlane v49, v17  }
0x24a: {  	v0 =	vsel vm9, v0, v1;
	v1 =	vadd.f32 v53, v3;
	v3 =	vperm.xlane v6, v17  }
0x24b: {  	v0 =	vsel vm10, v0, v2;
	v2 =	vadd.f32 v49, v4;
	v4 =	vperm.xlane v5, v17  }
0x24c: {  	v0 =	vsel vm11, v0, v1;
	v1 =	vadd.f32 v6, v3  }
0x24d: {  	v0 =	vsel vm12, v0, v2;
	v2 =	vadd.f32 v5, v4  }
0x24e: {  	v0 =	vsel vm13, v0, v1  }
0x24f: {  	v0 =	vsel vm14, v0, v2  }
0x250: {  	v1 =	vshrl.u32 v0, $0x1;
	v2 =	vmul.f32 $5.000000000e-01, v0  }
0x251: {  	v1 =	vsub.s32 $0x5F3759DF, v1  }
0x252: {  	v3 =	vmul.f32 v1, v2;
	_ =	sdelay $0x1  }
0x253: {  	v3 =	vmul.f32 v1, v3;
	_ =	sdelay $0x1  }
0x254: {  	v3 =	vsub.f32 $1.500000000e+00, v3;
	_ =	sdelay $0x1  }
0x255: {  	v1 =	vmul.f32 v1, v3;
	_ =	sdelay $0x1  }
0x256: {  	v3 =	vmul.f32 v1, v2;
	_ =	sdelay $0x1  }
0x257: {  	v3 =	vmul.f32 v3, v1;
	_ =	sdelay $0x1  }
0x258: {  	v3 =	vsub.f32 $1.500000000e+00, v3;
	_ =	sdelay $0x1  }
0x259: {  	v1 =	vmul.f32 v3, v1;
	_ =	sdelay $0x1  }
0x25a: {  	v2 =	vmul.f32 v1, v2;
	_ =	sdelay $0x1  }
0x25b: {  	v2 =	vmul.f32 v2, v1;
	_ =	sdelay $0x1  }
0x25c: {  	v2 =	vsub.f32 $1.500000000e+00, v2;
	_ =	sdelay $0x1  }
0x25d: {  	v1 =	vmul.f32 v2, v1;
	_ =	sdelay $0x1  }
0x25e: {  	v0 =	vmul.f32 v1, v0  }
0x25f: {  	s20 =	sadd.s32 $0x10, s20  }
0x260: {  	s19 =	sshra.s32 s21, $0x2;
	[tilespmem:s20+$0x0] =	vst v0  }
0x261: {  	v38 =	vld [tilespmem:s19+$0x109F0]  }
0x262: {  	v21 =	vld [tilespmem:s19+$0x89F0]  }
0x263: {  	v59 =	vld [tilespmem:s19+$0x9F0]  }
0x264: {  	v24 =	vld [tilespmem:s19+$0x109E0]  }
0x265: {  	v0 =	vld [tilespmem:s19+$0x109B0]  }
0x266: {  	v41 =	vld [tilespmem:s19+$0x89E0]  }
0x267: {  	v54 =	vld [tilespmem:s19+$0x9E0]  }
0x268: {  	v39 =	vld [tilespmem:s19+$0x109D0]  }
0x269: {  	v57 =	vld [tilespmem:s19+$0x109C0]  }
0x26a: {  	v31 =	vld [tilespmem:s19+$0x89B0]  }
0x26b: {  	v28 =	vld [tilespmem:s19+$0x9B0]  }
0x26c: {  	v33 =	vld [tilespmem:s19+$0x109A0]  }
0x26d: {  	v50 =	vld [tilespmem:s19+$0x10970]  }
0x26e: {  	v52 =	vld [tilespmem:s19+$0x89D0]  }
0x26f: {  	v4 =	vld [tilespmem:s19+$0x9D0]  }
0x270: {  	v1 =	vld [tilespmem:s19+$0x89C0]  }
0x271: {  	v16 =	vld [tilespmem:s19+$0x89A0]  }
0x272: {  	v15 =	vld [tilespmem:s19+$0x9A0]  }
0x273: {  	v63 =	vld [tilespmem:s19+$0x10990]  }
0x274: {  	v14 =	vld [tilespmem:s19+$0x10980]  }
0x275: {  	v22 =	vld [tilespmem:s19+$0x8970]  }
0x276: {  	v20 =	vld [tilespmem:s19+$0x970]  }
0x277: {  	v36 =	vld [tilespmem:s19+$0x10960]  }
0x278: {  	v2 =	vld [tilespmem:s19+$0x10930]  }
0x279: {  	v8 =	vld [tilespmem:s19+$0x8990]  }
0x27a: {  	v6 =	vld [tilespmem:s19+$0x990]  }
0x27b: {  	v3 =	vld [tilespmem:s19+$0x8980]  }
0x27c: {  	v19 =	vld [tilespmem:s19+$0x8960]  }
0x27d: {  	v43 =	vld [tilespmem:s19+$0x960]  }
0x27e: {  	v25 =	vld [tilespmem:s19+$0x10950]  }
0x27f: {  	v44 =	vld [tilespmem:s19+$0x10940]  }
0x280: {  	v37 =	vld [tilespmem:s19+$0x8930]  }
0x281: {  	v34 =	vld [tilespmem:s19+$0x930]  }
0x282: {  	v40 =	vld [tilespmem:s19+$0x10920]  }
0x283: {  	v5 =	vld [tilespmem:s19+$0x108F0]  }
0x284: {  	v45 =	vld [tilespmem:s19+$0x8950]  }
0x285: {  	v13 =	vld [tilespmem:s19+$0x950]  }
0x286: {  	v12 =	vld [tilespmem:s19+$0x8940]  }
0x287: {  	v11 =	vld [tilespmem:s19+$0x940]  }
0x288: {  	v62 =	vld [tilespmem:s19+$0x8920]  }
0x289: {  	v17 =	vld [tilespmem:s19+$0x920]  }
0x28a: {  	v61 =	vld [tilespmem:s19+$0x10910]  }
0x28b: {  	v18 =	vld [tilespmem:s19+$0x10900]  }
0x28c: {  	v10 =	vld [tilespmem:s19+$0x8910]  }
0x28d: {  	v9 =	vld [tilespmem:s19+$0x910]  }
0x28e: {  	v7 =	vld [tilespmem:s19+$0x8900]  }
0x28f: {  	v46 =	vld [tilespmem:s19+$0x88E0]  }
0x290: {  	v48 =	vld [tilespmem:s19+$0x8E0]  }
0x291: {  	v26 =	vld [tilespmem:s19+$0x108D0]  }
0x292: {  	v55 =	vld [tilespmem:s19+$0x88D0]  }
0x293: {  	v56 =	vld [tilespmem:s19+$0x8D0]  }
0x294: {  	v58 =	vld [tilespmem:s19+$0x88C0]  }
0x295: {  	[tilespmem:$0x1F9B0] =	vst v0;
	v0 =	vld [tilespmem:s19+$0x9C0]  }
0x296: {  	v60 =	vld [tilespmem:s19+$0x8C0]  }
0x297: {  	v49 =	vld [tilespmem:s19+$0x88A0]  }
0x298: {  	v53 =	vld [tilespmem:s19+$0x8A0]  }
0x299: {  	v47 =	vld [tilespmem:s19+$0x10890]  }
0x29a: {  	v51 =	vld [tilespmem:s19+$0x10880];
	v0 =	vadd.f32 v1, v0;
	v1 =	vadd.f32 v52, v4  }
0x29b: {  	v32 =	vld [tilespmem:s19+$0x8890];
	v4 =	vadd.f32 v41, v54  }
0x29c: {  	v30 =	vld [tilespmem:s19+$0x890];
	v0 =	vsub.f32 v0, v57;
	v1 =	vsub.f32 v1, v39  }
0x29d: {  	[tilespmem:$0x1F9F0] =	vst v5;
	v5 =	vld [tilespmem:s19+$0x88F0];
	v21 =	vadd.f32 v21, v59  }
0x29e: {  	v27 =	vld [tilespmem:s19+$0x8880];
	v4 =	vsub.f32 v4, v24;
	v0 =	vmul.f32 v0, v0;
	v1 =	vmul.f32 v1, v1  }
0x29f: {  	v42 =	vld [tilespmem:s19+$0x8860]  }
0x2a0: {  	[tilespmem:$0x1F9C0] =	vst v2;
	v2 =	vld [tilespmem:s19+$0x980];
	v0 =	vadd.f32 v1, v0;
	v1 =	vmul.f32 v4, v4;
	v4 =	vsub.f32 v21, v38  }
0x2a1: {  	[tilespmem:$0x1FA20] =	vst v26;
	v26 =	vld [tilespmem:s19+$0x108C0]  }
0x2a2: {  	[tilespmem:$0x1F9D0] =	vst v5;
	v5 =	vld [tilespmem:s19+$0x8F0];
	v0 =	vadd.f32 v1, v0;
	v1 =	vmul.f32 v4, v4  }
0x2a3: {  	v4 =	vld [tilespmem:s19+$0x87F0]  }
0x2a4: {  	v0 =	vadd.f32 v1, v0;
	v1 =	vld [tilespmem:s19+$0x107E0]  }
0x2a5: {  	[tilespmem:$0x1FA70] =	vst v42;
	v42 =	vld [tilespmem:s19+$0x860];
	v2 =	vadd.f32 v3, v2;
	v3 =	vadd.f32 v8, v6  }
0x2a6: {  	v59 =	vld [tilespmem:s19+$0x840];
	[tilespmem:$0x1FA10] =	vst v26;
	v6 =	vadd.f32 v16, v15  }
0x2a7: {  	v2 =	vsub.f32 v2, v14;
	v3 =	vsub.f32 v3, v63;
	[tilespmem:$0x1F9E0] =	vst v5;
	v5 =	vld [tilespmem:s19+$0x108E0]  }
0x2a8: {  	v26 =	vld [tilespmem:s19+$0x88B0];
	[tilespmem:$0x1FB40] =	vst v4  }
0x2a9: {  	v4 =	vld [tilespmem:s19+$0x7F0];
	[tilespmem:$0x1FB60] =	vst v1;
	v1 =	vmul.f32 v2, v2;
	v2 =	vmul.f32 v3, v3;
	v3 =	vsub.f32 v6, v33  }
0x2aa: {  	[tilespmem:$0x1FA80] =	vst v42;
	v42 =	vld [tilespmem:s19+$0x10850]  }
0x2ab: {  	v1 =	vadd.f32 v2, v1;
	v2 =	vmul.f32 v3, v3;
	v3 =	vld [tilespmem:$0x1F9B0]  }
0x2ac: {  	[tilespmem:$0x1FA00] =	vst v5;
	v5 =	vld [tilespmem:s19+$0x108B0]  }
0x2ad: {  	v52 =	vld [tilespmem:s19+$0x8850]  }
0x2ae: {  	v54 =	vld [tilespmem:s19+$0x850];
	[tilespmem:$0x1FB50] =	vst v4;
	v4 =	vadd.f32 v31, v28  }
0x2af: {  	v41 =	vld [tilespmem:s19+$0x10800]  }
0x2b0: {  	v15 =	vld [tilespmem:s19+$0x8800];
	v8 =	vperm.xlane v0, v23;
	v3 =	vsub.f32 v4, v3  }
0x2b1: {  	[tilespmem:$0x1FA60] =	vst v5;
	v5 =	vld [tilespmem:s19+$0x900]  }
0x2b2: {  	v57 =	vld [tilespmem:s19+$0x8840];
	v14 =	vadd.f32 v0, v8;
	v1 =	vadd.f32 v2, v1;
	v2 =	vmul.f32 v3, v3  }
0x2b3: {  	v24 =	vld [tilespmem:s19+$0x8820];
	v4 =	vadd.f32 v45, v13;
	v3 =	vadd.f32 v12, v11  }
0x2b4: {  	v39 =	vld [tilespmem:s19+$0x820];
	v0 =	vadd.f32 v19, v43;
	v1 =	vadd.f32 v2, v1  }
0x2b5: {  	v63 =	vld [tilespmem:s19+$0x8810];
	v2 =	vsub.f32 v3, v44;
	v3 =	vsub.f32 v4, v25  }
0x2b6: {  	v6 =	vld [tilespmem:s19+$0x107B0];
	v4 =	vadd.f32 v7, v5  }
0x2b7: {  	[tilespmem:$0x1FA30] =	vst v26;
	v26 =	vld [tilespmem:s19+$0x8B0];
	v0 =	vsub.f32 v0, v36;
	v2 =	vmul.f32 v2, v2;
	v3 =	vmul.f32 v3, v3  }
0x2b8: {  	[tilespmem:$0x1FAA0] =	vst v42;
	v42 =	vld [tilespmem:s19+$0x10840];
	v5 =	vadd.f32 v10, v9;
	v9 =	vsub.f32 v4, v18  }
0x2b9: {  	v38 =	vld [tilespmem:s19+$0x10810];
	v0 =	vmul.f32 v0, v0;
	v2 =	vadd.f32 v3, v2  }
0x2ba: {  	v3 =	vmul.f32 v9, v9;
	v9 =	vld [tilespmem:s19+$0x10770]  }
0x2bb: {  	[tilespmem:$0x1FB80] =	vst v6;
	v6 =	vadd.f32 v22, v20;
	v0 =	vadd.f32 v0, v2;
	v2 =	vld [tilespmem:$0x1F9C0]  }
0x2bc: {  	v21 =	vld [tilespmem:s19+$0x770];
	[tilespmem:$0x1FAF0] =	vst v24;
	v7 =	vadd.f32 v62, v17;
	v5 =	vsub.f32 v5, v61  }
0x2bd: {  	v24 =	vadd.f32 v32, v30;
	[tilespmem:$0x1FA40] =	vst v26;
	v26 =	vld [tilespmem:s19+$0x108A0];
	v6 =	vsub.f32 v6, v50  }
0x2be: {  	v32 =	vld [tilespmem:s19+$0x8760];
	v11 =	vadd.f32 v37, v34;
	v7 =	vsub.f32 v7, v40;
	v5 =	vmul.f32 v5, v5  }
0x2bf: {  	v24 =	vsub.f32 v24, v47;
	v47 =	vld [tilespmem:s19+$0x10740];
	v12 =	vperm.xlane v1, v23;
	[tilespmem:$0x1FBB0] =	vst v9;
	v9 =	vmul.f32 v6, v6  }
0x2c0: {  	[tilespmem:$0x1FA90] =	vst v42;
	v42 =	vld [tilespmem:s19+$0x8830];
	v3 =	vadd.f32 v5, v3;
	v5 =	vmul.f32 v7, v7;
	v7 =	vsub.f32 v11, v2  }
0x2c1: {  	v30 =	vld [tilespmem:$0x1FA40];
	v9 =	vadd.f32 v9, v0;
	v11 =	vadd.f32 v1, v12;
	v12 =	vperm.xlane v14, v29  }
0x2c2: {  	[tilespmem:$0x1FA50] =	vst v26;
	v26 =	vld [tilespmem:s19+$0x10870];
	v3 =	vadd.f32 v5, v3  }
0x2c3: {  	v43 =	vld [tilespmem:s19+$0x87E0];
	v5 =	vmul.f32 v7, v7;
	v7 =	vperm.xlane v9, v23;
	v12 =	vadd.f32 v14, v12  }
0x2c4: {  	v8 =	vld [tilespmem:s19+$0x107A0]  }
0x2c5: {  	v19 =	vld [tilespmem:s19+$0x10780];
	v3 =	vadd.f32 v5, v3;
	v5 =	vadd.f32 v9, v7;
	v9 =	vperm.xlane v12, v35  }
0x2c6: {  	[tilespmem:$0x1FB00] =	vst v42;
	v42 =	vld [tilespmem:s19+$0x830]  }
0x2c7: {  	[tilespmem:$0x1FAE0] =	vst v26;
	v26 =	vld [tilespmem:s19+$0x8870];
	v9 =	vadd.f32 v12, v9  }
0x2c8: {  	v33 =	vld [tilespmem:s19+$0x8720]  }
0x2c9: {  	[tilespmem:$0x1FD90] =	vst v9;
	v9 =	vld [tilespmem:s19+$0x8770]  }
0x2ca: {  	v36 =	vld [tilespmem:s19+$0x106E0]  }
0x2cb: {  	v28 =	vld [tilespmem:s19+$0x800]  }
0x2cc: {  	[tilespmem:$0x1FAB0] =	vst v26;
	v26 =	vld [tilespmem:s19+$0x870];
	v16 =	vperm.xlane v11, v29  }
0x2cd: {  	v12 =	vld [tilespmem:$0x1F9E0]  }
0x2ce: {  	v7 =	vadd.f32 v11, v16;
	v11 =	vperm.xlane v3, v23;
	[tilespmem:$0x1FB90] =	vst v9;
	v9 =	vld [tilespmem:$0x1F9D0]  }
0x2cf: {  	v31 =	vld [tilespmem:s19+$0x8730]  }
0x2d0: {  	v3 =	vadd.f32 v3, v11;
	v11 =	vld [tilespmem:$0x1F9F0]  }
0x2d1: {  	[tilespmem:$0x1FAC0] =	vst v26;
	v26 =	vld [tilespmem:s19+$0x10860]  }
0x2d2: {  	[tilespmem:$0x1FB10] =	vst v42;
	v42 =	vld [tilespmem:s19+$0x10820]  }
0x2d3: {  	v20 =	vld [tilespmem:s19+$0x810];
	v9 =	vadd.f32 v9, v12  }
0x2d4: {  	v45 =	vld [tilespmem:s19+$0x7E0]  }
0x2d5: {  	v50 =	vld [tilespmem:s19+$0x107C0];
	v12 =	vsub.f32 v9, v11;
	v9 =	vperm.xlane v3, v29  }
0x2d6: {  	[tilespmem:$0x1FAD0] =	vst v26;
	v26 =	vld [tilespmem:s19+$0x10830]  }
0x2d7: {  	v3 =	vadd.f32 v3, v9;
	v9 =	vld [tilespmem:$0x1FA10]  }
0x2d8: {  	v13 =	vld [tilespmem:s19+$0x7A0];
	v16 =	vperm.xlane v7, v35  }
0x2d9: {  	v37 =	vld [tilespmem:s19+$0x750]  }
0x2da: {  	v34 =	vld [tilespmem:s19+$0x10700];
	v7 =	vadd.f32 v7, v16;
	v16 =	vadd.f32 v58, v60  }
0x2db: {  	[tilespmem:$0x1FB30] =	vst v26;
	v26 =	vld [tilespmem:s19+$0x880]  }
0x2dc: {  	v15 =	vadd.f32 v15, v28;
	v16 =	vsub.f32 v16, v9;
	v9 =	vld [tilespmem:$0x1FA20]  }
0x2dd: {  	[tilespmem:$0x1FB20] =	vst v42;
	v42 =	vld [tilespmem:s19+$0x107F0]  }
0x2de: {  	v15 =	vsub.f32 v15, v41;
	v41 =	vld [tilespmem:s19+$0x106C0]  }
0x2df: {  	v44 =	vld [tilespmem:s19+$0x107D0];
	v17 =	vadd.f32 v55, v56  }
0x2e0: {  	v10 =	vld [tilespmem:s19+$0x87B0]  }
0x2e1: {  	v62 =	vld [tilespmem:s19+$0x10790];
	v22 =	vadd.f32 v27, v26;
	v18 =	vsub.f32 v17, v9  }
0x2e2: {  	v20 =	vadd.f32 v63, v20;
	v4 =	vld [tilespmem:s19+$0x7B0]  }
0x2e3: {  	v61 =	vld [tilespmem:s19+$0x87A0];
	v22 =	vsub.f32 v22, v51;
	v16 =	vmul.f32 v16, v16;
	v18 =	vmul.f32 v18, v18  }
0x2e4: {  	v20 =	vsub.f32 v20, v38;
	v40 =	vld [tilespmem:s19+$0x10750]  }
0x2e5: {  	v16 =	vadd.f32 v18, v16;
	v18 =	vmul.f32 v22, v22;
	v22 =	vmul.f32 v24, v24;
	v24 =	vld [tilespmem:$0x1FA50]  }
0x2e6: {  	v38 =	vmul.f32 v20, v20;
	v20 =	vld [tilespmem:$0x1FB20]  }
0x2e7: {  	v6 =	vld [tilespmem:s19+$0x87D0]  }
0x2e8: {  	v25 =	vadd.f32 v49, v53;
	v27 =	vld [tilespmem:$0x1FA30]  }
0x2e9: {  	v1 =	vld [tilespmem:s19+$0x87C0]  }
0x2ea: {  	v14 =	vperm.xlane v5, v29;
	v24 =	vsub.f32 v25, v24;
	v25 =	vld [tilespmem:$0x1FA60]  }
0x2eb: {  	v15 =	vmul.f32 v15, v15;
	[tilespmem:$0x1FDB0] =	vst v7;
	v7 =	vld [tilespmem:s19+$0x10760]  }
0x2ec: {  	v0 =	vld [tilespmem:s19+$0x7C0];
	v5 =	vadd.f32 v5, v14  }
0x2ed: {  	v15 =	vadd.f32 v38, v15;
	v14 =	vld [tilespmem:$0x1FA00];
	v27 =	vadd.f32 v27, v30  }
0x2ee: {  	v13 =	vadd.f32 v61, v13;
	v2 =	vld [tilespmem:s19+$0x7D0];
	v26 =	vperm.xlane v5, v35;
	v18 =	vadd.f32 v22, v18  }
0x2ef: {  	[tilespmem:$0x1FB70] =	vst v42;
	v42 =	vld [tilespmem:s19+$0x760];
	v22 =	vmul.f32 v24, v24;
	v25 =	vsub.f32 v27, v25;
	v27 =	vperm.xlane v3, v35  }
0x2f0: {  	v38 =	vld [tilespmem:s19+$0x86B0];
	v49 =	vadd.f32 v5, v26;
	[tilespmem:$0x1FBA0] =	vst v7;
	v7 =	vadd.f32 v46, v48  }
0x2f1: {  	v61 =	vld [tilespmem:s19+$0x86C0];
	v53 =	vadd.f32 v3, v27;
	v3 =	vadd.f32 v22, v18;
	v5 =	vmul.f32 v25, v25  }
0x2f2: {  	v1 =	vadd.f32 v1, v0;
	v0 =	vld [tilespmem:s19+$0x86E0];
	v7 =	vsub.f32 v7, v14  }
0x2f3: {  	v2 =	vadd.f32 v6, v2;
	v3 =	vadd.f32 v5, v3;
	v5 =	vld [tilespmem:$0x1FA90]  }
0x2f4: {  	v6 =	vld [tilespmem:s19+$0x6E0];
	v7 =	vmul.f32 v7, v7  }
0x2f5: {  	v2 =	vsub.f32 v2, v44;
	v44 =	vld [tilespmem:s19+$0x86D0]  }
0x2f6: {  	v7 =	vadd.f32 v7, v16;
	v16 =	vadd.f32 v57, v59;
	v24 =	vld [tilespmem:$0x1FA80]  }
0x2f7: {  	v22 =	vld [tilespmem:$0x1FA70]  }
0x2f8: {  	v5 =	vsub.f32 v16, v5;
	v16 =	vld [tilespmem:$0x1FAA0]  }
0x2f9: {  	v60 =	vld [tilespmem:s19+$0x10720]  }
0x2fa: {  	v55 =	vmul.f32 v5, v5;
	v5 =	vld [tilespmem:$0x1FAD0]  }
0x2fb: {  	v26 =	vld [tilespmem:s19+$0x106F0];
	v18 =	vadd.f32 v52, v54  }
0x2fc: {  	v25 =	vld [tilespmem:$0x1FAC0]  }
0x2fd: {  	v24 =	vadd.f32 v22, v24;
	v18 =	vsub.f32 v18, v16;
	v16 =	vld [tilespmem:$0x1FAB0]  }
0x2fe: {  	v14 =	vld [tilespmem:s19+$0x790]  }
0x2ff: {  	v24 =	vsub.f32 v24, v5;
	v5 =	vld [tilespmem:$0x1FAE0]  }
0x300: {  	v11 =	vld [tilespmem:s19+$0x8790]  }
0x301: {  	v30 =	vld [tilespmem:$0x1FB10];
	v27 =	vperm.xlane v3, v23  }
0x302: {  	v48 =	vld [tilespmem:s19+$0x10730];
	v18 =	vmul.f32 v18, v18;
	v25 =	vadd.f32 v16, v25  }
0x303: {  	v46 =	vld [tilespmem:s19+$0x730];
	v27 =	vadd.f32 v3, v27  }
0x304: {  	v3 =	vld [tilespmem:$0x1FAF0];
	v18 =	vadd.f32 v18, v55;
	v24 =	vmul.f32 v24, v24;
	v25 =	vsub.f32 v25, v5  }
0x305: {  	v11 =	vadd.f32 v11, v14;
	v14 =	vld [tilespmem:s19+$0x10670]  }
0x306: {  	v18 =	vadd.f32 v24, v18;
	v24 =	vmul.f32 v25, v25;
	v25 =	vld [tilespmem:$0x1FB00]  }
0x307: {  	v12 =	vmul.f32 v12, v12;
	v11 =	vsub.f32 v11, v62;
	v62 =	vld [tilespmem:s19+$0x6C0]  }
0x308: {  	v18 =	vadd.f32 v24, v18;
	v24 =	vld [tilespmem:$0x1FB30]  }
0x309: {  	v7 =	vadd.f32 v12, v7;
	v12 =	vld [tilespmem:s19+$0x8750];
	v28 =	vadd.f32 v3, v39  }
0x30a: {  	v4 =	vadd.f32 v10, v4;
	v10 =	vmul.f32 v11, v11;
	v11 =	vld [tilespmem:$0x1FB80]  }
0x30b: {  	v17 =	vld [tilespmem:s19+$0x8780];
	v28 =	vsub.f32 v28, v20;
	v25 =	vadd.f32 v25, v30  }
0x30c: {  	v9 =	vld [tilespmem:s19+$0x780]  }
0x30d: {  	v59 =	vld [tilespmem:s19+$0x6F0];
	v63 =	vmul.f32 v28, v28;
	v25 =	vsub.f32 v25, v24  }
0x30e: {  	v12 =	vadd.f32 v12, v37;
	v37 =	vld [tilespmem:s19+$0x680];
	v54 =	vperm.xlane v7, v23  }
0x30f: {  	v52 =	vld [tilespmem:s19+$0x700];
	v15 =	vadd.f32 v63, v15;
	v25 =	vmul.f32 v25, v25  }
0x310: {  	v12 =	vsub.f32 v12, v40;
	v51 =	vadd.f32 v7, v54;
	v30 =	vld [tilespmem:$0x1FB50]  }
0x311: {  	v15 =	vadd.f32 v25, v15;
	v25 =	vld [tilespmem:$0x1FB40]  }
0x312: {  	v9 =	vadd.f32 v17, v9;
	v40 =	vmul.f32 v12, v12;
	v12 =	vld [tilespmem:$0x1FBA0];
	v58 =	vperm.xlane v51, v29  }
0x313: {  	v7 =	vld [tilespmem:s19+$0x10710]  }
0x314: {  	v9 =	vsub.f32 v9, v19;
	v22 =	vld [tilespmem:s19+$0x8740];
	v51 =	vadd.f32 v51, v58  }
0x315: {  	v8 =	vsub.f32 v13, v8;
	v58 =	vadd.f32 v43, v45;
	v43 =	vld [tilespmem:s19+$0x6B0];
	v56 =	vperm.xlane v27, v29  }
0x316: {  	v9 =	vmul.f32 v9, v9;
	v17 =	vperm.xlane v51, v35;
	v25 =	vadd.f32 v25, v30;
	v30 =	vld [tilespmem:$0x1FB60]  }
0x317: {  	v54 =	vadd.f32 v27, v56;
	v27 =	vld [tilespmem:s19+$0x106D0]  }
0x318: {  	v9 =	vadd.f32 v10, v9;
	v10 =	vmul.f32 v8, v8;
	v8 =	vadd.f32 v51, v17;
	v17 =	vld [tilespmem:s19+$0x10690]  }
0x319: {  	v51 =	vld [tilespmem:s19+$0x670]  }
0x31a: {  	v3 =	vld [tilespmem:s19+$0x86F0]  }
0x31b: {  	v1 =	vsub.f32 v1, v50;
	v57 =	vperm.xlane v18, v23;
	v45 =	vsub.f32 v58, v30;
	v30 =	vld [tilespmem:$0x1FB70]  }
0x31c: {  	v5 =	vld [tilespmem:s19+$0x720]  }
0x31d: {  	v1 =	vmul.f32 v1, v1;
	v2 =	vmul.f32 v2, v2;
	v39 =	vld [tilespmem:s19+$0x8700];
	v18 =	vadd.f32 v18, v57  }
0x31e: {  	v20 =	vld [tilespmem:s19+$0x106B0]  }
0x31f: {  	v1 =	vadd.f32 v2, v1;
	v28 =	vld [tilespmem:s19+$0x710];
	v57 =	vperm.xlane v18, v29  }
0x320: {  	v16 =	vld [tilespmem:s19+$0x740];
	v63 =	vperm.xlane v15, v23;
	v2 =	vmul.f32 v45, v45;
	v58 =	vsub.f32 v25, v30  }
0x321: {  	v5 =	vadd.f32 v33, v5;
	v24 =	vld [tilespmem:s19+$0x8710];
	v55 =	vadd.f32 v18, v57  }
0x322: {  	v33 =	vld [tilespmem:s19+$0x620];
	v15 =	vadd.f32 v15, v63;
	v1 =	vadd.f32 v2, v1;
	v2 =	vmul.f32 v58, v58  }
0x323: {  	v4 =	vsub.f32 v4, v11;
	v11 =	vperm.xlane v54, v35;
	v57 =	vld [tilespmem:s19+$0x86A0];
	v19 =	vperm.xlane v55, v35  }
0x324: {  	v18 =	vld [tilespmem:s19+$0x10680];
	v63 =	vadd.f32 v10, v9;
	v1 =	vadd.f32 v2, v1;
	v2 =	vperm.xlane v15, v29  }
0x325: {  	v10 =	vadd.f32 v55, v19;
	v9 =	vadd.f32 v54, v11;
	v54 =	vld [tilespmem:s19+$0x8670]  }
0x326: {  	v19 =	vld [tilespmem:s19+$0x8690];
	v55 =	vadd.f32 v24, v28;
	v2 =	vadd.f32 v15, v2;
	v13 =	vperm.xlane v1, v23  }
0x327: {  	v4 =	vmul.f32 v4, v4;
	v3 =	vadd.f32 v3, v59;
	v24 =	vld [tilespmem:s19+$0x10640]  }
0x328: {  	v59 =	vsub.f32 v55, v7;
	v7 =	vld [tilespmem:s19+$0x8650];
	v15 =	vperm.xlane v2, v35;
	v1 =	vadd.f32 v1, v13  }
0x329: {  	v45 =	vld [tilespmem:s19+$0x6D0];
	v13 =	vadd.f32 v4, v63  }
0x32a: {  	v25 =	vld [tilespmem:s19+$0x106A0];
	v4 =	vperm.xlane v1, v29;
	v11 =	vadd.f32 v2, v15;
	v15 =	vadd.f32 v22, v16  }
0x32b: {  	v58 =	vld [tilespmem:s19+$0x6A0];
	v16 =	vadd.f32 v32, v42;
	v22 =	vperm.xlane v13, v23  }
0x32c: {  	v23 =	vld [tilespmem:$0x1FB90];
	v1 =	vadd.f32 v1, v4;
	v15 =	vsub.f32 v15, v47  }
0x32d: {  	v28 =	vsub.f32 v5, v60;
	v2 =	vld [tilespmem:s19+$0x8630];
	v13 =	vadd.f32 v13, v22  }
0x32e: {  	v32 =	vld [tilespmem:s19+$0x8680];
	v16 =	vsub.f32 v16, v12;
	v22 =	vperm.xlane v1, v35;
	v15 =	vmul.f32 v15, v15  }
0x32f: {  	v60 =	vadd.f32 v61, v62;
	v61 =	vadd.f32 v44, v45;
	v4 =	vld [tilespmem:s19+$0x630]  }
0x330: {  	v35 =	vld [tilespmem:s19+$0x640];
	v12 =	vadd.f32 v1, v22;
	v1 =	vadd.f32 v40, v15;
	v15 =	vmul.f32 v16, v16  }
0x331: {  	v30 =	vadd.f32 v23, v21;
	v23 =	vld [tilespmem:s19+$0x690];
	v21 =	vadd.f32 v31, v46  }
0x332: {  	v31 =	vperm.xlane v13, v29;
	v16 =	vld [tilespmem:$0x1FBB0];
	v15 =	vadd.f32 v15, v1;
	v1 =	vadd.f32 v39, v52  }
0x333: {  	v6 =	vadd.f32 v0, v6;
	v27 =	vsub.f32 v61, v27;
	v29 =	vld [tilespmem:s19+$0x8620]  }
0x334: {  	v13 =	vadd.f32 v13, v31;
	v31 =	vld [tilespmem:s19+$0x660];
	v5 =	vsub.f32 v1, v34  }
0x335: {  	v62 =	vsub.f32 v60, v41;
	v39 =	vmul.f32 v27, v27;
	v27 =	vsub.f32 v6, v36;
	v36 =	vld [tilespmem:s19+$0x610]  }
0x336: {  	p0 =	sne.s32 s21, $0x1F000;
	v1 =	vsub.f32 v3, v26;
	v26 =	vld [tilespmem:s19+$0x650];
	v3 =	vmul.f32 v5, v5;
	v5 =	vmul.f32 v59, v59  }
.Ltmp0:
0x337: {  	v63 =	vadd.f32 v57, v58;
	v34 =	vld [tilespmem:s19+$0x8640];
	v22 =	vsub.f32 v30, v16;
	(pc) =	sbr.rel @p0 .LBB2_2-.Ltmp0, $4  }
0x338: {  	v30 =	vld [tilespmem:s19+$0x8660];
	v0 =	vadd.f32 v5, v3;
	v3 =	vadd.f32 v38, v43  }
0x339: {  	v16 =	vsub.f32 v21, v48;
	v21 =	vld [tilespmem:s19+$0x10650];
	v5 =	vmul.f32 v62, v62  }
0x33a: {  	v6 =	vsub.f32 v63, v25;
	v38 =	vld [tilespmem:s19+$0x8610];
	v3 =	vsub.f32 v3, v20  }
0x33b: {  	s21 =	sadd.s32 $0x1000, s21;
	v5 =	vadd.f32 v39, v5;
	v20 =	vld [tilespmem:s19+$0x8600];
	v39 =	vadd.f32 v54, v51  }
0x33c: {  	v25 =	vld [tilespmem:s19+$0x600];
	v32 =	vadd.f32 v32, v37;
	v19 =	vadd.f32 v19, v23  }
0x33d: {  	v37 =	vld [tilespmem:s19+$0x10610];
	v2 =	vadd.f32 v2, v4;
	v41 =	vadd.f32 v29, v33  }
0x33e: {  	v40 =	vld [tilespmem:s19+$0x10600];
	v45 =	vadd.f32 v34, v35;
	v7 =	vadd.f32 v7, v26  }
0x33f: {  	v43 =	vld [tilespmem:s19+$0x10660];
	v22 =	vmul.f32 v22, v22;
	v39 =	vsub.f32 v39, v14;
	v42 =	vadd.f32 v30, v31  }
0x340: {  	v44 =	vld [tilespmem:s19+$0x10620];
	v28 =	vmul.f32 v28, v28;
	v18 =	vsub.f32 v32, v18;
	v17 =	vsub.f32 v19, v17  }
0x341: {  	v50 =	vld [tilespmem:s19+$0x10630];
	v51 =	vmul.f32 v27, v27;
	v48 =	vadd.f32 v38, v36;
	v20 =	vadd.f32 v20, v25  }
0x342: {  	v6 =	vmul.f32 v6, v6;
	v24 =	vsub.f32 v45, v24;
	v7 =	vsub.f32 v7, v21  }
0x343: {  	v17 =	vmul.f32 v17, v17;
	v52 =	vsub.f32 v48, v37;
	v14 =	vsub.f32 v20, v40  }
0x344: {  	v54 =	vmul.f32 v24, v24;
	v7 =	vmul.f32 v7, v7;
	v55 =	vsub.f32 v42, v43  }
0x345: {  	v19 =	vsub.f32 v41, v44;
	v20 =	vmul.f32 v52, v52;
	v14 =	vmul.f32 v14, v14  }
0x346: {  	v18 =	vmul.f32 v18, v18;
	v2 =	vsub.f32 v2, v50;
	v7 =	vadd.f32 v7, v54  }
0x347: {  	v24 =	vmul.f32 v55, v55;
	v19 =	vmul.f32 v19, v19;
	v14 =	vadd.f32 v20, v14  }
0x348: {  	v57 =	vld [tilespmem:$0x1FFC0];
	v5 =	vadd.f32 v51, v5;
	v4 =	vmul.f32 v39, v39;
	v17 =	vadd.f32 v17, v18  }
0x349: {  	v46 =	vld [tilespmem:$0x1FFE0];
	v2 =	vmul.f32 v2, v2;
	v7 =	vadd.f32 v24, v7;
	v14 =	vadd.f32 v19, v14  }
0x34a: {  	v3 =	vmul.f32 v3, v3;
	v0 =	vadd.f32 v28, v0;
	v6 =	vadd.f32 v6, v17  }
0x34b: {  	v1 =	vmul.f32 v1, v1;
	v4 =	vadd.f32 v4, v7;
	v2 =	vadd.f32 v2, v14  }
0x34c: {  	v56 =	vmul.f32 v16, v16;
	v61 =	vadd.f32 v22, v15;
	v21 =	vld [tilespmem:$0x1FFD0];
	v3 =	vadd.f32 v3, v6  }
0x34d: {  	v1 =	vadd.f32 v1, v5;
	v59 =	vperm.xlane v4, v57;
	v58 =	vperm.xlane v2, v57  }
0x34e: {  	v0 =	vadd.f32 v56, v0;
	v47 =	vperm.xlane v13, v46;
	v60 =	vperm.xlane v3, v57  }
0x34f: {  	v62 =	vperm.xlane v1, v57;
	v4 =	vadd.f32 v4, v59;
	v2 =	vadd.f32 v2, v58  }
0x350: {  	v63 =	vperm.xlane v0, v57;
	v20 =	vperm.xlane v61, v57;
	v3 =	vadd.f32 v3, v60  }
0x351: {  	v1 =	vadd.f32 v1, v62;
	v23 =	vperm.xlane v4, v21;
	v22 =	vperm.xlane v2, v21  }
0x352: {  	v0 =	vadd.f32 v0, v63;
	v25 =	vadd.f32 v61, v20;
	v24 =	vperm.xlane v3, v21  }
0x353: {  	v27 =	vperm.xlane v1, v21;
	v4 =	vadd.f32 v4, v23;
	v2 =	vadd.f32 v2, v22  }
0x354: {  	v32 =	vld [tilespmem:$0x1FFF0];
	v28 =	vperm.xlane v0, v21;
	v14 =	vperm.xlane v25, v21;
	v3 =	vadd.f32 v3, v24  }
0x355: {  	v1 =	vadd.f32 v1, v27;
	v16 =	vperm.xlane v4, v46;
	v15 =	vperm.xlane v2, v46  }
0x356: {  	v0 =	vadd.f32 v0, v28;
	v5 =	vadd.f32 v25, v14;
	v29 =	vperm.xlane v3, v46  }
0x357: {  	v30 =	vperm.xlane v1, v46;
	v4 =	vadd.f32 v4, v16;
	v2 =	vadd.f32 v2, v15  }
0x358: {  	v31 =	vperm.xlane v0, v46;
	v14 =	vperm.xlane v5, v46;
	v3 =	vadd.f32 v3, v29  }
0x359: {  	v1 =	vadd.f32 v1, v30;
	v16 =	vperm.xlane v4, v32;
	v15 =	vperm.xlane v2, v32  }
0x35a: {  	v0 =	vadd.f32 v0, v31;
	v5 =	vadd.f32 v5, v14;
	v33 =	vperm.xlane v3, v32  }
0x35b: {  	v34 =	vperm.xlane v1, v32;
	v4 =	vadd.f32 v4, v16;
	v2 =	vadd.f32 v2, v15  }
0x35c: {  	v13 =	vadd.f32 v13, v47;
	v35 =	vperm.xlane v0, v32;
	v3 =	vadd.f32 v3, v33  }
0x35d: {  	v1 =	vadd.f32 v1, v34;
	v36 =	vperm.xlane v5, v32;
	v2 =	vsel vm0, v2, v4  }
0x35e: {  	v37 =	vperm.xlane v13, v32;
	v0 =	vadd.f32 v0, v35;
	v2 =	vsel vm1, v2, v3  }
0x35f: {  	v39 =	vperm.xlane v12, v32;
	v38 =	vadd.f32 v5, v36;
	v1 =	vsel vm2, v2, v1  }
0x360: {  	v41 =	vperm.xlane v11, v32;
	v40 =	vadd.f32 v13, v37;
	v0 =	vsel vm3, v1, v0  }
0x361: {  	v43 =	vperm.xlane v10, v32;
	v55 =	vld [tilespmem:$0x1FDB0];
	v42 =	vadd.f32 v12, v39;
	v0 =	vsel vm4, v0, v38  }
0x362: {  	v45 =	vperm.xlane v9, v32;
	v44 =	vadd.f32 v11, v41;
	v58 =	vld [tilespmem:$0x1FD90];
	v0 =	vsel vm5, v0, v40  }
0x363: {  	v47 =	vperm.xlane v8, v32;
	v46 =	vadd.f32 v10, v43;
	v0 =	vsel vm6, v0, v42  }
0x364: {  	v50 =	vperm.xlane v53, v32;
	v48 =	vadd.f32 v9, v45;
	v0 =	vsel vm7, v0, v44  }
0x365: {  	v52 =	vperm.xlane v49, v32;
	v51 =	vadd.f32 v8, v47;
	v0 =	vsel vm8, v0, v46  }
0x366: {  	v54 =	vadd.f32 v53, v50;
	v56 =	vperm.xlane v55, v32;
	v0 =	vsel vm9, v0, v48  }
0x367: {  	v57 =	vadd.f32 v49, v52;
	v59 =	vperm.xlane v58, v32;
	v0 =	vsel vm10, v0, v51  }
0x368: {  	v60 =	vadd.f32 v55, v56;
	v0 =	vsel vm11, v0, v54  }
0x369: {  	v61 =	vadd.f32 v58, v59;
	v0 =	vsel vm12, v0, v57  }
0x36a: {  	v0 =	vsel vm13, v0, v60  }
0x36b: {  	v0 =	vsel vm14, v0, v61  }
0x36c: {  	v62 =	vshrl.u32 v0, $0x1;
	v2 =	vmul.f32 $5.000000000e-01, v0  }
0x36d: {  	v1 =	vsub.s32 $0x5F3759DF, v62  }
0x36e: {  	v63 =	vmul.f32 v1, v2;
	_ =	sdelay $0x1  }
0x36f: {  	v3 =	vmul.f32 v1, v63;
	_ =	sdelay $0x1  }
0x370: {  	v3 =	vsub.f32 $1.500000000e+00, v3;
	_ =	sdelay $0x1  }
0x371: {  	v1 =	vmul.f32 v1, v3;
	_ =	sdelay $0x1  }
0x372: {  	v3 =	vmul.f32 v1, v2;
	_ =	sdelay $0x1  }
0x373: {  	v3 =	vmul.f32 v3, v1;
	_ =	sdelay $0x1  }
0x374: {  	v3 =	vsub.f32 $1.500000000e+00, v3;
	_ =	sdelay $0x1  }
0x375: {  	v1 =	vmul.f32 v3, v1;
	_ =	sdelay $0x1  }
0x376: {  	v2 =	vmul.f32 v1, v2;
	_ =	sdelay $0x1  }
0x377: {  	v2 =	vmul.f32 v2, v1;
	_ =	sdelay $0x1  }
0x378: {  	v2 =	vsub.f32 $1.500000000e+00, v2;
	_ =	sdelay $0x1  }
0x379: {  	v1 =	vmul.f32 v2, v1;
	_ =	sdelay $0x1  }
0x37a: {  	s18 =	sadd.s32 $0x1, s18;
	v0 =	vmul.f32 v1, v0  }
0x37b: {  	s31 =	sadd.s32 $0x10, s20;
	p0 =	sne.s32 s18, s9  }
.Ltmp1:
0x37c: {  	[tilespmem:s31+$0x0] =	vst v0;
	(pc) =	sbr.rel @p0 .LBB2_1-.Ltmp1, $4  }
0x37d: {  	[hbm4b:s8+s1] =	stream.linear.scatter [tilespmem:s17], [sflag:$0x2], $0x200, $0x38;
	[tilespmem:$0x18800] =	vst v63  }
0x37e: {  	_ =	swait.ge [sflag:s10], $0x200  }
0x37f: {  	[sflag:s10] =	ssyncset.done $0x0  }
0x380: {  	[sflag:s10] =	ssyncadd.s32 $0xFFFFFE00  }
0x381: {  	_ =	sfence.sel $0x180000  }
0x382: {  	[bflag:$0x0] =	sbarrier.arrive $0xFFFF  }
0x383: {  	p0 =	sne.s32 s2, $0x0;
	_ =	strace $0x90000047  }
0x384: {  	s0 =	sadd.s32 @!p0 $0x100000, s0;
	[bflag:$0x2] =	sbarrier.arrive $0xFFFF  }
0x385: {  	[sflag:s0] =	ssyncadd.tile.s32 @!p0 $0x1;
	_ =	shalt  }
.Lfunc_end2:
_tile_overlayer_lowered:
.L_overlay_start_2:
0x386: {  	(tag) =	ssettag $0x2  }
0x387: {  	s0 =	rddreg [dreg:$0x0];
	s2 =	stileid.u32  }
0x388: {  	s1 =	rddreg [dreg:$0x1];
	p0 =	sne.s32 s2, $0x0  }
0x389: {  	s3 =	rddreg [dreg:$0x2];
	[bflag:$0x3] =	sbarrier.arrive $0xFFFF;
	s2 =	simm.s32 @!p0 $0x1C02  }
0x38a: {  	[timem:s3], [sflag:s2] =	dma.local @!p0 [hbm:s0], s1  }
0x38b: {  	s0 =	simm.s32 @!p0 $0x2  }
0x38c: {  	_ =	swait.ge @!p0 [sflag:s0], s1  }
0x38d: {  	s1 =	ssub.s32 @!p0 $0x0, s1;
	[sflag:s0] =	ssyncset.done @!p0 $0x0  }
0x38e: {  	[sflag:s0] =	ssyncadd.s32 @!p0 s1  }
0x38f: {  	[bflag:$0x3] =	sbarrier.arrive $0xFFFF  }
0x390: {  	_ =	shalt  }

</sc_bundles>
